<compile_context>
chip_gen: v7x
topology: tpu7x:2x2x1
jax: 0.10.2.dev20260603
libtpu: 0.0.44.dev20260713+nightly
codegen_flags: <defaults>
</compile_context>

<pallas_src>
import functools

import jax
import jax.numpy as jnp
from jax import lax
from jax.experimental import pallas as pl
from jax.experimental.pallas import tpu as pltpu
from jax.experimental.pallas import tpu_sc as plsc

N = 10000
E = 320000
D = 128
HALF = 64
NSUB = 16
CHUNK = 64
NCHUNKS = E // CHUNK
CPS = 320
CPS_LAST = NCHUNKS - 15 * CPS
NODE_PER_SUB = 624
WB = 104
TAIL0 = NSUB * NODE_PER_SUB
NBUF = 10
GDEPTH = 8
SLAG = 2

_mesh = plsc.VectorSubcoreMesh(core_axis_name="c", subcore_axis_name="s")


@functools.partial(
    pl.kernel,
    mesh=_mesh,
    out_type=jax.ShapeDtypeStruct((N, D), jnp.float32),
    scratch_types=[
        pltpu.VMEM((CPS, CHUNK), jnp.int32),
        pltpu.VMEM((CPS, CHUNK), jnp.int32),
        [pltpu.VMEM((CHUNK, HALF), jnp.float32) for _ in range(NBUF)],
        pltpu.VMEM((WB, HALF), jnp.float32),
        pltpu.VMEM_SHARED((N, HALF), jnp.float32),
        [pltpu.SemaphoreType.DMA for _ in range(NBUF)],
        [pltpu.SemaphoreType.DMA for _ in range(NBUF)],
    ],
    compiler_params=pltpu.CompilerParams(use_tc_tiling_on_sc=False),
)
def _sc_agg(xflat, comb, out, gidx, didx, bufs, bounce, acc, gsems, ssems):
    c = lax.axis_index("c")
    s = lax.axis_index("s")

    ncs = jnp.where(s == NSUB - 1, CPS_LAST, CPS)

    @pl.when(s < NSUB - 1)
    def _stage_full():
        pltpu.sync_copy(comb.at[0, pl.ds(s * CPS, CPS)], gidx)
        pltpu.sync_copy(comb.at[1, pl.ds(s * CPS, CPS)], didx)

    @pl.when(s == NSUB - 1)
    def _stage_last():
        pltpu.sync_copy(comb.at[0, pl.ds(15 * CPS, CPS_LAST)], gidx.at[pl.ds(0, CPS_LAST)])
        pltpu.sync_copy(comb.at[1, pl.ds(15 * CPS, CPS_LAST)], didx.at[pl.ds(0, CPS_LAST)])

    zv = jnp.zeros((16,), jnp.float32)

    @pl.loop(0, WB)
    def _zrow(r):
        for q in range(HALF // 16):
            bounce[r, pl.ds(q * 16, 16)] = zv

    @pl.when(c == 1)
    def _shift_gidx():
        @pl.loop(0, CPS)
        def _grow(r):
            for q in range(CHUNK // 16):
                v = gidx[r, pl.ds(q * 16, 16)]
                gidx[r, pl.ds(q * 16, 16)] = v + 1

    for k in range(NODE_PER_SUB // WB):
        r0 = s * NODE_PER_SUB + k * WB
        pltpu.sync_copy(bounce, acc.at[pl.ds(r0, WB)])

    @pl.when(s == 0)
    def _zero_tail():
        pltpu.sync_copy(bounce.at[pl.ds(0, N - TAIL0)], acc.at[pl.ds(TAIL0, N - TAIL0)])

    plsc.subcore_barrier()

    def gather_start(j, b):
        pltpu.make_async_copy(xflat.at[gidx.at[j]], bufs[b], gsems[b]).start()

    def gather_wait(j, b):
        pltpu.make_async_copy(xflat.at[gidx.at[j]], bufs[b], gsems[b]).wait()

    def scatter_start(j, b):
        pltpu.async_copy(bufs[b], acc.at[didx.at[j]], ssems[b], add=True)

    def scatter_wait(j, b):
        pltpu.make_async_copy(bufs[b], acc.at[didx.at[j]], ssems[b]).wait()

    for b0 in range(GDEPTH):
        gather_start(b0, b0)

    @pl.loop(0, ncs, step=NBUF)
    def _edge_loop(j):
        for b in range(NBUF):
            jj = j + b
            gather_wait(jj, b)
            scatter_start(jj, b)

            @pl.when(jj >= SLAG)
            def _():
                scatter_wait(jj - SLAG, (b - SLAG) % NBUF)

            @pl.when(jj + GDEPTH < ncs)
            def _():
                gather_start(jj + GDEPTH, (b + GDEPTH) % NBUF)

    for dt in range(SLAG):
        scatter_wait(ncs - SLAG + dt, (NBUF - SLAG + dt) % NBUF)

    plsc.subcore_barrier()

    for k in range(NODE_PER_SUB // WB):
        r0 = s * NODE_PER_SUB + k * WB
        pltpu.sync_copy(acc.at[pl.ds(r0, WB)], bounce)
        pltpu.sync_copy(bounce, out.at[pl.ds(r0, WB), pl.ds(c * HALF, HALF)])

    @pl.when(s == 0)
    def _wb_tail():
        pltpu.sync_copy(acc.at[pl.ds(TAIL0, N - TAIL0)], bounce.at[pl.ds(0, N - TAIL0)])
        pltpu.sync_copy(bounce.at[pl.ds(0, N - TAIL0)],
                        out.at[pl.ds(TAIL0, N - TAIL0), pl.ds(c * HALF, HALF)])


BLK = 2000


def _mlp_body(eps_ref, x_ref, agg_ref, w1_ref, b1_ref, w2_ref, b2_ref,
              w3_ref, b3_ref, w4_ref, b4_ref, o_ref):
    e = eps_ref[0]
    h = agg_ref[...] + (1.0 + e) * x_ref[...]
    h1 = jnp.maximum(
        jnp.dot(h, w1_ref[...], preferred_element_type=jnp.float32) + b1_ref[...], 0.0)
    h2 = jnp.dot(h1, w2_ref[...], preferred_element_type=jnp.float32) + b2_ref[...]
    h3 = jnp.maximum(
        jnp.dot(h2, w3_ref[...], preferred_element_type=jnp.float32) + b3_ref[...], 0.0)
    h4 = jnp.dot(h3, w4_ref[...], preferred_element_type=jnp.float32) + b4_ref[...]
    o_ref[...] = 1.0 / (1.0 + jnp.exp(-h4))


def _mlp(eps1, x, agg, W1, b1, W2, b2, W3, b3, W4, b4):
    row_spec = pl.BlockSpec((BLK, D), lambda i: (i, 0))
    w_spec = pl.BlockSpec((D, D), lambda i: (0, 0))
    b_spec = pl.BlockSpec((1, D), lambda i: (0, 0))
    return pl.pallas_call(
        _mlp_body,
        grid=(N // BLK,),
        in_specs=[
            pl.BlockSpec(memory_space=pltpu.SMEM),
            row_spec, row_spec,
            w_spec, b_spec, w_spec, b_spec,
            w_spec, b_spec, w_spec, b_spec,
        ],
        out_specs=row_spec,
        out_shape=jax.ShapeDtypeStruct((N, D), jnp.float32),
    )(eps1, x, agg, W1, b1, W2, b2, W3, b3, W4, b4)


def kernel(x, edge_index, eps, W1, b1, W2, b2, W3, b3, W4, b4):
    ei = edge_index.astype(jnp.int32)
    comb = (ei * jnp.array([[2], [1]], jnp.int32)).reshape(2, NCHUNKS, CHUNK)
    xflat = x.reshape(2 * N, HALF)
    agg = _sc_agg(xflat, comb)
    eps1 = jnp.reshape(eps, (1,)).astype(jnp.float32)
    return _mlp(eps1, x, agg,
                W1, b1.reshape(1, D), W2, b2.reshape(1, D),
                W3, b3.reshape(1, D), W4, b4.reshape(1, D))

# --- scband reference (transcript-rebuilt; emitter-appended) ---
"""Pipeline reference for scband-ginnet-7052336300584 (READ-ONLY COPY).

The authoritative reference and input builder live on the scoring server;
editing this copy changes nothing except your own understanding.
"""

import jax, jax.numpy as jnp
import numpy as np

N_NODES = 10000
N_EDGES = 320000
D = 128
HID = 128
OUT = 128


def setup_inputs(seed: int = 0) -> dict:
    key = jax.random.key(seed)
    ks = jax.random.split(key, 12)
    x = jax.random.normal(ks[0], (N_NODES, D), dtype=jnp.float32)
    edge_index = jax.random.randint(ks[1], (2, N_EDGES), 0, N_NODES, dtype=jnp.int64)
    s = 1.0 / np.sqrt(D)
    sh = 1.0 / np.sqrt(HID)
    # GINConv inner MLP: Linear(D->HID), ReLU, Linear(HID->D)
    W1 = jax.random.normal(ks[2], (D, HID), dtype=jnp.float32) * s
    b1 = jnp.zeros((HID,), dtype=jnp.float32)
    W2 = jax.random.normal(ks[3], (HID, D), dtype=jnp.float32) * sh
    b2 = jnp.zeros((D,), dtype=jnp.float32)
    # outer MLP (num_layers=2): Linear(D->HID), ReLU, Linear(HID->OUT)
    W3 = jax.random.normal(ks[4], (D, HID), dtype=jnp.float32) * s
    b3 = jnp.zeros((HID,), dtype=jnp.float32)
    W4 = jax.random.normal(ks[5], (HID, OUT), dtype=jnp.float32) * sh
    b4 = jnp.zeros((OUT,), dtype=jnp.float32)
    eps = jnp.zeros((), dtype=jnp.float32)  # train_eps=True, init 0
    return {"x": x, "edge_index": edge_index, "eps": eps,
            "W1": W1, "b1": b1, "W2": W2, "b2": b2,
            "W3": W3, "b3": b3, "W4": W4, "b4": b4}


def reference(x, edge_index, eps, W1, b1, W2, b2, W3, b3, W4, b4):
    src = edge_index[0]
    dst = edge_index[1]
    # GIN aggregation: sum of source-node features into destination nodes
    msg = jnp.take(x, src, axis=0)                       # gather [E, D]
    agg = jax.ops.segment_sum(msg, dst, num_segments=N_NODES)  # scatter-add [N, D]
    h = (1.0 + eps) * x + agg
    # inner MLP
    h = jax.nn.relu(h @ W1 + b1) @ W2 + b2
    # outer MLP + sigmoid
    out = jax.nn.relu(h @ W3 + b3) @ W4 + b4
    return jax.nn.sigmoid(out)

if __name__ == "__main__":
    import jax
    _d = setup_inputs()
    print(jax.jit(kernel)(*tuple(_d.values())))

</pallas_src>

<mosaic_0001>
#map = affine_map<(d0, d1) -> (0, 0)>
#map1 = affine_map<(d0, d1) -> (0, 0, 0)>
module attributes {stable_mosaic.version = 14 : i64} {
  func.func @_sc_agg(%arg0: i32, %arg1: i32, %arg2: memref<20000x64xf32, #tpu.memory_space<hbm>>, %arg3: memref<2x5000x64xi32, #tpu.memory_space<hbm>>, %arg4: memref<10000x128xf32, #tpu.memory_space<hbm>>, %arg5: memref<320x64xi32, #tpu.memory_space<vmem>>, %arg6: memref<320x64xi32, #tpu.memory_space<vmem>>, %arg7: memref<64x64xf32, #tpu.memory_space<vmem>>, %arg8: memref<64x64xf32, #tpu.memory_space<vmem>>, %arg9: memref<64x64xf32, #tpu.memory_space<vmem>>, %arg10: memref<64x64xf32, #tpu.memory_space<vmem>>, %arg11: memref<64x64xf32, #tpu.memory_space<vmem>>, %arg12: memref<64x64xf32, #tpu.memory_space<vmem>>, %arg13: memref<64x64xf32, #tpu.memory_space<vmem>>, %arg14: memref<64x64xf32, #tpu.memory_space<vmem>>, %arg15: memref<64x64xf32, #tpu.memory_space<vmem>>, %arg16: memref<64x64xf32, #tpu.memory_space<vmem>>, %arg17: memref<104x64xf32, #tpu.memory_space<vmem>>, %arg18: memref<10000x64xf32, #tpu.memory_space<vmem_shared>>, %arg19: memref<!tpu.dma_semaphore, #tpu.memory_space<semaphore_mem>>, %arg20: memref<!tpu.dma_semaphore, #tpu.memory_space<semaphore_mem>>, %arg21: memref<!tpu.dma_semaphore, #tpu.memory_space<semaphore_mem>>, %arg22: memref<!tpu.dma_semaphore, #tpu.memory_space<semaphore_mem>>, %arg23: memref<!tpu.dma_semaphore, #tpu.memory_space<semaphore_mem>>, %arg24: memref<!tpu.dma_semaphore, #tpu.memory_space<semaphore_mem>>, %arg25: memref<!tpu.dma_semaphore, #tpu.memory_space<semaphore_mem>>, %arg26: memref<!tpu.dma_semaphore, #tpu.memory_space<semaphore_mem>>, %arg27: memref<!tpu.dma_semaphore, #tpu.memory_space<semaphore_mem>>, %arg28: memref<!tpu.dma_semaphore, #tpu.memory_space<semaphore_mem>>, %arg29: memref<!tpu.dma_semaphore, #tpu.memory_space<semaphore_mem>>, %arg30: memref<!tpu.dma_semaphore, #tpu.memory_space<semaphore_mem>>, %arg31: memref<!tpu.dma_semaphore, #tpu.memory_space<semaphore_mem>>, %arg32: memref<!tpu.dma_semaphore, #tpu.memory_space<semaphore_mem>>, %arg33: memref<!tpu.dma_semaphore, #tpu.memory_space<semaphore_mem>>, %arg34: memref<!tpu.dma_semaphore, #tpu.memory_space<semaphore_mem>>, %arg35: memref<!tpu.dma_semaphore, #tpu.memory_space<semaphore_mem>>, %arg36: memref<!tpu.dma_semaphore, #tpu.memory_space<semaphore_mem>>, %arg37: memref<!tpu.dma_semaphore, #tpu.memory_space<semaphore_mem>>, %arg38: memref<!tpu.dma_semaphore, #tpu.memory_space<semaphore_mem>>) attributes {dimension_semantics = [#tpu.dimension_semantics<core_parallel>, #tpu.dimension_semantics<subcore_parallel>], iteration_bounds = array<i64: 2, 16>, scalar_prefetch = 0 : i64, scratch_operands = 34 : i64, tpu.core_type = #tpu.core_type<sc_vector_subcore>, window_params = [{transform_indices = #map}, {transform_indices = #map1}, {transform_indices = #map}]} {
    %eq3A = arith.constant 15 : i32
    %eq3A_0 = arith.cmpi eq, %arg1, %eq3A : i32
    %jit3A = arith.constant 200 : i32
    %jit3A_1 = arith.constant 320 : i32
    %select_n3A = arith.select %eq3A_0, %jit3A, %jit3A_1 : i32
    %lt3A = arith.constant 15 : i32
    %lt3A_2 = arith.cmpi slt, %arg1, %lt3A : i32
    %convert_element_type3A = arith.extui %lt3A_2 : i1 to i32
    %cond3A = arith.constant 0 : i32
    %cond3A_3 = arith.cmpi ne, %convert_element_type3A, %cond3A : i32
    scf.if %cond3A_3 {
      %mul3A_178 = arith.constant 320 : i32
      %mul3A_179 = arith.muli %arg1, %mul3A_178 : i32
      %run_scoped3A = arith.constant 0 : i32
      "tpu.region"() ({
        %run_scoped3A_183 = tpu.sem_alloc : memref<!tpu.dma_semaphore, #tpu.memory_space<semaphore_mem>>
        %dma_start3A_184 = arith.constant 0 : i32
        %dma_start3A_185 = tpu.memref_slice %arg3[%run_scoped3A, %mul3A_179, %dma_start3A_184] : memref<2x5000x64xi32, #tpu.memory_space<hbm>> -> memref<1x320x64xi32, #tpu.memory_space<hbm>>
        %dma_start3A_186 = tpu.memref_squeeze %dma_start3A_185 : memref<1x320x64xi32, #tpu.memory_space<hbm>> -> memref<320x64xi32, #tpu.memory_space<hbm>>
        %dma_start3A_187 = arith.constant 0 : i32
        %dma_start3A_188 = tpu.memref_slice %arg3[%run_scoped3A, %mul3A_179, %dma_start3A_187] : memref<2x5000x64xi32, #tpu.memory_space<hbm>> -> memref<1x320x64xi32, #tpu.memory_space<hbm>>
        %dma_start3A_189 = tpu.memref_squeeze %dma_start3A_188 : memref<1x320x64xi32, #tpu.memory_space<hbm>> -> memref<320x64xi32, #tpu.memory_space<hbm>>
        tpu.enqueue_dma source(%dma_start3A_189 : memref<320x64xi32, #tpu.memory_space<hbm>>) target(%arg5 : memref<320x64xi32, #tpu.memory_space<vmem>>) target_semaphore(%run_scoped3A_183 : memref<!tpu.dma_semaphore, #tpu.memory_space<semaphore_mem>>)
        %dma_wait3A_190 = arith.constant 0 : i32
        %dma_wait3A_191 = tpu.memref_slice %arg3[%run_scoped3A, %mul3A_179, %dma_wait3A_190] : memref<2x5000x64xi32, #tpu.memory_space<hbm>> -> memref<1x320x64xi32, #tpu.memory_space<hbm>>
        %dma_wait3A_192 = tpu.memref_squeeze %dma_wait3A_191 : memref<1x320x64xi32, #tpu.memory_space<hbm>> -> memref<320x64xi32, #tpu.memory_space<hbm>>
        %dma_wait3A_193 = arith.constant 0 : i32
        %dma_wait3A_194 = tpu.memref_slice %arg3[%run_scoped3A, %mul3A_179, %dma_wait3A_193] : memref<2x5000x64xi32, #tpu.memory_space<hbm>> -> memref<1x320x64xi32, #tpu.memory_space<hbm>>
        %dma_wait3A_195 = tpu.memref_squeeze %dma_wait3A_194 : memref<1x320x64xi32, #tpu.memory_space<hbm>> -> memref<320x64xi32, #tpu.memory_space<hbm>>
        tpu.wait_dma2 semaphore(%run_scoped3A_183 : memref<!tpu.dma_semaphore, #tpu.memory_space<semaphore_mem>>) src(%dma_wait3A_195 : memref<320x64xi32, #tpu.memory_space<hbm>>) dst(%arg5 : memref<320x64xi32, #tpu.memory_space<vmem>>)
        tpu.yield
      }) : () -> ()
      %mul3A_180 = arith.constant 320 : i32
      %mul3A_181 = arith.muli %arg1, %mul3A_180 : i32
      %run_scoped3A_182 = arith.constant 1 : i32
      "tpu.region"() ({
        %run_scoped3A_183 = tpu.sem_alloc : memref<!tpu.dma_semaphore, #tpu.memory_space<semaphore_mem>>
        %dma_start3A_184 = arith.constant 0 : i32
        %dma_start3A_185 = tpu.memref_slice %arg3[%run_scoped3A_182, %mul3A_181, %dma_start3A_184] : memref<2x5000x64xi32, #tpu.memory_space<hbm>> -> memref<1x320x64xi32, #tpu.memory_space<hbm>>
        %dma_start3A_186 = tpu.memref_squeeze %dma_start3A_185 : memref<1x320x64xi32, #tpu.memory_space<hbm>> -> memref<320x64xi32, #tpu.memory_space<hbm>>
        %dma_start3A_187 = arith.constant 0 : i32
        %dma_start3A_188 = tpu.memref_slice %arg3[%run_scoped3A_182, %mul3A_181, %dma_start3A_187] : memref<2x5000x64xi32, #tpu.memory_space<hbm>> -> memref<1x320x64xi32, #tpu.memory_space<hbm>>
        %dma_start3A_189 = tpu.memref_squeeze %dma_start3A_188 : memref<1x320x64xi32, #tpu.memory_space<hbm>> -> memref<320x64xi32, #tpu.memory_space<hbm>>
        tpu.enqueue_dma source(%dma_start3A_189 : memref<320x64xi32, #tpu.memory_space<hbm>>) target(%arg6 : memref<320x64xi32, #tpu.memory_space<vmem>>) target_semaphore(%run_scoped3A_183 : memref<!tpu.dma_semaphore, #tpu.memory_space<semaphore_mem>>)
        %dma_wait3A_190 = arith.constant 0 : i32
        %dma_wait3A_191 = tpu.memref_slice %arg3[%run_scoped3A_182, %mul3A_181, %dma_wait3A_190] : memref<2x5000x64xi32, #tpu.memory_space<hbm>> -> memref<1x320x64xi32, #tpu.memory_space<hbm>>
        %dma_wait3A_192 = tpu.memref_squeeze %dma_wait3A_191 : memref<1x320x64xi32, #tpu.memory_space<hbm>> -> memref<320x64xi32, #tpu.memory_space<hbm>>
        %dma_wait3A_193 = arith.constant 0 : i32
        %dma_wait3A_194 = tpu.memref_slice %arg3[%run_scoped3A_182, %mul3A_181, %dma_wait3A_193] : memref<2x5000x64xi32, #tpu.memory_space<hbm>> -> memref<1x320x64xi32, #tpu.memory_space<hbm>>
        %dma_wait3A_195 = tpu.memref_squeeze %dma_wait3A_194 : memref<1x320x64xi32, #tpu.memory_space<hbm>> -> memref<320x64xi32, #tpu.memory_space<hbm>>
        tpu.wait_dma2 semaphore(%run_scoped3A_183 : memref<!tpu.dma_semaphore, #tpu.memory_space<semaphore_mem>>) src(%dma_wait3A_195 : memref<320x64xi32, #tpu.memory_space<hbm>>) dst(%arg6 : memref<320x64xi32, #tpu.memory_space<vmem>>)
        tpu.yield
      }) : () -> ()
    } else {
    }
    %eq3A_4 = arith.constant 15 : i32
    %eq3A_5 = arith.cmpi eq, %arg1, %eq3A_4 : i32
    %convert_element_type3A_6 = arith.extui %eq3A_5 : i1 to i32
    %cond3A_7 = arith.constant 0 : i32
    %cond3A_8 = arith.cmpi ne, %convert_element_type3A_6, %cond3A_7 : i32
    scf.if %cond3A_8 {
      %run_scoped3A = arith.constant 0 : i32
      "tpu.region"() ({
        %run_scoped3A_179 = tpu.sem_alloc : memref<!tpu.dma_semaphore, #tpu.memory_space<semaphore_mem>>
        %dma_start3A_180 = arith.constant 0 : i32
        %dma_start3A_181 = arith.constant 0 : i32
        %dma_start3A_182 = tpu.memref_slice %arg5[%dma_start3A_180, %dma_start3A_181] : memref<320x64xi32, #tpu.memory_space<vmem>> -> memref<200x64xi32, #tpu.memory_space<vmem>>
        %dma_start3A_183 = arith.constant 4800 : i32
        %dma_start3A_184 = arith.constant 0 : i32
        %dma_start3A_185 = tpu.memref_slice %arg3[%run_scoped3A, %dma_start3A_183, %dma_start3A_184] : memref<2x5000x64xi32, #tpu.memory_space<hbm>> -> memref<1x200x64xi32, #tpu.memory_space<hbm>>
        %dma_start3A_186 = tpu.memref_squeeze %dma_start3A_185 : memref<1x200x64xi32, #tpu.memory_space<hbm>> -> memref<200x64xi32, #tpu.memory_space<hbm>>
        %dma_start3A_187 = arith.constant 0 : i32
        %dma_start3A_188 = arith.constant 0 : i32
        %dma_start3A_189 = tpu.memref_slice %arg5[%dma_start3A_187, %dma_start3A_188] : memref<320x64xi32, #tpu.memory_space<vmem>> -> memref<200x64xi32, #tpu.memory_space<vmem>>
        %dma_start3A_190 = arith.constant 4800 : i32
        %dma_start3A_191 = arith.constant 0 : i32
        %dma_start3A_192 = tpu.memref_slice %arg3[%run_scoped3A, %dma_start3A_190, %dma_start3A_191] : memref<2x5000x64xi32, #tpu.memory_space<hbm>> -> memref<1x200x64xi32, #tpu.memory_space<hbm>>
        %dma_start3A_193 = tpu.memref_squeeze %dma_start3A_192 : memref<1x200x64xi32, #tpu.memory_space<hbm>> -> memref<200x64xi32, #tpu.memory_space<hbm>>
        tpu.enqueue_dma source(%dma_start3A_193 : memref<200x64xi32, #tpu.memory_space<hbm>>) target(%dma_start3A_189 : memref<200x64xi32, #tpu.memory_space<vmem>>) target_semaphore(%run_scoped3A_179 : memref<!tpu.dma_semaphore, #tpu.memory_space<semaphore_mem>>)
        %dma_wait3A_194 = arith.constant 0 : i32
        %dma_wait3A_195 = arith.constant 0 : i32
        %dma_wait3A_196 = tpu.memref_slice %arg5[%dma_wait3A_194, %dma_wait3A_195] : memref<320x64xi32, #tpu.memory_space<vmem>> -> memref<200x64xi32, #tpu.memory_space<vmem>>
        %dma_wait3A_197 = arith.constant 4800 : i32
        %dma_wait3A_198 = arith.constant 0 : i32
        %dma_wait3A_199 = tpu.memref_slice %arg3[%run_scoped3A, %dma_wait3A_197, %dma_wait3A_198] : memref<2x5000x64xi32, #tpu.memory_space<hbm>> -> memref<1x200x64xi32, #tpu.memory_space<hbm>>
        %dma_wait3A_200 = tpu.memref_squeeze %dma_wait3A_199 : memref<1x200x64xi32, #tpu.memory_space<hbm>> -> memref<200x64xi32, #tpu.memory_space<hbm>>
        %dma_wait3A_201 = arith.constant 0 : i32
        %dma_wait3A_202 = arith.constant 0 : i32
        %dma_wait3A_203 = tpu.memref_slice %arg5[%dma_wait3A_201, %dma_wait3A_202] : memref<320x64xi32, #tpu.memory_space<vmem>> -> memref<200x64xi32, #tpu.memory_space<vmem>>
        %dma_wait3A_204 = arith.constant 4800 : i32
        %dma_wait3A_205 = arith.constant 0 : i32
        %dma_wait3A_206 = tpu.memref_slice %arg3[%run_scoped3A, %dma_wait3A_204, %dma_wait3A_205] : memref<2x5000x64xi32, #tpu.memory_space<hbm>> -> memref<1x200x64xi32, #tpu.memory_space<hbm>>
        %dma_wait3A_207 = tpu.memref_squeeze %dma_wait3A_206 : memref<1x200x64xi32, #tpu.memory_space<hbm>> -> memref<200x64xi32, #tpu.memory_space<hbm>>
        tpu.wait_dma2 semaphore(%run_scoped3A_179 : memref<!tpu.dma_semaphore, #tpu.memory_space<semaphore_mem>>) src(%dma_wait3A_207 : memref<200x64xi32, #tpu.memory_space<hbm>>) dst(%dma_wait3A_203 : memref<200x64xi32, #tpu.memory_space<vmem>>)
        tpu.yield
      }) : () -> ()
      %run_scoped3A_178 = arith.constant 1 : i32
      "tpu.region"() ({
        %run_scoped3A_179 = tpu.sem_alloc : memref<!tpu.dma_semaphore, #tpu.memory_space<semaphore_mem>>
        %dma_start3A_180 = arith.constant 0 : i32
        %dma_start3A_181 = arith.constant 0 : i32
        %dma_start3A_182 = tpu.memref_slice %arg6[%dma_start3A_180, %dma_start3A_181] : memref<320x64xi32, #tpu.memory_space<vmem>> -> memref<200x64xi32, #tpu.memory_space<vmem>>
        %dma_start3A_183 = arith.constant 4800 : i32
        %dma_start3A_184 = arith.constant 0 : i32
        %dma_start3A_185 = tpu.memref_slice %arg3[%run_scoped3A_178, %dma_start3A_183, %dma_start3A_184] : memref<2x5000x64xi32, #tpu.memory_space<hbm>> -> memref<1x200x64xi32, #tpu.memory_space<hbm>>
        %dma_start3A_186 = tpu.memref_squeeze %dma_start3A_185 : memref<1x200x64xi32, #tpu.memory_space<hbm>> -> memref<200x64xi32, #tpu.memory_space<hbm>>
        %dma_start3A_187 = arith.constant 0 : i32
        %dma_start3A_188 = arith.constant 0 : i32
        %dma_start3A_189 = tpu.memref_slice %arg6[%dma_start3A_187, %dma_start3A_188] : memref<320x64xi32, #tpu.memory_space<vmem>> -> memref<200x64xi32, #tpu.memory_space<vmem>>
        %dma_start3A_190 = arith.constant 4800 : i32
        %dma_start3A_191 = arith.constant 0 : i32
        %dma_start3A_192 = tpu.memref_slice %arg3[%run_scoped3A_178, %dma_start3A_190, %dma_start3A_191] : memref<2x5000x64xi32, #tpu.memory_space<hbm>> -> memref<1x200x64xi32, #tpu.memory_space<hbm>>
        %dma_start3A_193 = tpu.memref_squeeze %dma_start3A_192 : memref<1x200x64xi32, #tpu.memory_space<hbm>> -> memref<200x64xi32, #tpu.memory_space<hbm>>
        tpu.enqueue_dma source(%dma_start3A_193 : memref<200x64xi32, #tpu.memory_space<hbm>>) target(%dma_start3A_189 : memref<200x64xi32, #tpu.memory_space<vmem>>) target_semaphore(%run_scoped3A_179 : memref<!tpu.dma_semaphore, #tpu.memory_space<semaphore_mem>>)
        %dma_wait3A_194 = arith.constant 0 : i32
        %dma_wait3A_195 = arith.constant 0 : i32
        %dma_wait3A_196 = tpu.memref_slice %arg6[%dma_wait3A_194, %dma_wait3A_195] : memref<320x64xi32, #tpu.memory_space<vmem>> -> memref<200x64xi32, #tpu.memory_space<vmem>>
        %dma_wait3A_197 = arith.constant 4800 : i32
        %dma_wait3A_198 = arith.constant 0 : i32
        %dma_wait3A_199 = tpu.memref_slice %arg3[%run_scoped3A_178, %dma_wait3A_197, %dma_wait3A_198] : memref<2x5000x64xi32, #tpu.memory_space<hbm>> -> memref<1x200x64xi32, #tpu.memory_space<hbm>>
        %dma_wait3A_200 = tpu.memref_squeeze %dma_wait3A_199 : memref<1x200x64xi32, #tpu.memory_space<hbm>> -> memref<200x64xi32, #tpu.memory_space<hbm>>
        %dma_wait3A_201 = arith.constant 0 : i32
        %dma_wait3A_202 = arith.constant 0 : i32
        %dma_wait3A_203 = tpu.memref_slice %arg6[%dma_wait3A_201, %dma_wait3A_202] : memref<320x64xi32, #tpu.memory_space<vmem>> -> memref<200x64xi32, #tpu.memory_space<vmem>>
        %dma_wait3A_204 = arith.constant 4800 : i32
        %dma_wait3A_205 = arith.constant 0 : i32
        %dma_wait3A_206 = tpu.memref_slice %arg3[%run_scoped3A_178, %dma_wait3A_204, %dma_wait3A_205] : memref<2x5000x64xi32, #tpu.memory_space<hbm>> -> memref<1x200x64xi32, #tpu.memory_space<hbm>>
        %dma_wait3A_207 = tpu.memref_squeeze %dma_wait3A_206 : memref<1x200x64xi32, #tpu.memory_space<hbm>> -> memref<200x64xi32, #tpu.memory_space<hbm>>
        tpu.wait_dma2 semaphore(%run_scoped3A_179 : memref<!tpu.dma_semaphore, #tpu.memory_space<semaphore_mem>>) src(%dma_wait3A_207 : memref<200x64xi32, #tpu.memory_space<hbm>>) dst(%dma_wait3A_203 : memref<200x64xi32, #tpu.memory_space<vmem>>)
        tpu.yield
      }) : () -> ()
    } else {
    }
    %broadcast_in_dim3A = arith.constant 0.000000e+00 : f32
    %broadcast_in_dim3A_9 = vector.broadcast %broadcast_in_dim3A : f32 to vector<16xf32>
    %scan3A = arith.constant 0 : i32
    %scan3A_10 = arith.constant 104 : i32
    %scan3A_11 = arith.addi %scan3A, %scan3A_10 : i32
    %scan3A_12 = arith.constant 1 : i32
    scf.for %scan3A_178 = %scan3A to %scan3A_11 step %scan3A_12  : i32 {
      %mul3A_179 = arith.constant 1 : i32
      %mul3A_180 = arith.muli %scan3A_178, %mul3A_179 : i32
      %add3A_181 = arith.constant 0 : i32
      %add3A_182 = arith.addi %add3A_181, %mul3A_180 : i32
      %swap3A = arith.index_cast %add3A_182 : i32 to index
      %swap3A_183 = arith.constant 0 : index
      %swap3A_184 = tpu.vector_load %arg17[%swap3A, %swap3A_183] {strides = array<i32>} : memref<104x64xf32, #tpu.memory_space<vmem>>, vector<1x16xf32>,
      %swap3A_185 = vector.shape_cast %swap3A_184 : vector<1x16xf32> to vector<16xf32>
      %swap3A_186 = vector.shape_cast %broadcast_in_dim3A_9 : vector<16xf32> to vector<1x16xf32>
      tpu.vector_store %arg17[%swap3A, %swap3A_183], %swap3A_186 {strides = array<i32>} : memref<104x64xf32, #tpu.memory_space<vmem>>, vector<1x16xf32>,
      %swap3A_187 = arith.index_cast %add3A_182 : i32 to index
      %swap3A_188 = arith.constant 16 : index
      %swap3A_189 = tpu.vector_load %arg17[%swap3A_187, %swap3A_188] {strides = array<i32>} : memref<104x64xf32, #tpu.memory_space<vmem>>, vector<1x16xf32>,
      %swap3A_190 = vector.shape_cast %swap3A_189 : vector<1x16xf32> to vector<16xf32>
      %swap3A_191 = vector.shape_cast %broadcast_in_dim3A_9 : vector<16xf32> to vector<1x16xf32>
      tpu.vector_store %arg17[%swap3A_187, %swap3A_188], %swap3A_191 {strides = array<i32>} : memref<104x64xf32, #tpu.memory_space<vmem>>, vector<1x16xf32>,
      %swap3A_192 = arith.index_cast %add3A_182 : i32 to index
      %swap3A_193 = arith.constant 32 : index
      %swap3A_194 = tpu.vector_load %arg17[%swap3A_192, %swap3A_193] {strides = array<i32>} : memref<104x64xf32, #tpu.memory_space<vmem>>, vector<1x16xf32>,
      %swap3A_195 = vector.shape_cast %swap3A_194 : vector<1x16xf32> to vector<16xf32>
      %swap3A_196 = vector.shape_cast %broadcast_in_dim3A_9 : vector<16xf32> to vector<1x16xf32>
      tpu.vector_store %arg17[%swap3A_192, %swap3A_193], %swap3A_196 {strides = array<i32>} : memref<104x64xf32, #tpu.memory_space<vmem>>, vector<1x16xf32>,
      %swap3A_197 = arith.index_cast %add3A_182 : i32 to index
      %swap3A_198 = arith.constant 48 : index
      %swap3A_199 = tpu.vector_load %arg17[%swap3A_197, %swap3A_198] {strides = array<i32>} : memref<104x64xf32, #tpu.memory_space<vmem>>, vector<1x16xf32>,
      %swap3A_200 = vector.shape_cast %swap3A_199 : vector<1x16xf32> to vector<16xf32>
      %swap3A_201 = vector.shape_cast %broadcast_in_dim3A_9 : vector<16xf32> to vector<1x16xf32>
      tpu.vector_store %arg17[%swap3A_197, %swap3A_198], %swap3A_201 {strides = array<i32>} : memref<104x64xf32, #tpu.memory_space<vmem>>, vector<1x16xf32>,
    }
    %scan3A_13 = arith.constant 104 : i32
    %eq3A_14 = arith.constant 1 : i32
    %eq3A_15 = arith.cmpi eq, %arg0, %eq3A_14 : i32
    %convert_element_type3A_16 = arith.extui %eq3A_15 : i1 to i32
    %cond3A_17 = arith.constant 0 : i32
    %cond3A_18 = arith.cmpi ne, %convert_element_type3A_16, %cond3A_17 : i32
    scf.if %cond3A_18 {
      %scan3A_178 = arith.constant 0 : i32
      %scan3A_179 = arith.constant 320 : i32
      %scan3A_180 = arith.addi %scan3A_178, %scan3A_179 : i32
      %scan3A_181 = arith.constant 1 : i32
      scf.for %scan3A_183 = %scan3A_178 to %scan3A_180 step %scan3A_181  : i32 {
        %mul3A_184 = arith.constant 1 : i32
        %mul3A_185 = arith.muli %scan3A_183, %mul3A_184 : i32
        %add3A_186 = arith.constant 0 : i32
        %add3A_187 = arith.addi %add3A_186, %mul3A_185 : i32
        %get3A = arith.index_cast %add3A_187 : i32 to index
        %get3A_188 = arith.constant 0 : index
        %get3A_189 = tpu.vector_load %arg5[%get3A, %get3A_188] {strides = array<i32>} : memref<320x64xi32, #tpu.memory_space<vmem>>, vector<1x16xi32>,
        %get3A_190 = vector.shape_cast %get3A_189 : vector<1x16xi32> to vector<16xi32>
        %add3A_191 = arith.constant 1 : i32
        %add3A_192 = vector.broadcast %add3A_191 : i32 to vector<16xi32>
        %add3A_193 = arith.addi %get3A_190, %add3A_192 : vector<16xi32>
        %swap3A = arith.index_cast %add3A_187 : i32 to index
        %swap3A_194 = arith.constant 0 : index
        %swap3A_195 = tpu.vector_load %arg5[%swap3A, %swap3A_194] {strides = array<i32>} : memref<320x64xi32, #tpu.memory_space<vmem>>, vector<1x16xi32>,
        %swap3A_196 = vector.shape_cast %swap3A_195 : vector<1x16xi32> to vector<16xi32>
        %swap3A_197 = vector.shape_cast %add3A_193 : vector<16xi32> to vector<1x16xi32>
        tpu.vector_store %arg5[%swap3A, %swap3A_194], %swap3A_197 {strides = array<i32>} : memref<320x64xi32, #tpu.memory_space<vmem>>, vector<1x16xi32>,
        %get3A_198 = arith.index_cast %add3A_187 : i32 to index
        %get3A_199 = arith.constant 16 : index
        %get3A_200 = tpu.vector_load %arg5[%get3A_198, %get3A_199] {strides = array<i32>} : memref<320x64xi32, #tpu.memory_space<vmem>>, vector<1x16xi32>,
        %get3A_201 = vector.shape_cast %get3A_200 : vector<1x16xi32> to vector<16xi32>
        %add3A_202 = arith.constant 1 : i32
        %add3A_203 = vector.broadcast %add3A_202 : i32 to vector<16xi32>
        %add3A_204 = arith.addi %get3A_201, %add3A_203 : vector<16xi32>
        %swap3A_205 = arith.index_cast %add3A_187 : i32 to index
        %swap3A_206 = arith.constant 16 : index
        %swap3A_207 = tpu.vector_load %arg5[%swap3A_205, %swap3A_206] {strides = array<i32>} : memref<320x64xi32, #tpu.memory_space<vmem>>, vector<1x16xi32>,
        %swap3A_208 = vector.shape_cast %swap3A_207 : vector<1x16xi32> to vector<16xi32>
        %swap3A_209 = vector.shape_cast %add3A_204 : vector<16xi32> to vector<1x16xi32>
        tpu.vector_store %arg5[%swap3A_205, %swap3A_206], %swap3A_209 {strides = array<i32>} : memref<320x64xi32, #tpu.memory_space<vmem>>, vector<1x16xi32>,
        %get3A_210 = arith.index_cast %add3A_187 : i32 to index
        %get3A_211 = arith.constant 32 : index
        %get3A_212 = tpu.vector_load %arg5[%get3A_210, %get3A_211] {strides = array<i32>} : memref<320x64xi32, #tpu.memory_space<vmem>>, vector<1x16xi32>,
        %get3A_213 = vector.shape_cast %get3A_212 : vector<1x16xi32> to vector<16xi32>
        %add3A_214 = arith.constant 1 : i32
        %add3A_215 = vector.broadcast %add3A_214 : i32 to vector<16xi32>
        %add3A_216 = arith.addi %get3A_213, %add3A_215 : vector<16xi32>
        %swap3A_217 = arith.index_cast %add3A_187 : i32 to index
        %swap3A_218 = arith.constant 32 : index
        %swap3A_219 = tpu.vector_load %arg5[%swap3A_217, %swap3A_218] {strides = array<i32>} : memref<320x64xi32, #tpu.memory_space<vmem>>, vector<1x16xi32>,
        %swap3A_220 = vector.shape_cast %swap3A_219 : vector<1x16xi32> to vector<16xi32>
        %swap3A_221 = vector.shape_cast %add3A_216 : vector<16xi32> to vector<1x16xi32>
        tpu.vector_store %arg5[%swap3A_217, %swap3A_218], %swap3A_221 {strides = array<i32>} : memref<320x64xi32, #tpu.memory_space<vmem>>, vector<1x16xi32>,
        %get3A_222 = arith.index_cast %add3A_187 : i32 to index
        %get3A_223 = arith.constant 48 : index
        %get3A_224 = tpu.vector_load %arg5[%get3A_222, %get3A_223] {strides = array<i32>} : memref<320x64xi32, #tpu.memory_space<vmem>>, vector<1x16xi32>,
        %get3A_225 = vector.shape_cast %get3A_224 : vector<1x16xi32> to vector<16xi32>
        %add3A_226 = arith.constant 1 : i32
        %add3A_227 = vector.broadcast %add3A_226 : i32 to vector<16xi32>
        %add3A_228 = arith.addi %get3A_225, %add3A_227 : vector<16xi32>
        %swap3A_229 = arith.index_cast %add3A_187 : i32 to index
        %swap3A_230 = arith.constant 48 : index
        %swap3A_231 = tpu.vector_load %arg5[%swap3A_229, %swap3A_230] {strides = array<i32>} : memref<320x64xi32, #tpu.memory_space<vmem>>, vector<1x16xi32>,
        %swap3A_232 = vector.shape_cast %swap3A_231 : vector<1x16xi32> to vector<16xi32>
        %swap3A_233 = vector.shape_cast %add3A_228 : vector<16xi32> to vector<1x16xi32>
        tpu.vector_store %arg5[%swap3A_229, %swap3A_230], %swap3A_233 {strides = array<i32>} : memref<320x64xi32, #tpu.memory_space<vmem>>, vector<1x16xi32>,
      }
      %scan3A_182 = arith.constant 320 : i32
    } else {
    }
    %mul3A = arith.constant 624 : i32
    %mul3A_19 = arith.muli %arg1, %mul3A : i32
    %add3A = arith.constant 0 : i32
    %add3A_20 = arith.addi %mul3A_19, %add3A : i32
    "tpu.region"() ({
      %run_scoped3A = tpu.sem_alloc : memref<!tpu.dma_semaphore, #tpu.memory_space<semaphore_mem>>
      %dma_start3A_178 = arith.constant 0 : i32
      %dma_start3A_179 = tpu.memref_slice %arg18[%add3A_20, %dma_start3A_178] : memref<10000x64xf32, #tpu.memory_space<vmem_shared>> -> memref<104x64xf32, #tpu.memory_space<vmem_shared>>
      %dma_start3A_180 = arith.constant 0 : i32
      %dma_start3A_181 = tpu.memref_slice %arg18[%add3A_20, %dma_start3A_180] : memref<10000x64xf32, #tpu.memory_space<vmem_shared>> -> memref<104x64xf32, #tpu.memory_space<vmem_shared>>
      tpu.enqueue_dma source(%arg17 : memref<104x64xf32, #tpu.memory_space<vmem>>) target(%dma_start3A_181 : memref<104x64xf32, #tpu.memory_space<vmem_shared>>) target_semaphore(%run_scoped3A : memref<!tpu.dma_semaphore, #tpu.memory_space<semaphore_mem>>)
      %dma_wait3A_182 = arith.constant 0 : i32
      %dma_wait3A_183 = tpu.memref_slice %arg18[%add3A_20, %dma_wait3A_182] : memref<10000x64xf32, #tpu.memory_space<vmem_shared>> -> memref<104x64xf32, #tpu.memory_space<vmem_shared>>
      %dma_wait3A_184 = arith.constant 0 : i32
      %dma_wait3A_185 = tpu.memref_slice %arg18[%add3A_20, %dma_wait3A_184] : memref<10000x64xf32, #tpu.memory_space<vmem_shared>> -> memref<104x64xf32, #tpu.memory_space<vmem_shared>>
      tpu.wait_dma2 semaphore(%run_scoped3A : memref<!tpu.dma_semaphore, #tpu.memory_space<semaphore_mem>>) src(%arg17 : memref<104x64xf32, #tpu.memory_space<vmem>>) dst(%dma_wait3A_185 : memref<104x64xf32, #tpu.memory_space<vmem_shared>>)
      tpu.yield
    }) : () -> ()
    %mul3A_21 = arith.constant 624 : i32
    %mul3A_22 = arith.muli %arg1, %mul3A_21 : i32
    %add3A_23 = arith.constant 104 : i32
    %add3A_24 = arith.addi %mul3A_22, %add3A_23 : i32
    "tpu.region"() ({
      %run_scoped3A = tpu.sem_alloc : memref<!tpu.dma_semaphore, #tpu.memory_space<semaphore_mem>>
      %dma_start3A_178 = arith.constant 0 : i32
      %dma_start3A_179 = tpu.memref_slice %arg18[%add3A_24, %dma_start3A_178] : memref<10000x64xf32, #tpu.memory_space<vmem_shared>> -> memref<104x64xf32, #tpu.memory_space<vmem_shared>>
      %dma_start3A_180 = arith.constant 0 : i32
      %dma_start3A_181 = tpu.memref_slice %arg18[%add3A_24, %dma_start3A_180] : memref<10000x64xf32, #tpu.memory_space<vmem_shared>> -> memref<104x64xf32, #tpu.memory_space<vmem_shared>>
      tpu.enqueue_dma source(%arg17 : memref<104x64xf32, #tpu.memory_space<vmem>>) target(%dma_start3A_181 : memref<104x64xf32, #tpu.memory_space<vmem_shared>>) target_semaphore(%run_scoped3A : memref<!tpu.dma_semaphore, #tpu.memory_space<semaphore_mem>>)
      %dma_wait3A_182 = arith.constant 0 : i32
      %dma_wait3A_183 = tpu.memref_slice %arg18[%add3A_24, %dma_wait3A_182] : memref<10000x64xf32, #tpu.memory_space<vmem_shared>> -> memref<104x64xf32, #tpu.memory_space<vmem_shared>>
      %dma_wait3A_184 = arith.constant 0 : i32
      %dma_wait3A_185 = tpu.memref_slice %arg18[%add3A_24, %dma_wait3A_184] : memref<10000x64xf32, #tpu.memory_space<vmem_shared>> -> memref<104x64xf32, #tpu.memory_space<vmem_shared>>
      tpu.wait_dma2 semaphore(%run_scoped3A : memref<!tpu.dma_semaphore, #tpu.memory_space<semaphore_mem>>) src(%arg17 : memref<104x64xf32, #tpu.memory_space<vmem>>) dst(%dma_wait3A_185 : memref<104x64xf32, #tpu.memory_space<vmem_shared>>)
      tpu.yield
    }) : () -> ()
    %mul3A_25 = arith.constant 624 : i32
    %mul3A_26 = arith.muli %arg1, %mul3A_25 : i32
    %add3A_27 = arith.constant 208 : i32
    %add3A_28 = arith.addi %mul3A_26, %add3A_27 : i32
    "tpu.region"() ({
      %run_scoped3A = tpu.sem_alloc : memref<!tpu.dma_semaphore, #tpu.memory_space<semaphore_mem>>
      %dma_start3A_178 = arith.constant 0 : i32
      %dma_start3A_179 = tpu.memref_slice %arg18[%add3A_28, %dma_start3A_178] : memref<10000x64xf32, #tpu.memory_space<vmem_shared>> -> memref<104x64xf32, #tpu.memory_space<vmem_shared>>
      %dma_start3A_180 = arith.constant 0 : i32
      %dma_start3A_181 = tpu.memref_slice %arg18[%add3A_28, %dma_start3A_180] : memref<10000x64xf32, #tpu.memory_space<vmem_shared>> -> memref<104x64xf32, #tpu.memory_space<vmem_shared>>
      tpu.enqueue_dma source(%arg17 : memref<104x64xf32, #tpu.memory_space<vmem>>) target(%dma_start3A_181 : memref<104x64xf32, #tpu.memory_space<vmem_shared>>) target_semaphore(%run_scoped3A : memref<!tpu.dma_semaphore, #tpu.memory_space<semaphore_mem>>)
      %dma_wait3A_182 = arith.constant 0 : i32
      %dma_wait3A_183 = tpu.memref_slice %arg18[%add3A_28, %dma_wait3A_182] : memref<10000x64xf32, #tpu.memory_space<vmem_shared>> -> memref<104x64xf32, #tpu.memory_space<vmem_shared>>
      %dma_wait3A_184 = arith.constant 0 : i32
      %dma_wait3A_185 = tpu.memref_slice %arg18[%add3A_28, %dma_wait3A_184] : memref<10000x64xf32, #tpu.memory_space<vmem_shared>> -> memref<104x64xf32, #tpu.memory_space<vmem_shared>>
      tpu.wait_dma2 semaphore(%run_scoped3A : memref<!tpu.dma_semaphore, #tpu.memory_space<semaphore_mem>>) src(%arg17 : memref<104x64xf32, #tpu.memory_space<vmem>>) dst(%dma_wait3A_185 : memref<104x64xf32, #tpu.memory_space<vmem_shared>>)
      tpu.yield
    }) : () -> ()
    %mul3A_29 = arith.constant 624 : i32
    %mul3A_30 = arith.muli %arg1, %mul3A_29 : i32
    %add3A_31 = arith.constant 312 : i32
    %add3A_32 = arith.addi %mul3A_30, %add3A_31 : i32
    "tpu.region"() ({
      %run_scoped3A = tpu.sem_alloc : memref<!tpu.dma_semaphore, #tpu.memory_space<semaphore_mem>>
      %dma_start3A_178 = arith.constant 0 : i32
      %dma_start3A_179 = tpu.memref_slice %arg18[%add3A_32, %dma_start3A_178] : memref<10000x64xf32, #tpu.memory_space<vmem_shared>> -> memref<104x64xf32, #tpu.memory_space<vmem_shared>>
      %dma_start3A_180 = arith.constant 0 : i32
      %dma_start3A_181 = tpu.memref_slice %arg18[%add3A_32, %dma_start3A_180] : memref<10000x64xf32, #tpu.memory_space<vmem_shared>> -> memref<104x64xf32, #tpu.memory_space<vmem_shared>>
      tpu.enqueue_dma source(%arg17 : memref<104x64xf32, #tpu.memory_space<vmem>>) target(%dma_start3A_181 : memref<104x64xf32, #tpu.memory_space<vmem_shared>>) target_semaphore(%run_scoped3A : memref<!tpu.dma_semaphore, #tpu.memory_space<semaphore_mem>>)
      %dma_wait3A_182 = arith.constant 0 : i32
      %dma_wait3A_183 = tpu.memref_slice %arg18[%add3A_32, %dma_wait3A_182] : memref<10000x64xf32, #tpu.memory_space<vmem_shared>> -> memref<104x64xf32, #tpu.memory_space<vmem_shared>>
      %dma_wait3A_184 = arith.constant 0 : i32
      %dma_wait3A_185 = tpu.memref_slice %arg18[%add3A_32, %dma_wait3A_184] : memref<10000x64xf32, #tpu.memory_space<vmem_shared>> -> memref<104x64xf32, #tpu.memory_space<vmem_shared>>
      tpu.wait_dma2 semaphore(%run_scoped3A : memref<!tpu.dma_semaphore, #tpu.memory_space<semaphore_mem>>) src(%arg17 : memref<104x64xf32, #tpu.memory_space<vmem>>) dst(%dma_wait3A_185 : memref<104x64xf32, #tpu.memory_space<vmem_shared>>)
      tpu.yield
    }) : () -> ()
    %mul3A_33 = arith.constant 624 : i32
    %mul3A_34 = arith.muli %arg1, %mul3A_33 : i32
    %add3A_35 = arith.constant 416 : i32
    %add3A_36 = arith.addi %mul3A_34, %add3A_35 : i32
    "tpu.region"() ({
      %run_scoped3A = tpu.sem_alloc : memref<!tpu.dma_semaphore, #tpu.memory_space<semaphore_mem>>
      %dma_start3A_178 = arith.constant 0 : i32
      %dma_start3A_179 = tpu.memref_slice %arg18[%add3A_36, %dma_start3A_178] : memref<10000x64xf32, #tpu.memory_space<vmem_shared>> -> memref<104x64xf32, #tpu.memory_space<vmem_shared>>
      %dma_start3A_180 = arith.constant 0 : i32
      %dma_start3A_181 = tpu.memref_slice %arg18[%add3A_36, %dma_start3A_180] : memref<10000x64xf32, #tpu.memory_space<vmem_shared>> -> memref<104x64xf32, #tpu.memory_space<vmem_shared>>
      tpu.enqueue_dma source(%arg17 : memref<104x64xf32, #tpu.memory_space<vmem>>) target(%dma_start3A_181 : memref<104x64xf32, #tpu.memory_space<vmem_shared>>) target_semaphore(%run_scoped3A : memref<!tpu.dma_semaphore, #tpu.memory_space<semaphore_mem>>)
      %dma_wait3A_182 = arith.constant 0 : i32
      %dma_wait3A_183 = tpu.memref_slice %arg18[%add3A_36, %dma_wait3A_182] : memref<10000x64xf32, #tpu.memory_space<vmem_shared>> -> memref<104x64xf32, #tpu.memory_space<vmem_shared>>
      %dma_wait3A_184 = arith.constant 0 : i32
      %dma_wait3A_185 = tpu.memref_slice %arg18[%add3A_36, %dma_wait3A_184] : memref<10000x64xf32, #tpu.memory_space<vmem_shared>> -> memref<104x64xf32, #tpu.memory_space<vmem_shared>>
      tpu.wait_dma2 semaphore(%run_scoped3A : memref<!tpu.dma_semaphore, #tpu.memory_space<semaphore_mem>>) src(%arg17 : memref<104x64xf32, #tpu.memory_space<vmem>>) dst(%dma_wait3A_185 : memref<104x64xf32, #tpu.memory_space<vmem_shared>>)
      tpu.yield
    }) : () -> ()
    %mul3A_37 = arith.constant 624 : i32
    %mul3A_38 = arith.muli %arg1, %mul3A_37 : i32
    %add3A_39 = arith.constant 520 : i32
    %add3A_40 = arith.addi %mul3A_38, %add3A_39 : i32
    "tpu.region"() ({
      %run_scoped3A = tpu.sem_alloc : memref<!tpu.dma_semaphore, #tpu.memory_space<semaphore_mem>>
      %dma_start3A_178 = arith.constant 0 : i32
      %dma_start3A_179 = tpu.memref_slice %arg18[%add3A_40, %dma_start3A_178] : memref<10000x64xf32, #tpu.memory_space<vmem_shared>> -> memref<104x64xf32, #tpu.memory_space<vmem_shared>>
      %dma_start3A_180 = arith.constant 0 : i32
      %dma_start3A_181 = tpu.memref_slice %arg18[%add3A_40, %dma_start3A_180] : memref<10000x64xf32, #tpu.memory_space<vmem_shared>> -> memref<104x64xf32, #tpu.memory_space<vmem_shared>>
      tpu.enqueue_dma source(%arg17 : memref<104x64xf32, #tpu.memory_space<vmem>>) target(%dma_start3A_181 : memref<104x64xf32, #tpu.memory_space<vmem_shared>>) target_semaphore(%run_scoped3A : memref<!tpu.dma_semaphore, #tpu.memory_space<semaphore_mem>>)
      %dma_wait3A_182 = arith.constant 0 : i32
      %dma_wait3A_183 = tpu.memref_slice %arg18[%add3A_40, %dma_wait3A_182] : memref<10000x64xf32, #tpu.memory_space<vmem_shared>> -> memref<104x64xf32, #tpu.memory_space<vmem_shared>>
      %dma_wait3A_184 = arith.constant 0 : i32
      %dma_wait3A_185 = tpu.memref_slice %arg18[%add3A_40, %dma_wait3A_184] : memref<10000x64xf32, #tpu.memory_space<vmem_shared>> -> memref<104x64xf32, #tpu.memory_space<vmem_shared>>
      tpu.wait_dma2 semaphore(%run_scoped3A : memref<!tpu.dma_semaphore, #tpu.memory_space<semaphore_mem>>) src(%arg17 : memref<104x64xf32, #tpu.memory_space<vmem>>) dst(%dma_wait3A_185 : memref<104x64xf32, #tpu.memory_space<vmem_shared>>)
      tpu.yield
    }) : () -> ()
    %eq3A_41 = arith.constant 0 : i32
    %eq3A_42 = arith.cmpi eq, %arg1, %eq3A_41 : i32
    %convert_element_type3A_43 = arith.extui %eq3A_42 : i1 to i32
    %cond3A_44 = arith.constant 0 : i32
    %cond3A_45 = arith.cmpi ne, %convert_element_type3A_43, %cond3A_44 : i32
    scf.if %cond3A_45 {
      "tpu.region"() ({
        %run_scoped3A = tpu.sem_alloc : memref<!tpu.dma_semaphore, #tpu.memory_space<semaphore_mem>>
        %dma_start3A_178 = arith.constant 0 : i32
        %dma_start3A_179 = arith.constant 0 : i32
        %dma_start3A_180 = tpu.memref_slice %arg17[%dma_start3A_178, %dma_start3A_179] : memref<104x64xf32, #tpu.memory_space<vmem>> -> memref<16x64xf32, #tpu.memory_space<vmem>>
        %dma_start3A_181 = arith.constant 9984 : i32
        %dma_start3A_182 = arith.constant 0 : i32
        %dma_start3A_183 = tpu.memref_slice %arg18[%dma_start3A_181, %dma_start3A_182] : memref<10000x64xf32, #tpu.memory_space<vmem_shared>> -> memref<16x64xf32, #tpu.memory_space<vmem_shared>>
        %dma_start3A_184 = arith.constant 9984 : i32
        %dma_start3A_185 = arith.constant 0 : i32
        %dma_start3A_186 = tpu.memref_slice %arg18[%dma_start3A_184, %dma_start3A_185] : memref<10000x64xf32, #tpu.memory_space<vmem_shared>> -> memref<16x64xf32, #tpu.memory_space<vmem_shared>>
        %dma_start3A_187 = arith.constant 0 : i32
        %dma_start3A_188 = arith.constant 0 : i32
        %dma_start3A_189 = tpu.memref_slice %arg17[%dma_start3A_187, %dma_start3A_188] : memref<104x64xf32, #tpu.memory_space<vmem>> -> memref<16x64xf32, #tpu.memory_space<vmem>>
        tpu.enqueue_dma source(%dma_start3A_189 : memref<16x64xf32, #tpu.memory_space<vmem>>) target(%dma_start3A_186 : memref<16x64xf32, #tpu.memory_space<vmem_shared>>) target_semaphore(%run_scoped3A : memref<!tpu.dma_semaphore, #tpu.memory_space<semaphore_mem>>)
        %dma_wait3A_190 = arith.constant 0 : i32
        %dma_wait3A_191 = arith.constant 0 : i32
        %dma_wait3A_192 = tpu.memref_slice %arg17[%dma_wait3A_190, %dma_wait3A_191] : memref<104x64xf32, #tpu.memory_space<vmem>> -> memref<16x64xf32, #tpu.memory_space<vmem>>
        %dma_wait3A_193 = arith.constant 9984 : i32
        %dma_wait3A_194 = arith.constant 0 : i32
        %dma_wait3A_195 = tpu.memref_slice %arg18[%dma_wait3A_193, %dma_wait3A_194] : memref<10000x64xf32, #tpu.memory_space<vmem_shared>> -> memref<16x64xf32, #tpu.memory_space<vmem_shared>>
        %dma_wait3A_196 = arith.constant 9984 : i32
        %dma_wait3A_197 = arith.constant 0 : i32
        %dma_wait3A_198 = tpu.memref_slice %arg18[%dma_wait3A_196, %dma_wait3A_197] : memref<10000x64xf32, #tpu.memory_space<vmem_shared>> -> memref<16x64xf32, #tpu.memory_space<vmem_shared>>
        %dma_wait3A_199 = arith.constant 0 : i32
        %dma_wait3A_200 = arith.constant 0 : i32
        %dma_wait3A_201 = tpu.memref_slice %arg17[%dma_wait3A_199, %dma_wait3A_200] : memref<104x64xf32, #tpu.memory_space<vmem>> -> memref<16x64xf32, #tpu.memory_space<vmem>>
        tpu.wait_dma2 semaphore(%run_scoped3A : memref<!tpu.dma_semaphore, #tpu.memory_space<semaphore_mem>>) src(%dma_wait3A_201 : memref<16x64xf32, #tpu.memory_space<vmem>>) dst(%dma_wait3A_198 : memref<16x64xf32, #tpu.memory_space<vmem_shared>>)
        tpu.yield
      }) : () -> ()
    } else {
    }
    %barrier3A = arith.constant 0 : index
    tpu.barrier barrier_id(%barrier3A)
    %dma_start3A = arith.constant 0 : i32
    %dma_start3A_46 = arith.constant 0 : i32
    %dma_start3A_47 = tpu.memref_slice %arg5[%dma_start3A, %dma_start3A_46] : memref<320x64xi32, #tpu.memory_space<vmem>> -> memref<1x64xi32, #tpu.memory_space<vmem>>
    %dma_start3A_48 = tpu.memref_squeeze %dma_start3A_47 : memref<1x64xi32, #tpu.memory_space<vmem>> -> memref<64xi32, #tpu.memory_space<vmem>>
    %dma_start3A_49 = arith.constant 0 : i32
    %dma_start3A_50 = arith.constant 0 : i32
    %dma_start3A_51 = tpu.memref_slice %arg2[%dma_start3A_49, %dma_start3A_50] : memref<20000x64xf32, #tpu.memory_space<hbm>> -> memref<20000x64xf32, #tpu.memory_space<hbm>>
    tpu.enqueue_indirect_dma source(%dma_start3A_51 : memref<20000x64xf32, #tpu.memory_space<hbm>>) target(%arg7 : memref<64x64xf32, #tpu.memory_space<vmem>>) offsets(%dma_start3A_48 : memref<64xi32, #tpu.memory_space<vmem>>) semaphore(%arg19 : memref<!tpu.dma_semaphore, #tpu.memory_space<semaphore_mem>>)
    %dma_start3A_52 = arith.constant 1 : i32
    %dma_start3A_53 = arith.constant 0 : i32
    %dma_start3A_54 = tpu.memref_slice %arg5[%dma_start3A_52, %dma_start3A_53] : memref<320x64xi32, #tpu.memory_space<vmem>> -> memref<1x64xi32, #tpu.memory_space<vmem>>
    %dma_start3A_55 = tpu.memref_squeeze %dma_start3A_54 : memref<1x64xi32, #tpu.memory_space<vmem>> -> memref<64xi32, #tpu.memory_space<vmem>>
    %dma_start3A_56 = arith.constant 0 : i32
    %dma_start3A_57 = arith.constant 0 : i32
    %dma_start3A_58 = tpu.memref_slice %arg2[%dma_start3A_56, %dma_start3A_57] : memref<20000x64xf32, #tpu.memory_space<hbm>> -> memref<20000x64xf32, #tpu.memory_space<hbm>>
    tpu.enqueue_indirect_dma source(%dma_start3A_58 : memref<20000x64xf32, #tpu.memory_space<hbm>>) target(%arg8 : memref<64x64xf32, #tpu.memory_space<vmem>>) offsets(%dma_start3A_55 : memref<64xi32, #tpu.memory_space<vmem>>) semaphore(%arg20 : memref<!tpu.dma_semaphore, #tpu.memory_space<semaphore_mem>>)
    %dma_start3A_59 = arith.constant 2 : i32
    %dma_start3A_60 = arith.constant 0 : i32
    %dma_start3A_61 = tpu.memref_slice %arg5[%dma_start3A_59, %dma_start3A_60] : memref<320x64xi32, #tpu.memory_space<vmem>> -> memref<1x64xi32, #tpu.memory_space<vmem>>
    %dma_start3A_62 = tpu.memref_squeeze %dma_start3A_61 : memref<1x64xi32, #tpu.memory_space<vmem>> -> memref<64xi32, #tpu.memory_space<vmem>>
    %dma_start3A_63 = arith.constant 0 : i32
    %dma_start3A_64 = arith.constant 0 : i32
    %dma_start3A_65 = tpu.memref_slice %arg2[%dma_start3A_63, %dma_start3A_64] : memref<20000x64xf32, #tpu.memory_space<hbm>> -> memref<20000x64xf32, #tpu.memory_space<hbm>>
    tpu.enqueue_indirect_dma source(%dma_start3A_65 : memref<20000x64xf32, #tpu.memory_space<hbm>>) target(%arg9 : memref<64x64xf32, #tpu.memory_space<vmem>>) offsets(%dma_start3A_62 : memref<64xi32, #tpu.memory_space<vmem>>) semaphore(%arg21 : memref<!tpu.dma_semaphore, #tpu.memory_space<semaphore_mem>>)
    %dma_start3A_66 = arith.constant 3 : i32
    %dma_start3A_67 = arith.constant 0 : i32
    %dma_start3A_68 = tpu.memref_slice %arg5[%dma_start3A_66, %dma_start3A_67] : memref<320x64xi32, #tpu.memory_space<vmem>> -> memref<1x64xi32, #tpu.memory_space<vmem>>
    %dma_start3A_69 = tpu.memref_squeeze %dma_start3A_68 : memref<1x64xi32, #tpu.memory_space<vmem>> -> memref<64xi32, #tpu.memory_space<vmem>>
    %dma_start3A_70 = arith.constant 0 : i32
    %dma_start3A_71 = arith.constant 0 : i32
    %dma_start3A_72 = tpu.memref_slice %arg2[%dma_start3A_70, %dma_start3A_71] : memref<20000x64xf32, #tpu.memory_space<hbm>> -> memref<20000x64xf32, #tpu.memory_space<hbm>>
    tpu.enqueue_indirect_dma source(%dma_start3A_72 : memref<20000x64xf32, #tpu.memory_space<hbm>>) target(%arg10 : memref<64x64xf32, #tpu.memory_space<vmem>>) offsets(%dma_start3A_69 : memref<64xi32, #tpu.memory_space<vmem>>) semaphore(%arg22 : memref<!tpu.dma_semaphore, #tpu.memory_space<semaphore_mem>>)
    %dma_start3A_73 = arith.constant 4 : i32
    %dma_start3A_74 = arith.constant 0 : i32
    %dma_start3A_75 = tpu.memref_slice %arg5[%dma_start3A_73, %dma_start3A_74] : memref<320x64xi32, #tpu.memory_space<vmem>> -> memref<1x64xi32, #tpu.memory_space<vmem>>
    %dma_start3A_76 = tpu.memref_squeeze %dma_start3A_75 : memref<1x64xi32, #tpu.memory_space<vmem>> -> memref<64xi32, #tpu.memory_space<vmem>>
    %dma_start3A_77 = arith.constant 0 : i32
    %dma_start3A_78 = arith.constant 0 : i32
    %dma_start3A_79 = tpu.memref_slice %arg2[%dma_start3A_77, %dma_start3A_78] : memref<20000x64xf32, #tpu.memory_space<hbm>> -> memref<20000x64xf32, #tpu.memory_space<hbm>>
    tpu.enqueue_indirect_dma source(%dma_start3A_79 : memref<20000x64xf32, #tpu.memory_space<hbm>>) target(%arg11 : memref<64x64xf32, #tpu.memory_space<vmem>>) offsets(%dma_start3A_76 : memref<64xi32, #tpu.memory_space<vmem>>) semaphore(%arg23 : memref<!tpu.dma_semaphore, #tpu.memory_space<semaphore_mem>>)
    %dma_start3A_80 = arith.constant 5 : i32
    %dma_start3A_81 = arith.constant 0 : i32
    %dma_start3A_82 = tpu.memref_slice %arg5[%dma_start3A_80, %dma_start3A_81] : memref<320x64xi32, #tpu.memory_space<vmem>> -> memref<1x64xi32, #tpu.memory_space<vmem>>
    %dma_start3A_83 = tpu.memref_squeeze %dma_start3A_82 : memref<1x64xi32, #tpu.memory_space<vmem>> -> memref<64xi32, #tpu.memory_space<vmem>>
    %dma_start3A_84 = arith.constant 0 : i32
    %dma_start3A_85 = arith.constant 0 : i32
    %dma_start3A_86 = tpu.memref_slice %arg2[%dma_start3A_84, %dma_start3A_85] : memref<20000x64xf32, #tpu.memory_space<hbm>> -> memref<20000x64xf32, #tpu.memory_space<hbm>>
    tpu.enqueue_indirect_dma source(%dma_start3A_86 : memref<20000x64xf32, #tpu.memory_space<hbm>>) target(%arg12 : memref<64x64xf32, #tpu.memory_space<vmem>>) offsets(%dma_start3A_83 : memref<64xi32, #tpu.memory_space<vmem>>) semaphore(%arg24 : memref<!tpu.dma_semaphore, #tpu.memory_space<semaphore_mem>>)
    %dma_start3A_87 = arith.constant 6 : i32
    %dma_start3A_88 = arith.constant 0 : i32
    %dma_start3A_89 = tpu.memref_slice %arg5[%dma_start3A_87, %dma_start3A_88] : memref<320x64xi32, #tpu.memory_space<vmem>> -> memref<1x64xi32, #tpu.memory_space<vmem>>
    %dma_start3A_90 = tpu.memref_squeeze %dma_start3A_89 : memref<1x64xi32, #tpu.memory_space<vmem>> -> memref<64xi32, #tpu.memory_space<vmem>>
    %dma_start3A_91 = arith.constant 0 : i32
    %dma_start3A_92 = arith.constant 0 : i32
    %dma_start3A_93 = tpu.memref_slice %arg2[%dma_start3A_91, %dma_start3A_92] : memref<20000x64xf32, #tpu.memory_space<hbm>> -> memref<20000x64xf32, #tpu.memory_space<hbm>>
    tpu.enqueue_indirect_dma source(%dma_start3A_93 : memref<20000x64xf32, #tpu.memory_space<hbm>>) target(%arg13 : memref<64x64xf32, #tpu.memory_space<vmem>>) offsets(%dma_start3A_90 : memref<64xi32, #tpu.memory_space<vmem>>) semaphore(%arg25 : memref<!tpu.dma_semaphore, #tpu.memory_space<semaphore_mem>>)
    %dma_start3A_94 = arith.constant 7 : i32
    %dma_start3A_95 = arith.constant 0 : i32
    %dma_start3A_96 = tpu.memref_slice %arg5[%dma_start3A_94, %dma_start3A_95] : memref<320x64xi32, #tpu.memory_space<vmem>> -> memref<1x64xi32, #tpu.memory_space<vmem>>
    %dma_start3A_97 = tpu.memref_squeeze %dma_start3A_96 : memref<1x64xi32, #tpu.memory_space<vmem>> -> memref<64xi32, #tpu.memory_space<vmem>>
    %dma_start3A_98 = arith.constant 0 : i32
    %dma_start3A_99 = arith.constant 0 : i32
    %dma_start3A_100 = tpu.memref_slice %arg2[%dma_start3A_98, %dma_start3A_99] : memref<20000x64xf32, #tpu.memory_space<hbm>> -> memref<20000x64xf32, #tpu.memory_space<hbm>>
    tpu.enqueue_indirect_dma source(%dma_start3A_100 : memref<20000x64xf32, #tpu.memory_space<hbm>>) target(%arg14 : memref<64x64xf32, #tpu.memory_space<vmem>>) offsets(%dma_start3A_97 : memref<64xi32, #tpu.memory_space<vmem>>) semaphore(%arg26 : memref<!tpu.dma_semaphore, #tpu.memory_space<semaphore_mem>>)
    %sub3A = arith.constant 0 : i32
    %sub3A_101 = arith.subi %select_n3A, %sub3A : i32
    %sub3A_102 = arith.constant 10 : i32
    %sub3A_103 = arith.constant 1 : i32
    %sub3A_104 = arith.subi %sub3A_102, %sub3A_103 : i32
    %add3A_105 = arith.addi %sub3A_101, %sub3A_104 : i32
    %div3A = arith.constant 10 : i32
    %div3A_106 = arith.divsi %add3A_105, %div3A : i32
    %while3A = arith.constant 10 : i32
    %while3A_107 = arith.constant 0 : i32
    %while3A_108 = arith.constant 0 : i32
    %while3A_109 = arith.subi %div3A_106, %while3A_108 : i32
    %while3A_110 = arith.addi %while3A_108, %while3A_109 : i32
    %while3A_111 = arith.constant 1 : i32
    %while3A_112 = arith.divsi %while3A_109, %while3A_111 : i32
    %while3A_113 = arith.muli %while3A_112, %while3A_111 : i32
    %while3A_114 = arith.addi %while3A_108, %while3A_113 : i32
    %while3A_115 = arith.constant 1 : i32
    scf.for %while3A_178 = %while3A_108 to %while3A_114 step %while3A_115  : i32 {
      %mul3A_179 = arith.muli %while3A_178, %while3A : i32
      %add3A_180 = arith.addi %while3A_107, %mul3A_179 : i32
      %add3A_181 = arith.constant 0 : i32
      %add3A_182 = arith.addi %add3A_180, %add3A_181 : i32
      %dma_wait3A_183 = arith.constant 0 : i32
      %dma_wait3A_184 = tpu.memref_slice %arg5[%add3A_182, %dma_wait3A_183] : memref<320x64xi32, #tpu.memory_space<vmem>> -> memref<1x64xi32, #tpu.memory_space<vmem>>
      %dma_wait3A_185 = tpu.memref_squeeze %dma_wait3A_184 : memref<1x64xi32, #tpu.memory_space<vmem>> -> memref<64xi32, #tpu.memory_space<vmem>>
      %dma_wait3A_186 = arith.constant 0 : i32
      %dma_wait3A_187 = arith.constant 0 : i32
      %dma_wait3A_188 = tpu.memref_slice %arg2[%dma_wait3A_186, %dma_wait3A_187] : memref<20000x64xf32, #tpu.memory_space<hbm>> -> memref<20000x64xf32, #tpu.memory_space<hbm>>
      tpu.wait_indirect_dma semaphore(%arg19 : memref<!tpu.dma_semaphore, #tpu.memory_space<semaphore_mem>>) src(%dma_wait3A_188 : memref<20000x64xf32, #tpu.memory_space<hbm>>) dst(%arg7 : memref<64x64xf32, #tpu.memory_space<vmem>>)
      %dma_start3A_189 = arith.constant 0 : i32
      %dma_start3A_190 = tpu.memref_slice %arg6[%add3A_182, %dma_start3A_189] : memref<320x64xi32, #tpu.memory_space<vmem>> -> memref<1x64xi32, #tpu.memory_space<vmem>>
      %dma_start3A_191 = tpu.memref_squeeze %dma_start3A_190 : memref<1x64xi32, #tpu.memory_space<vmem>> -> memref<64xi32, #tpu.memory_space<vmem>>
      %dma_start3A_192 = arith.constant 0 : i32
      %dma_start3A_193 = arith.constant 0 : i32
      %dma_start3A_194 = tpu.memref_slice %arg18[%dma_start3A_192, %dma_start3A_193] : memref<10000x64xf32, #tpu.memory_space<vmem_shared>> -> memref<10000x64xf32, #tpu.memory_space<vmem_shared>>
      tpu.enqueue_indirect_dma source(%arg7 : memref<64x64xf32, #tpu.memory_space<vmem>>) target(%dma_start3A_194 : memref<10000x64xf32, #tpu.memory_space<vmem_shared>>) offsets(%dma_start3A_191 : memref<64xi32, #tpu.memory_space<vmem>>) semaphore(%arg29 : memref<!tpu.dma_semaphore, #tpu.memory_space<semaphore_mem>>) {add = true}
      %ge3A = arith.constant 2 : i32
      %ge3A_195 = arith.cmpi sge, %add3A_182, %ge3A : i32
      %convert_element_type3A_196 = arith.extui %ge3A_195 : i1 to i32
      %cond3A_197 = arith.constant 0 : i32
      %cond3A_198 = arith.cmpi ne, %convert_element_type3A_196, %cond3A_197 : i32
      scf.if %cond3A_198 {
        %sub3A_430 = arith.constant 2 : i32
        %sub3A_431 = arith.subi %add3A_182, %sub3A_430 : i32
        %dma_wait3A_432 = arith.constant 0 : i32
        %dma_wait3A_433 = tpu.memref_slice %arg6[%sub3A_431, %dma_wait3A_432] : memref<320x64xi32, #tpu.memory_space<vmem>> -> memref<1x64xi32, #tpu.memory_space<vmem>>
        %dma_wait3A_434 = tpu.memref_squeeze %dma_wait3A_433 : memref<1x64xi32, #tpu.memory_space<vmem>> -> memref<64xi32, #tpu.memory_space<vmem>>
        %dma_wait3A_435 = arith.constant 0 : i32
        %dma_wait3A_436 = arith.constant 0 : i32
        %dma_wait3A_437 = tpu.memref_slice %arg18[%dma_wait3A_435, %dma_wait3A_436] : memref<10000x64xf32, #tpu.memory_space<vmem_shared>> -> memref<10000x64xf32, #tpu.memory_space<vmem_shared>>
        tpu.wait_indirect_dma semaphore(%arg37 : memref<!tpu.dma_semaphore, #tpu.memory_space<semaphore_mem>>) src(%arg15 : memref<64x64xf32, #tpu.memory_space<vmem>>) dst(%dma_wait3A_437 : memref<10000x64xf32, #tpu.memory_space<vmem_shared>>)
      } else {
      }
      %add3A_199 = arith.constant 8 : i32
      %add3A_200 = arith.addi %add3A_182, %add3A_199 : i32
      %lt3A_201 = arith.cmpi slt, %add3A_200, %select_n3A : i32
      %convert_element_type3A_202 = arith.extui %lt3A_201 : i1 to i32
      %cond3A_203 = arith.constant 0 : i32
      %cond3A_204 = arith.cmpi ne, %convert_element_type3A_202, %cond3A_203 : i32
      scf.if %cond3A_204 {
        %add3A_430 = arith.constant 8 : i32
        %add3A_431 = arith.addi %add3A_182, %add3A_430 : i32
        %dma_start3A_432 = arith.constant 0 : i32
        %dma_start3A_433 = tpu.memref_slice %arg5[%add3A_431, %dma_start3A_432] : memref<320x64xi32, #tpu.memory_space<vmem>> -> memref<1x64xi32, #tpu.memory_space<vmem>>
        %dma_start3A_434 = tpu.memref_squeeze %dma_start3A_433 : memref<1x64xi32, #tpu.memory_space<vmem>> -> memref<64xi32, #tpu.memory_space<vmem>>
        %dma_start3A_435 = arith.constant 0 : i32
        %dma_start3A_436 = arith.constant 0 : i32
        %dma_start3A_437 = tpu.memref_slice %arg2[%dma_start3A_435, %dma_start3A_436] : memref<20000x64xf32, #tpu.memory_space<hbm>> -> memref<20000x64xf32, #tpu.memory_space<hbm>>
        tpu.enqueue_indirect_dma source(%dma_start3A_437 : memref<20000x64xf32, #tpu.memory_space<hbm>>) target(%arg15 : memref<64x64xf32, #tpu.memory_space<vmem>>) offsets(%dma_start3A_434 : memref<64xi32, #tpu.memory_space<vmem>>) semaphore(%arg27 : memref<!tpu.dma_semaphore, #tpu.memory_space<semaphore_mem>>)
      } else {
      }
      %add3A_205 = arith.constant 1 : i32
      %add3A_206 = arith.addi %add3A_180, %add3A_205 : i32
      %dma_wait3A_207 = arith.constant 0 : i32
      %dma_wait3A_208 = tpu.memref_slice %arg5[%add3A_206, %dma_wait3A_207] : memref<320x64xi32, #tpu.memory_space<vmem>> -> memref<1x64xi32, #tpu.memory_space<vmem>>
      %dma_wait3A_209 = tpu.memref_squeeze %dma_wait3A_208 : memref<1x64xi32, #tpu.memory_space<vmem>> -> memref<64xi32, #tpu.memory_space<vmem>>
      %dma_wait3A_210 = arith.constant 0 : i32
      %dma_wait3A_211 = arith.constant 0 : i32
      %dma_wait3A_212 = tpu.memref_slice %arg2[%dma_wait3A_210, %dma_wait3A_211] : memref<20000x64xf32, #tpu.memory_space<hbm>> -> memref<20000x64xf32, #tpu.memory_space<hbm>>
      tpu.wait_indirect_dma semaphore(%arg20 : memref<!tpu.dma_semaphore, #tpu.memory_space<semaphore_mem>>) src(%dma_wait3A_212 : memref<20000x64xf32, #tpu.memory_space<hbm>>) dst(%arg8 : memref<64x64xf32, #tpu.memory_space<vmem>>)
      %dma_start3A_213 = arith.constant 0 : i32
      %dma_start3A_214 = tpu.memref_slice %arg6[%add3A_206, %dma_start3A_213] : memref<320x64xi32, #tpu.memory_space<vmem>> -> memref<1x64xi32, #tpu.memory_space<vmem>>
      %dma_start3A_215 = tpu.memref_squeeze %dma_start3A_214 : memref<1x64xi32, #tpu.memory_space<vmem>> -> memref<64xi32, #tpu.memory_space<vmem>>
      %dma_start3A_216 = arith.constant 0 : i32
      %dma_start3A_217 = arith.constant 0 : i32
      %dma_start3A_218 = tpu.memref_slice %arg18[%dma_start3A_216, %dma_start3A_217] : memref<10000x64xf32, #tpu.memory_space<vmem_shared>> -> memref<10000x64xf32, #tpu.memory_space<vmem_shared>>
      tpu.enqueue_indirect_dma source(%arg8 : memref<64x64xf32, #tpu.memory_space<vmem>>) target(%dma_start3A_218 : memref<10000x64xf32, #tpu.memory_space<vmem_shared>>) offsets(%dma_start3A_215 : memref<64xi32, #tpu.memory_space<vmem>>) semaphore(%arg30 : memref<!tpu.dma_semaphore, #tpu.memory_space<semaphore_mem>>) {add = true}
      %ge3A_219 = arith.constant 2 : i32
      %ge3A_220 = arith.cmpi sge, %add3A_206, %ge3A_219 : i32
      %convert_element_type3A_221 = arith.extui %ge3A_220 : i1 to i32
      %cond3A_222 = arith.constant 0 : i32
      %cond3A_223 = arith.cmpi ne, %convert_element_type3A_221, %cond3A_222 : i32
      scf.if %cond3A_223 {
        %sub3A_430 = arith.constant 2 : i32
        %sub3A_431 = arith.subi %add3A_206, %sub3A_430 : i32
        %dma_wait3A_432 = arith.constant 0 : i32
        %dma_wait3A_433 = tpu.memref_slice %arg6[%sub3A_431, %dma_wait3A_432] : memref<320x64xi32, #tpu.memory_space<vmem>> -> memref<1x64xi32, #tpu.memory_space<vmem>>
        %dma_wait3A_434 = tpu.memref_squeeze %dma_wait3A_433 : memref<1x64xi32, #tpu.memory_space<vmem>> -> memref<64xi32, #tpu.memory_space<vmem>>
        %dma_wait3A_435 = arith.constant 0 : i32
        %dma_wait3A_436 = arith.constant 0 : i32
        %dma_wait3A_437 = tpu.memref_slice %arg18[%dma_wait3A_435, %dma_wait3A_436] : memref<10000x64xf32, #tpu.memory_space<vmem_shared>> -> memref<10000x64xf32, #tpu.memory_space<vmem_shared>>
        tpu.wait_indirect_dma semaphore(%arg38 : memref<!tpu.dma_semaphore, #tpu.memory_space<semaphore_mem>>) src(%arg16 : memref<64x64xf32, #tpu.memory_space<vmem>>) dst(%dma_wait3A_437 : memref<10000x64xf32, #tpu.memory_space<vmem_shared>>)
      } else {
      }
      %add3A_224 = arith.constant 8 : i32
      %add3A_225 = arith.addi %add3A_206, %add3A_224 : i32
      %lt3A_226 = arith.cmpi slt, %add3A_225, %select_n3A : i32
      %convert_element_type3A_227 = arith.extui %lt3A_226 : i1 to i32
      %cond3A_228 = arith.constant 0 : i32
      %cond3A_229 = arith.cmpi ne, %convert_element_type3A_227, %cond3A_228 : i32
      scf.if %cond3A_229 {
        %add3A_430 = arith.constant 8 : i32
        %add3A_431 = arith.addi %add3A_206, %add3A_430 : i32
        %dma_start3A_432 = arith.constant 0 : i32
        %dma_start3A_433 = tpu.memref_slice %arg5[%add3A_431, %dma_start3A_432] : memref<320x64xi32, #tpu.memory_space<vmem>> -> memref<1x64xi32, #tpu.memory_space<vmem>>
        %dma_start3A_434 = tpu.memref_squeeze %dma_start3A_433 : memref<1x64xi32, #tpu.memory_space<vmem>> -> memref<64xi32, #tpu.memory_space<vmem>>
        %dma_start3A_435 = arith.constant 0 : i32
        %dma_start3A_436 = arith.constant 0 : i32
        %dma_start3A_437 = tpu.memref_slice %arg2[%dma_start3A_435, %dma_start3A_436] : memref<20000x64xf32, #tpu.memory_space<hbm>> -> memref<20000x64xf32, #tpu.memory_space<hbm>>
        tpu.enqueue_indirect_dma source(%dma_start3A_437 : memref<20000x64xf32, #tpu.memory_space<hbm>>) target(%arg16 : memref<64x64xf32, #tpu.memory_space<vmem>>) offsets(%dma_start3A_434 : memref<64xi32, #tpu.memory_space<vmem>>) semaphore(%arg28 : memref<!tpu.dma_semaphore, #tpu.memory_space<semaphore_mem>>)
      } else {
      }
      %add3A_230 = arith.constant 2 : i32
      %add3A_231 = arith.addi %add3A_180, %add3A_230 : i32
      %dma_wait3A_232 = arith.constant 0 : i32
      %dma_wait3A_233 = tpu.memref_slice %arg5[%add3A_231, %dma_wait3A_232] : memref<320x64xi32, #tpu.memory_space<vmem>> -> memref<1x64xi32, #tpu.memory_space<vmem>>
      %dma_wait3A_234 = tpu.memref_squeeze %dma_wait3A_233 : memref<1x64xi32, #tpu.memory_space<vmem>> -> memref<64xi32, #tpu.memory_space<vmem>>
      %dma_wait3A_235 = arith.constant 0 : i32
      %dma_wait3A_236 = arith.constant 0 : i32
      %dma_wait3A_237 = tpu.memref_slice %arg2[%dma_wait3A_235, %dma_wait3A_236] : memref<20000x64xf32, #tpu.memory_space<hbm>> -> memref<20000x64xf32, #tpu.memory_space<hbm>>
      tpu.wait_indirect_dma semaphore(%arg21 : memref<!tpu.dma_semaphore, #tpu.memory_space<semaphore_mem>>) src(%dma_wait3A_237 : memref<20000x64xf32, #tpu.memory_space<hbm>>) dst(%arg9 : memref<64x64xf32, #tpu.memory_space<vmem>>)
      %dma_start3A_238 = arith.constant 0 : i32
      %dma_start3A_239 = tpu.memref_slice %arg6[%add3A_231, %dma_start3A_238] : memref<320x64xi32, #tpu.memory_space<vmem>> -> memref<1x64xi32, #tpu.memory_space<vmem>>
      %dma_start3A_240 = tpu.memref_squeeze %dma_start3A_239 : memref<1x64xi32, #tpu.memory_space<vmem>> -> memref<64xi32, #tpu.memory_space<vmem>>
      %dma_start3A_241 = arith.constant 0 : i32
      %dma_start3A_242 = arith.constant 0 : i32
      %dma_start3A_243 = tpu.memref_slice %arg18[%dma_start3A_241, %dma_start3A_242] : memref<10000x64xf32, #tpu.memory_space<vmem_shared>> -> memref<10000x64xf32, #tpu.memory_space<vmem_shared>>
      tpu.enqueue_indirect_dma source(%arg9 : memref<64x64xf32, #tpu.memory_space<vmem>>) target(%dma_start3A_243 : memref<10000x64xf32, #tpu.memory_space<vmem_shared>>) offsets(%dma_start3A_240 : memref<64xi32, #tpu.memory_space<vmem>>) semaphore(%arg31 : memref<!tpu.dma_semaphore, #tpu.memory_space<semaphore_mem>>) {add = true}
      %ge3A_244 = arith.constant 2 : i32
      %ge3A_245 = arith.cmpi sge, %add3A_231, %ge3A_244 : i32
      %convert_element_type3A_246 = arith.extui %ge3A_245 : i1 to i32
      %cond3A_247 = arith.constant 0 : i32
      %cond3A_248 = arith.cmpi ne, %convert_element_type3A_246, %cond3A_247 : i32
      scf.if %cond3A_248 {
        %sub3A_430 = arith.constant 2 : i32
        %sub3A_431 = arith.subi %add3A_231, %sub3A_430 : i32
        %dma_wait3A_432 = arith.constant 0 : i32
        %dma_wait3A_433 = tpu.memref_slice %arg6[%sub3A_431, %dma_wait3A_432] : memref<320x64xi32, #tpu.memory_space<vmem>> -> memref<1x64xi32, #tpu.memory_space<vmem>>
        %dma_wait3A_434 = tpu.memref_squeeze %dma_wait3A_433 : memref<1x64xi32, #tpu.memory_space<vmem>> -> memref<64xi32, #tpu.memory_space<vmem>>
        %dma_wait3A_435 = arith.constant 0 : i32
        %dma_wait3A_436 = arith.constant 0 : i32
        %dma_wait3A_437 = tpu.memref_slice %arg18[%dma_wait3A_435, %dma_wait3A_436] : memref<10000x64xf32, #tpu.memory_space<vmem_shared>> -> memref<10000x64xf32, #tpu.memory_space<vmem_shared>>
        tpu.wait_indirect_dma semaphore(%arg29 : memref<!tpu.dma_semaphore, #tpu.memory_space<semaphore_mem>>) src(%arg7 : memref<64x64xf32, #tpu.memory_space<vmem>>) dst(%dma_wait3A_437 : memref<10000x64xf32, #tpu.memory_space<vmem_shared>>)
      } else {
      }
      %add3A_249 = arith.constant 8 : i32
      %add3A_250 = arith.addi %add3A_231, %add3A_249 : i32
      %lt3A_251 = arith.cmpi slt, %add3A_250, %select_n3A : i32
      %convert_element_type3A_252 = arith.extui %lt3A_251 : i1 to i32
      %cond3A_253 = arith.constant 0 : i32
      %cond3A_254 = arith.cmpi ne, %convert_element_type3A_252, %cond3A_253 : i32
      scf.if %cond3A_254 {
        %add3A_430 = arith.constant 8 : i32
        %add3A_431 = arith.addi %add3A_231, %add3A_430 : i32
        %dma_start3A_432 = arith.constant 0 : i32
        %dma_start3A_433 = tpu.memref_slice %arg5[%add3A_431, %dma_start3A_432] : memref<320x64xi32, #tpu.memory_space<vmem>> -> memref<1x64xi32, #tpu.memory_space<vmem>>
        %dma_start3A_434 = tpu.memref_squeeze %dma_start3A_433 : memref<1x64xi32, #tpu.memory_space<vmem>> -> memref<64xi32, #tpu.memory_space<vmem>>
        %dma_start3A_435 = arith.constant 0 : i32
        %dma_start3A_436 = arith.constant 0 : i32
        %dma_start3A_437 = tpu.memref_slice %arg2[%dma_start3A_435, %dma_start3A_436] : memref<20000x64xf32, #tpu.memory_space<hbm>> -> memref<20000x64xf32, #tpu.memory_space<hbm>>
        tpu.enqueue_indirect_dma source(%dma_start3A_437 : memref<20000x64xf32, #tpu.memory_space<hbm>>) target(%arg7 : memref<64x64xf32, #tpu.memory_space<vmem>>) offsets(%dma_start3A_434 : memref<64xi32, #tpu.memory_space<vmem>>) semaphore(%arg19 : memref<!tpu.dma_semaphore, #tpu.memory_space<semaphore_mem>>)
      } else {
      }
      %add3A_255 = arith.constant 3 : i32
      %add3A_256 = arith.addi %add3A_180, %add3A_255 : i32
      %dma_wait3A_257 = arith.constant 0 : i32
      %dma_wait3A_258 = tpu.memref_slice %arg5[%add3A_256, %dma_wait3A_257] : memref<320x64xi32, #tpu.memory_space<vmem>> -> memref<1x64xi32, #tpu.memory_space<vmem>>
      %dma_wait3A_259 = tpu.memref_squeeze %dma_wait3A_258 : memref<1x64xi32, #tpu.memory_space<vmem>> -> memref<64xi32, #tpu.memory_space<vmem>>
      %dma_wait3A_260 = arith.constant 0 : i32
      %dma_wait3A_261 = arith.constant 0 : i32
      %dma_wait3A_262 = tpu.memref_slice %arg2[%dma_wait3A_260, %dma_wait3A_261] : memref<20000x64xf32, #tpu.memory_space<hbm>> -> memref<20000x64xf32, #tpu.memory_space<hbm>>
      tpu.wait_indirect_dma semaphore(%arg22 : memref<!tpu.dma_semaphore, #tpu.memory_space<semaphore_mem>>) src(%dma_wait3A_262 : memref<20000x64xf32, #tpu.memory_space<hbm>>) dst(%arg10 : memref<64x64xf32, #tpu.memory_space<vmem>>)
      %dma_start3A_263 = arith.constant 0 : i32
      %dma_start3A_264 = tpu.memref_slice %arg6[%add3A_256, %dma_start3A_263] : memref<320x64xi32, #tpu.memory_space<vmem>> -> memref<1x64xi32, #tpu.memory_space<vmem>>
      %dma_start3A_265 = tpu.memref_squeeze %dma_start3A_264 : memref<1x64xi32, #tpu.memory_space<vmem>> -> memref<64xi32, #tpu.memory_space<vmem>>
      %dma_start3A_266 = arith.constant 0 : i32
      %dma_start3A_267 = arith.constant 0 : i32
      %dma_start3A_268 = tpu.memref_slice %arg18[%dma_start3A_266, %dma_start3A_267] : memref<10000x64xf32, #tpu.memory_space<vmem_shared>> -> memref<10000x64xf32, #tpu.memory_space<vmem_shared>>
      tpu.enqueue_indirect_dma source(%arg10 : memref<64x64xf32, #tpu.memory_space<vmem>>) target(%dma_start3A_268 : memref<10000x64xf32, #tpu.memory_space<vmem_shared>>) offsets(%dma_start3A_265 : memref<64xi32, #tpu.memory_space<vmem>>) semaphore(%arg32 : memref<!tpu.dma_semaphore, #tpu.memory_space<semaphore_mem>>) {add = true}
      %ge3A_269 = arith.constant 2 : i32
      %ge3A_270 = arith.cmpi sge, %add3A_256, %ge3A_269 : i32
      %convert_element_type3A_271 = arith.extui %ge3A_270 : i1 to i32
      %cond3A_272 = arith.constant 0 : i32
      %cond3A_273 = arith.cmpi ne, %convert_element_type3A_271, %cond3A_272 : i32
      scf.if %cond3A_273 {
        %sub3A_430 = arith.constant 2 : i32
        %sub3A_431 = arith.subi %add3A_256, %sub3A_430 : i32
        %dma_wait3A_432 = arith.constant 0 : i32
        %dma_wait3A_433 = tpu.memref_slice %arg6[%sub3A_431, %dma_wait3A_432] : memref<320x64xi32, #tpu.memory_space<vmem>> -> memref<1x64xi32, #tpu.memory_space<vmem>>
        %dma_wait3A_434 = tpu.memref_squeeze %dma_wait3A_433 : memref<1x64xi32, #tpu.memory_space<vmem>> -> memref<64xi32, #tpu.memory_space<vmem>>
        %dma_wait3A_435 = arith.constant 0 : i32
        %dma_wait3A_436 = arith.constant 0 : i32
        %dma_wait3A_437 = tpu.memref_slice %arg18[%dma_wait3A_435, %dma_wait3A_436] : memref<10000x64xf32, #tpu.memory_space<vmem_shared>> -> memref<10000x64xf32, #tpu.memory_space<vmem_shared>>
        tpu.wait_indirect_dma semaphore(%arg30 : memref<!tpu.dma_semaphore, #tpu.memory_space<semaphore_mem>>) src(%arg8 : memref<64x64xf32, #tpu.memory_space<vmem>>) dst(%dma_wait3A_437 : memref<10000x64xf32, #tpu.memory_space<vmem_shared>>)
      } else {
      }
      %add3A_274 = arith.constant 8 : i32
      %add3A_275 = arith.addi %add3A_256, %add3A_274 : i32
      %lt3A_276 = arith.cmpi slt, %add3A_275, %select_n3A : i32
      %convert_element_type3A_277 = arith.extui %lt3A_276 : i1 to i32
      %cond3A_278 = arith.constant 0 : i32
      %cond3A_279 = arith.cmpi ne, %convert_element_type3A_277, %cond3A_278 : i32
      scf.if %cond3A_279 {
        %add3A_430 = arith.constant 8 : i32
        %add3A_431 = arith.addi %add3A_256, %add3A_430 : i32
        %dma_start3A_432 = arith.constant 0 : i32
        %dma_start3A_433 = tpu.memref_slice %arg5[%add3A_431, %dma_start3A_432] : memref<320x64xi32, #tpu.memory_space<vmem>> -> memref<1x64xi32, #tpu.memory_space<vmem>>
        %dma_start3A_434 = tpu.memref_squeeze %dma_start3A_433 : memref<1x64xi32, #tpu.memory_space<vmem>> -> memref<64xi32, #tpu.memory_space<vmem>>
        %dma_start3A_435 = arith.constant 0 : i32
        %dma_start3A_436 = arith.constant 0 : i32
        %dma_start3A_437 = tpu.memref_slice %arg2[%dma_start3A_435, %dma_start3A_436] : memref<20000x64xf32, #tpu.memory_space<hbm>> -> memref<20000x64xf32, #tpu.memory_space<hbm>>
        tpu.enqueue_indirect_dma source(%dma_start3A_437 : memref<20000x64xf32, #tpu.memory_space<hbm>>) target(%arg8 : memref<64x64xf32, #tpu.memory_space<vmem>>) offsets(%dma_start3A_434 : memref<64xi32, #tpu.memory_space<vmem>>) semaphore(%arg20 : memref<!tpu.dma_semaphore, #tpu.memory_space<semaphore_mem>>)
      } else {
      }
      %add3A_280 = arith.constant 4 : i32
      %add3A_281 = arith.addi %add3A_180, %add3A_280 : i32
      %dma_wait3A_282 = arith.constant 0 : i32
      %dma_wait3A_283 = tpu.memref_slice %arg5[%add3A_281, %dma_wait3A_282] : memref<320x64xi32, #tpu.memory_space<vmem>> -> memref<1x64xi32, #tpu.memory_space<vmem>>
      %dma_wait3A_284 = tpu.memref_squeeze %dma_wait3A_283 : memref<1x64xi32, #tpu.memory_space<vmem>> -> memref<64xi32, #tpu.memory_space<vmem>>
      %dma_wait3A_285 = arith.constant 0 : i32
      %dma_wait3A_286 = arith.constant 0 : i32
      %dma_wait3A_287 = tpu.memref_slice %arg2[%dma_wait3A_285, %dma_wait3A_286] : memref<20000x64xf32, #tpu.memory_space<hbm>> -> memref<20000x64xf32, #tpu.memory_space<hbm>>
      tpu.wait_indirect_dma semaphore(%arg23 : memref<!tpu.dma_semaphore, #tpu.memory_space<semaphore_mem>>) src(%dma_wait3A_287 : memref<20000x64xf32, #tpu.memory_space<hbm>>) dst(%arg11 : memref<64x64xf32, #tpu.memory_space<vmem>>)
      %dma_start3A_288 = arith.constant 0 : i32
      %dma_start3A_289 = tpu.memref_slice %arg6[%add3A_281, %dma_start3A_288] : memref<320x64xi32, #tpu.memory_space<vmem>> -> memref<1x64xi32, #tpu.memory_space<vmem>>
      %dma_start3A_290 = tpu.memref_squeeze %dma_start3A_289 : memref<1x64xi32, #tpu.memory_space<vmem>> -> memref<64xi32, #tpu.memory_space<vmem>>
      %dma_start3A_291 = arith.constant 0 : i32
      %dma_start3A_292 = arith.constant 0 : i32
      %dma_start3A_293 = tpu.memref_slice %arg18[%dma_start3A_291, %dma_start3A_292] : memref<10000x64xf32, #tpu.memory_space<vmem_shared>> -> memref<10000x64xf32, #tpu.memory_space<vmem_shared>>
      tpu.enqueue_indirect_dma source(%arg11 : memref<64x64xf32, #tpu.memory_space<vmem>>) target(%dma_start3A_293 : memref<10000x64xf32, #tpu.memory_space<vmem_shared>>) offsets(%dma_start3A_290 : memref<64xi32, #tpu.memory_space<vmem>>) semaphore(%arg33 : memref<!tpu.dma_semaphore, #tpu.memory_space<semaphore_mem>>) {add = true}
      %ge3A_294 = arith.constant 2 : i32
      %ge3A_295 = arith.cmpi sge, %add3A_281, %ge3A_294 : i32
      %convert_element_type3A_296 = arith.extui %ge3A_295 : i1 to i32
      %cond3A_297 = arith.constant 0 : i32
      %cond3A_298 = arith.cmpi ne, %convert_element_type3A_296, %cond3A_297 : i32
      scf.if %cond3A_298 {
        %sub3A_430 = arith.constant 2 : i32
        %sub3A_431 = arith.subi %add3A_281, %sub3A_430 : i32
        %dma_wait3A_432 = arith.constant 0 : i32
        %dma_wait3A_433 = tpu.memref_slice %arg6[%sub3A_431, %dma_wait3A_432] : memref<320x64xi32, #tpu.memory_space<vmem>> -> memref<1x64xi32, #tpu.memory_space<vmem>>
        %dma_wait3A_434 = tpu.memref_squeeze %dma_wait3A_433 : memref<1x64xi32, #tpu.memory_space<vmem>> -> memref<64xi32, #tpu.memory_space<vmem>>
        %dma_wait3A_435 = arith.constant 0 : i32
        %dma_wait3A_436 = arith.constant 0 : i32
        %dma_wait3A_437 = tpu.memref_slice %arg18[%dma_wait3A_435, %dma_wait3A_436] : memref<10000x64xf32, #tpu.memory_space<vmem_shared>> -> memref<10000x64xf32, #tpu.memory_space<vmem_shared>>
        tpu.wait_indirect_dma semaphore(%arg31 : memref<!tpu.dma_semaphore, #tpu.memory_space<semaphore_mem>>) src(%arg9 : memref<64x64xf32, #tpu.memory_space<vmem>>) dst(%dma_wait3A_437 : memref<10000x64xf32, #tpu.memory_space<vmem_shared>>)
      } else {
      }
      %add3A_299 = arith.constant 8 : i32
      %add3A_300 = arith.addi %add3A_281, %add3A_299 : i32
      %lt3A_301 = arith.cmpi slt, %add3A_300, %select_n3A : i32
      %convert_element_type3A_302 = arith.extui %lt3A_301 : i1 to i32
      %cond3A_303 = arith.constant 0 : i32
      %cond3A_304 = arith.cmpi ne, %convert_element_type3A_302, %cond3A_303 : i32
      scf.if %cond3A_304 {
        %add3A_430 = arith.constant 8 : i32
        %add3A_431 = arith.addi %add3A_281, %add3A_430 : i32
        %dma_start3A_432 = arith.constant 0 : i32
        %dma_start3A_433 = tpu.memref_slice %arg5[%add3A_431, %dma_start3A_432] : memref<320x64xi32, #tpu.memory_space<vmem>> -> memref<1x64xi32, #tpu.memory_space<vmem>>
        %dma_start3A_434 = tpu.memref_squeeze %dma_start3A_433 : memref<1x64xi32, #tpu.memory_space<vmem>> -> memref<64xi32, #tpu.memory_space<vmem>>
        %dma_start3A_435 = arith.constant 0 : i32
        %dma_start3A_436 = arith.constant 0 : i32
        %dma_start3A_437 = tpu.memref_slice %arg2[%dma_start3A_435, %dma_start3A_436] : memref<20000x64xf32, #tpu.memory_space<hbm>> -> memref<20000x64xf32, #tpu.memory_space<hbm>>
        tpu.enqueue_indirect_dma source(%dma_start3A_437 : memref<20000x64xf32, #tpu.memory_space<hbm>>) target(%arg9 : memref<64x64xf32, #tpu.memory_space<vmem>>) offsets(%dma_start3A_434 : memref<64xi32, #tpu.memory_space<vmem>>) semaphore(%arg21 : memref<!tpu.dma_semaphore, #tpu.memory_space<semaphore_mem>>)
      } else {
      }
      %add3A_305 = arith.constant 5 : i32
      %add3A_306 = arith.addi %add3A_180, %add3A_305 : i32
      %dma_wait3A_307 = arith.constant 0 : i32
      %dma_wait3A_308 = tpu.memref_slice %arg5[%add3A_306, %dma_wait3A_307] : memref<320x64xi32, #tpu.memory_space<vmem>> -> memref<1x64xi32, #tpu.memory_space<vmem>>
      %dma_wait3A_309 = tpu.memref_squeeze %dma_wait3A_308 : memref<1x64xi32, #tpu.memory_space<vmem>> -> memref<64xi32, #tpu.memory_space<vmem>>
      %dma_wait3A_310 = arith.constant 0 : i32
      %dma_wait3A_311 = arith.constant 0 : i32
      %dma_wait3A_312 = tpu.memref_slice %arg2[%dma_wait3A_310, %dma_wait3A_311] : memref<20000x64xf32, #tpu.memory_space<hbm>> -> memref<20000x64xf32, #tpu.memory_space<hbm>>
      tpu.wait_indirect_dma semaphore(%arg24 : memref<!tpu.dma_semaphore, #tpu.memory_space<semaphore_mem>>) src(%dma_wait3A_312 : memref<20000x64xf32, #tpu.memory_space<hbm>>) dst(%arg12 : memref<64x64xf32, #tpu.memory_space<vmem>>)
      %dma_start3A_313 = arith.constant 0 : i32
      %dma_start3A_314 = tpu.memref_slice %arg6[%add3A_306, %dma_start3A_313] : memref<320x64xi32, #tpu.memory_space<vmem>> -> memref<1x64xi32, #tpu.memory_space<vmem>>
      %dma_start3A_315 = tpu.memref_squeeze %dma_start3A_314 : memref<1x64xi32, #tpu.memory_space<vmem>> -> memref<64xi32, #tpu.memory_space<vmem>>
      %dma_start3A_316 = arith.constant 0 : i32
      %dma_start3A_317 = arith.constant 0 : i32
      %dma_start3A_318 = tpu.memref_slice %arg18[%dma_start3A_316, %dma_start3A_317] : memref<10000x64xf32, #tpu.memory_space<vmem_shared>> -> memref<10000x64xf32, #tpu.memory_space<vmem_shared>>
      tpu.enqueue_indirect_dma source(%arg12 : memref<64x64xf32, #tpu.memory_space<vmem>>) target(%dma_start3A_318 : memref<10000x64xf32, #tpu.memory_space<vmem_shared>>) offsets(%dma_start3A_315 : memref<64xi32, #tpu.memory_space<vmem>>) semaphore(%arg34 : memref<!tpu.dma_semaphore, #tpu.memory_space<semaphore_mem>>) {add = true}
      %ge3A_319 = arith.constant 2 : i32
      %ge3A_320 = arith.cmpi sge, %add3A_306, %ge3A_319 : i32
      %convert_element_type3A_321 = arith.extui %ge3A_320 : i1 to i32
      %cond3A_322 = arith.constant 0 : i32
      %cond3A_323 = arith.cmpi ne, %convert_element_type3A_321, %cond3A_322 : i32
      scf.if %cond3A_323 {
        %sub3A_430 = arith.constant 2 : i32
        %sub3A_431 = arith.subi %add3A_306, %sub3A_430 : i32
        %dma_wait3A_432 = arith.constant 0 : i32
        %dma_wait3A_433 = tpu.memref_slice %arg6[%sub3A_431, %dma_wait3A_432] : memref<320x64xi32, #tpu.memory_space<vmem>> -> memref<1x64xi32, #tpu.memory_space<vmem>>
        %dma_wait3A_434 = tpu.memref_squeeze %dma_wait3A_433 : memref<1x64xi32, #tpu.memory_space<vmem>> -> memref<64xi32, #tpu.memory_space<vmem>>
        %dma_wait3A_435 = arith.constant 0 : i32
        %dma_wait3A_436 = arith.constant 0 : i32
        %dma_wait3A_437 = tpu.memref_slice %arg18[%dma_wait3A_435, %dma_wait3A_436] : memref<10000x64xf32, #tpu.memory_space<vmem_shared>> -> memref<10000x64xf32, #tpu.memory_space<vmem_shared>>
        tpu.wait_indirect_dma semaphore(%arg32 : memref<!tpu.dma_semaphore, #tpu.memory_space<semaphore_mem>>) src(%arg10 : memref<64x64xf32, #tpu.memory_space<vmem>>) dst(%dma_wait3A_437 : memref<10000x64xf32, #tpu.memory_space<vmem_shared>>)
      } else {
      }
      %add3A_324 = arith.constant 8 : i32
      %add3A_325 = arith.addi %add3A_306, %add3A_324 : i32
      %lt3A_326 = arith.cmpi slt, %add3A_325, %select_n3A : i32
      %convert_element_type3A_327 = arith.extui %lt3A_326 : i1 to i32
      %cond3A_328 = arith.constant 0 : i32
      %cond3A_329 = arith.cmpi ne, %convert_element_type3A_327, %cond3A_328 : i32
      scf.if %cond3A_329 {
        %add3A_430 = arith.constant 8 : i32
        %add3A_431 = arith.addi %add3A_306, %add3A_430 : i32
        %dma_start3A_432 = arith.constant 0 : i32
        %dma_start3A_433 = tpu.memref_slice %arg5[%add3A_431, %dma_start3A_432] : memref<320x64xi32, #tpu.memory_space<vmem>> -> memref<1x64xi32, #tpu.memory_space<vmem>>
        %dma_start3A_434 = tpu.memref_squeeze %dma_start3A_433 : memref<1x64xi32, #tpu.memory_space<vmem>> -> memref<64xi32, #tpu.memory_space<vmem>>
        %dma_start3A_435 = arith.constant 0 : i32
        %dma_start3A_436 = arith.constant 0 : i32
        %dma_start3A_437 = tpu.memref_slice %arg2[%dma_start3A_435, %dma_start3A_436] : memref<20000x64xf32, #tpu.memory_space<hbm>> -> memref<20000x64xf32, #tpu.memory_space<hbm>>
        tpu.enqueue_indirect_dma source(%dma_start3A_437 : memref<20000x64xf32, #tpu.memory_space<hbm>>) target(%arg10 : memref<64x64xf32, #tpu.memory_space<vmem>>) offsets(%dma_start3A_434 : memref<64xi32, #tpu.memory_space<vmem>>) semaphore(%arg22 : memref<!tpu.dma_semaphore, #tpu.memory_space<semaphore_mem>>)
      } else {
      }
      %add3A_330 = arith.constant 6 : i32
      %add3A_331 = arith.addi %add3A_180, %add3A_330 : i32
      %dma_wait3A_332 = arith.constant 0 : i32
      %dma_wait3A_333 = tpu.memref_slice %arg5[%add3A_331, %dma_wait3A_332] : memref<320x64xi32, #tpu.memory_space<vmem>> -> memref<1x64xi32, #tpu.memory_space<vmem>>
      %dma_wait3A_334 = tpu.memref_squeeze %dma_wait3A_333 : memref<1x64xi32, #tpu.memory_space<vmem>> -> memref<64xi32, #tpu.memory_space<vmem>>
      %dma_wait3A_335 = arith.constant 0 : i32
      %dma_wait3A_336 = arith.constant 0 : i32
      %dma_wait3A_337 = tpu.memref_slice %arg2[%dma_wait3A_335, %dma_wait3A_336] : memref<20000x64xf32, #tpu.memory_space<hbm>> -> memref<20000x64xf32, #tpu.memory_space<hbm>>
      tpu.wait_indirect_dma semaphore(%arg25 : memref<!tpu.dma_semaphore, #tpu.memory_space<semaphore_mem>>) src(%dma_wait3A_337 : memref<20000x64xf32, #tpu.memory_space<hbm>>) dst(%arg13 : memref<64x64xf32, #tpu.memory_space<vmem>>)
      %dma_start3A_338 = arith.constant 0 : i32
      %dma_start3A_339 = tpu.memref_slice %arg6[%add3A_331, %dma_start3A_338] : memref<320x64xi32, #tpu.memory_space<vmem>> -> memref<1x64xi32, #tpu.memory_space<vmem>>
      %dma_start3A_340 = tpu.memref_squeeze %dma_start3A_339 : memref<1x64xi32, #tpu.memory_space<vmem>> -> memref<64xi32, #tpu.memory_space<vmem>>
      %dma_start3A_341 = arith.constant 0 : i32
      %dma_start3A_342 = arith.constant 0 : i32
      %dma_start3A_343 = tpu.memref_slice %arg18[%dma_start3A_341, %dma_start3A_342] : memref<10000x64xf32, #tpu.memory_space<vmem_shared>> -> memref<10000x64xf32, #tpu.memory_space<vmem_shared>>
      tpu.enqueue_indirect_dma source(%arg13 : memref<64x64xf32, #tpu.memory_space<vmem>>) target(%dma_start3A_343 : memref<10000x64xf32, #tpu.memory_space<vmem_shared>>) offsets(%dma_start3A_340 : memref<64xi32, #tpu.memory_space<vmem>>) semaphore(%arg35 : memref<!tpu.dma_semaphore, #tpu.memory_space<semaphore_mem>>) {add = true}
      %ge3A_344 = arith.constant 2 : i32
      %ge3A_345 = arith.cmpi sge, %add3A_331, %ge3A_344 : i32
      %convert_element_type3A_346 = arith.extui %ge3A_345 : i1 to i32
      %cond3A_347 = arith.constant 0 : i32
      %cond3A_348 = arith.cmpi ne, %convert_element_type3A_346, %cond3A_347 : i32
      scf.if %cond3A_348 {
        %sub3A_430 = arith.constant 2 : i32
        %sub3A_431 = arith.subi %add3A_331, %sub3A_430 : i32
        %dma_wait3A_432 = arith.constant 0 : i32
        %dma_wait3A_433 = tpu.memref_slice %arg6[%sub3A_431, %dma_wait3A_432] : memref<320x64xi32, #tpu.memory_space<vmem>> -> memref<1x64xi32, #tpu.memory_space<vmem>>
        %dma_wait3A_434 = tpu.memref_squeeze %dma_wait3A_433 : memref<1x64xi32, #tpu.memory_space<vmem>> -> memref<64xi32, #tpu.memory_space<vmem>>
        %dma_wait3A_435 = arith.constant 0 : i32
        %dma_wait3A_436 = arith.constant 0 : i32
        %dma_wait3A_437 = tpu.memref_slice %arg18[%dma_wait3A_435, %dma_wait3A_436] : memref<10000x64xf32, #tpu.memory_space<vmem_shared>> -> memref<10000x64xf32, #tpu.memory_space<vmem_shared>>
        tpu.wait_indirect_dma semaphore(%arg33 : memref<!tpu.dma_semaphore, #tpu.memory_space<semaphore_mem>>) src(%arg11 : memref<64x64xf32, #tpu.memory_space<vmem>>) dst(%dma_wait3A_437 : memref<10000x64xf32, #tpu.memory_space<vmem_shared>>)
      } else {
      }
      %add3A_349 = arith.constant 8 : i32
      %add3A_350 = arith.addi %add3A_331, %add3A_349 : i32
      %lt3A_351 = arith.cmpi slt, %add3A_350, %select_n3A : i32
      %convert_element_type3A_352 = arith.extui %lt3A_351 : i1 to i32
      %cond3A_353 = arith.constant 0 : i32
      %cond3A_354 = arith.cmpi ne, %convert_element_type3A_352, %cond3A_353 : i32
      scf.if %cond3A_354 {
        %add3A_430 = arith.constant 8 : i32
        %add3A_431 = arith.addi %add3A_331, %add3A_430 : i32
        %dma_start3A_432 = arith.constant 0 : i32
        %dma_start3A_433 = tpu.memref_slice %arg5[%add3A_431, %dma_start3A_432] : memref<320x64xi32, #tpu.memory_space<vmem>> -> memref<1x64xi32, #tpu.memory_space<vmem>>
        %dma_start3A_434 = tpu.memref_squeeze %dma_start3A_433 : memref<1x64xi32, #tpu.memory_space<vmem>> -> memref<64xi32, #tpu.memory_space<vmem>>
        %dma_start3A_435 = arith.constant 0 : i32
        %dma_start3A_436 = arith.constant 0 : i32
        %dma_start3A_437 = tpu.memref_slice %arg2[%dma_start3A_435, %dma_start3A_436] : memref<20000x64xf32, #tpu.memory_space<hbm>> -> memref<20000x64xf32, #tpu.memory_space<hbm>>
        tpu.enqueue_indirect_dma source(%dma_start3A_437 : memref<20000x64xf32, #tpu.memory_space<hbm>>) target(%arg11 : memref<64x64xf32, #tpu.memory_space<vmem>>) offsets(%dma_start3A_434 : memref<64xi32, #tpu.memory_space<vmem>>) semaphore(%arg23 : memref<!tpu.dma_semaphore, #tpu.memory_space<semaphore_mem>>)
      } else {
      }
      %add3A_355 = arith.constant 7 : i32
      %add3A_356 = arith.addi %add3A_180, %add3A_355 : i32
      %dma_wait3A_357 = arith.constant 0 : i32
      %dma_wait3A_358 = tpu.memref_slice %arg5[%add3A_356, %dma_wait3A_357] : memref<320x64xi32, #tpu.memory_space<vmem>> -> memref<1x64xi32, #tpu.memory_space<vmem>>
      %dma_wait3A_359 = tpu.memref_squeeze %dma_wait3A_358 : memref<1x64xi32, #tpu.memory_space<vmem>> -> memref<64xi32, #tpu.memory_space<vmem>>
      %dma_wait3A_360 = arith.constant 0 : i32
      %dma_wait3A_361 = arith.constant 0 : i32
      %dma_wait3A_362 = tpu.memref_slice %arg2[%dma_wait3A_360, %dma_wait3A_361] : memref<20000x64xf32, #tpu.memory_space<hbm>> -> memref<20000x64xf32, #tpu.memory_space<hbm>>
      tpu.wait_indirect_dma semaphore(%arg26 : memref<!tpu.dma_semaphore, #tpu.memory_space<semaphore_mem>>) src(%dma_wait3A_362 : memref<20000x64xf32, #tpu.memory_space<hbm>>) dst(%arg14 : memref<64x64xf32, #tpu.memory_space<vmem>>)
      %dma_start3A_363 = arith.constant 0 : i32
      %dma_start3A_364 = tpu.memref_slice %arg6[%add3A_356, %dma_start3A_363] : memref<320x64xi32, #tpu.memory_space<vmem>> -> memref<1x64xi32, #tpu.memory_space<vmem>>
      %dma_start3A_365 = tpu.memref_squeeze %dma_start3A_364 : memref<1x64xi32, #tpu.memory_space<vmem>> -> memref<64xi32, #tpu.memory_space<vmem>>
      %dma_start3A_366 = arith.constant 0 : i32
      %dma_start3A_367 = arith.constant 0 : i32
      %dma_start3A_368 = tpu.memref_slice %arg18[%dma_start3A_366, %dma_start3A_367] : memref<10000x64xf32, #tpu.memory_space<vmem_shared>> -> memref<10000x64xf32, #tpu.memory_space<vmem_shared>>
      tpu.enqueue_indirect_dma source(%arg14 : memref<64x64xf32, #tpu.memory_space<vmem>>) target(%dma_start3A_368 : memref<10000x64xf32, #tpu.memory_space<vmem_shared>>) offsets(%dma_start3A_365 : memref<64xi32, #tpu.memory_space<vmem>>) semaphore(%arg36 : memref<!tpu.dma_semaphore, #tpu.memory_space<semaphore_mem>>) {add = true}
      %ge3A_369 = arith.constant 2 : i32
      %ge3A_370 = arith.cmpi sge, %add3A_356, %ge3A_369 : i32
      %convert_element_type3A_371 = arith.extui %ge3A_370 : i1 to i32
      %cond3A_372 = arith.constant 0 : i32
      %cond3A_373 = arith.cmpi ne, %convert_element_type3A_371, %cond3A_372 : i32
      scf.if %cond3A_373 {
        %sub3A_430 = arith.constant 2 : i32
        %sub3A_431 = arith.subi %add3A_356, %sub3A_430 : i32
        %dma_wait3A_432 = arith.constant 0 : i32
        %dma_wait3A_433 = tpu.memref_slice %arg6[%sub3A_431, %dma_wait3A_432] : memref<320x64xi32, #tpu.memory_space<vmem>> -> memref<1x64xi32, #tpu.memory_space<vmem>>
        %dma_wait3A_434 = tpu.memref_squeeze %dma_wait3A_433 : memref<1x64xi32, #tpu.memory_space<vmem>> -> memref<64xi32, #tpu.memory_space<vmem>>
        %dma_wait3A_435 = arith.constant 0 : i32
        %dma_wait3A_436 = arith.constant 0 : i32
        %dma_wait3A_437 = tpu.memref_slice %arg18[%dma_wait3A_435, %dma_wait3A_436] : memref<10000x64xf32, #tpu.memory_space<vmem_shared>> -> memref<10000x64xf32, #tpu.memory_space<vmem_shared>>
        tpu.wait_indirect_dma semaphore(%arg34 : memref<!tpu.dma_semaphore, #tpu.memory_space<semaphore_mem>>) src(%arg12 : memref<64x64xf32, #tpu.memory_space<vmem>>) dst(%dma_wait3A_437 : memref<10000x64xf32, #tpu.memory_space<vmem_shared>>)
      } else {
      }
      %add3A_374 = arith.constant 8 : i32
      %add3A_375 = arith.addi %add3A_356, %add3A_374 : i32
      %lt3A_376 = arith.cmpi slt, %add3A_375, %select_n3A : i32
      %convert_element_type3A_377 = arith.extui %lt3A_376 : i1 to i32
      %cond3A_378 = arith.constant 0 : i32
      %cond3A_379 = arith.cmpi ne, %convert_element_type3A_377, %cond3A_378 : i32
      scf.if %cond3A_379 {
        %add3A_430 = arith.constant 8 : i32
        %add3A_431 = arith.addi %add3A_356, %add3A_430 : i32
        %dma_start3A_432 = arith.constant 0 : i32
        %dma_start3A_433 = tpu.memref_slice %arg5[%add3A_431, %dma_start3A_432] : memref<320x64xi32, #tpu.memory_space<vmem>> -> memref<1x64xi32, #tpu.memory_space<vmem>>
        %dma_start3A_434 = tpu.memref_squeeze %dma_start3A_433 : memref<1x64xi32, #tpu.memory_space<vmem>> -> memref<64xi32, #tpu.memory_space<vmem>>
        %dma_start3A_435 = arith.constant 0 : i32
        %dma_start3A_436 = arith.constant 0 : i32
        %dma_start3A_437 = tpu.memref_slice %arg2[%dma_start3A_435, %dma_start3A_436] : memref<20000x64xf32, #tpu.memory_space<hbm>> -> memref<20000x64xf32, #tpu.memory_space<hbm>>
        tpu.enqueue_indirect_dma source(%dma_start3A_437 : memref<20000x64xf32, #tpu.memory_space<hbm>>) target(%arg12 : memref<64x64xf32, #tpu.memory_space<vmem>>) offsets(%dma_start3A_434 : memref<64xi32, #tpu.memory_space<vmem>>) semaphore(%arg24 : memref<!tpu.dma_semaphore, #tpu.memory_space<semaphore_mem>>)
      } else {
      }
      %add3A_380 = arith.constant 8 : i32
      %add3A_381 = arith.addi %add3A_180, %add3A_380 : i32
      %dma_wait3A_382 = arith.constant 0 : i32
      %dma_wait3A_383 = tpu.memref_slice %arg5[%add3A_381, %dma_wait3A_382] : memref<320x64xi32, #tpu.memory_space<vmem>> -> memref<1x64xi32, #tpu.memory_space<vmem>>
      %dma_wait3A_384 = tpu.memref_squeeze %dma_wait3A_383 : memref<1x64xi32, #tpu.memory_space<vmem>> -> memref<64xi32, #tpu.memory_space<vmem>>
      %dma_wait3A_385 = arith.constant 0 : i32
      %dma_wait3A_386 = arith.constant 0 : i32
      %dma_wait3A_387 = tpu.memref_slice %arg2[%dma_wait3A_385, %dma_wait3A_386] : memref<20000x64xf32, #tpu.memory_space<hbm>> -> memref<20000x64xf32, #tpu.memory_space<hbm>>
      tpu.wait_indirect_dma semaphore(%arg27 : memref<!tpu.dma_semaphore, #tpu.memory_space<semaphore_mem>>) src(%dma_wait3A_387 : memref<20000x64xf32, #tpu.memory_space<hbm>>) dst(%arg15 : memref<64x64xf32, #tpu.memory_space<vmem>>)
      %dma_start3A_388 = arith.constant 0 : i32
      %dma_start3A_389 = tpu.memref_slice %arg6[%add3A_381, %dma_start3A_388] : memref<320x64xi32, #tpu.memory_space<vmem>> -> memref<1x64xi32, #tpu.memory_space<vmem>>
      %dma_start3A_390 = tpu.memref_squeeze %dma_start3A_389 : memref<1x64xi32, #tpu.memory_space<vmem>> -> memref<64xi32, #tpu.memory_space<vmem>>
      %dma_start3A_391 = arith.constant 0 : i32
      %dma_start3A_392 = arith.constant 0 : i32
      %dma_start3A_393 = tpu.memref_slice %arg18[%dma_start3A_391, %dma_start3A_392] : memref<10000x64xf32, #tpu.memory_space<vmem_shared>> -> memref<10000x64xf32, #tpu.memory_space<vmem_shared>>
      tpu.enqueue_indirect_dma source(%arg15 : memref<64x64xf32, #tpu.memory_space<vmem>>) target(%dma_start3A_393 : memref<10000x64xf32, #tpu.memory_space<vmem_shared>>) offsets(%dma_start3A_390 : memref<64xi32, #tpu.memory_space<vmem>>) semaphore(%arg37 : memref<!tpu.dma_semaphore, #tpu.memory_space<semaphore_mem>>) {add = true}
      %ge3A_394 = arith.constant 2 : i32
      %ge3A_395 = arith.cmpi sge, %add3A_381, %ge3A_394 : i32
      %convert_element_type3A_396 = arith.extui %ge3A_395 : i1 to i32
      %cond3A_397 = arith.constant 0 : i32
      %cond3A_398 = arith.cmpi ne, %convert_element_type3A_396, %cond3A_397 : i32
      scf.if %cond3A_398 {
        %sub3A_430 = arith.constant 2 : i32
        %sub3A_431 = arith.subi %add3A_381, %sub3A_430 : i32
        %dma_wait3A_432 = arith.constant 0 : i32
        %dma_wait3A_433 = tpu.memref_slice %arg6[%sub3A_431, %dma_wait3A_432] : memref<320x64xi32, #tpu.memory_space<vmem>> -> memref<1x64xi32, #tpu.memory_space<vmem>>
        %dma_wait3A_434 = tpu.memref_squeeze %dma_wait3A_433 : memref<1x64xi32, #tpu.memory_space<vmem>> -> memref<64xi32, #tpu.memory_space<vmem>>
        %dma_wait3A_435 = arith.constant 0 : i32
        %dma_wait3A_436 = arith.constant 0 : i32
        %dma_wait3A_437 = tpu.memref_slice %arg18[%dma_wait3A_435, %dma_wait3A_436] : memref<10000x64xf32, #tpu.memory_space<vmem_shared>> -> memref<10000x64xf32, #tpu.memory_space<vmem_shared>>
        tpu.wait_indirect_dma semaphore(%arg35 : memref<!tpu.dma_semaphore, #tpu.memory_space<semaphore_mem>>) src(%arg13 : memref<64x64xf32, #tpu.memory_space<vmem>>) dst(%dma_wait3A_437 : memref<10000x64xf32, #tpu.memory_space<vmem_shared>>)
      } else {
      }
      %add3A_399 = arith.constant 8 : i32
      %add3A_400 = arith.addi %add3A_381, %add3A_399 : i32
      %lt3A_401 = arith.cmpi slt, %add3A_400, %select_n3A : i32
      %convert_element_type3A_402 = arith.extui %lt3A_401 : i1 to i32
      %cond3A_403 = arith.constant 0 : i32
      %cond3A_404 = arith.cmpi ne, %convert_element_type3A_402, %cond3A_403 : i32
      scf.if %cond3A_404 {
        %add3A_430 = arith.constant 8 : i32
        %add3A_431 = arith.addi %add3A_381, %add3A_430 : i32
        %dma_start3A_432 = arith.constant 0 : i32
        %dma_start3A_433 = tpu.memref_slice %arg5[%add3A_431, %dma_start3A_432] : memref<320x64xi32, #tpu.memory_space<vmem>> -> memref<1x64xi32, #tpu.memory_space<vmem>>
        %dma_start3A_434 = tpu.memref_squeeze %dma_start3A_433 : memref<1x64xi32, #tpu.memory_space<vmem>> -> memref<64xi32, #tpu.memory_space<vmem>>
        %dma_start3A_435 = arith.constant 0 : i32
        %dma_start3A_436 = arith.constant 0 : i32
        %dma_start3A_437 = tpu.memref_slice %arg2[%dma_start3A_435, %dma_start3A_436] : memref<20000x64xf32, #tpu.memory_space<hbm>> -> memref<20000x64xf32, #tpu.memory_space<hbm>>
        tpu.enqueue_indirect_dma source(%dma_start3A_437 : memref<20000x64xf32, #tpu.memory_space<hbm>>) target(%arg13 : memref<64x64xf32, #tpu.memory_space<vmem>>) offsets(%dma_start3A_434 : memref<64xi32, #tpu.memory_space<vmem>>) semaphore(%arg25 : memref<!tpu.dma_semaphore, #tpu.memory_space<semaphore_mem>>)
      } else {
      }
      %add3A_405 = arith.constant 9 : i32
      %add3A_406 = arith.addi %add3A_180, %add3A_405 : i32
      %dma_wait3A_407 = arith.constant 0 : i32
      %dma_wait3A_408 = tpu.memref_slice %arg5[%add3A_406, %dma_wait3A_407] : memref<320x64xi32, #tpu.memory_space<vmem>> -> memref<1x64xi32, #tpu.memory_space<vmem>>
      %dma_wait3A_409 = tpu.memref_squeeze %dma_wait3A_408 : memref<1x64xi32, #tpu.memory_space<vmem>> -> memref<64xi32, #tpu.memory_space<vmem>>
      %dma_wait3A_410 = arith.constant 0 : i32
      %dma_wait3A_411 = arith.constant 0 : i32
      %dma_wait3A_412 = tpu.memref_slice %arg2[%dma_wait3A_410, %dma_wait3A_411] : memref<20000x64xf32, #tpu.memory_space<hbm>> -> memref<20000x64xf32, #tpu.memory_space<hbm>>
      tpu.wait_indirect_dma semaphore(%arg28 : memref<!tpu.dma_semaphore, #tpu.memory_space<semaphore_mem>>) src(%dma_wait3A_412 : memref<20000x64xf32, #tpu.memory_space<hbm>>) dst(%arg16 : memref<64x64xf32, #tpu.memory_space<vmem>>)
      %dma_start3A_413 = arith.constant 0 : i32
      %dma_start3A_414 = tpu.memref_slice %arg6[%add3A_406, %dma_start3A_413] : memref<320x64xi32, #tpu.memory_space<vmem>> -> memref<1x64xi32, #tpu.memory_space<vmem>>
      %dma_start3A_415 = tpu.memref_squeeze %dma_start3A_414 : memref<1x64xi32, #tpu.memory_space<vmem>> -> memref<64xi32, #tpu.memory_space<vmem>>
      %dma_start3A_416 = arith.constant 0 : i32
      %dma_start3A_417 = arith.constant 0 : i32
      %dma_start3A_418 = tpu.memref_slice %arg18[%dma_start3A_416, %dma_start3A_417] : memref<10000x64xf32, #tpu.memory_space<vmem_shared>> -> memref<10000x64xf32, #tpu.memory_space<vmem_shared>>
      tpu.enqueue_indirect_dma source(%arg16 : memref<64x64xf32, #tpu.memory_space<vmem>>) target(%dma_start3A_418 : memref<10000x64xf32, #tpu.memory_space<vmem_shared>>) offsets(%dma_start3A_415 : memref<64xi32, #tpu.memory_space<vmem>>) semaphore(%arg38 : memref<!tpu.dma_semaphore, #tpu.memory_space<semaphore_mem>>) {add = true}
      %ge3A_419 = arith.constant 2 : i32
      %ge3A_420 = arith.cmpi sge, %add3A_406, %ge3A_419 : i32
      %convert_element_type3A_421 = arith.extui %ge3A_420 : i1 to i32
      %cond3A_422 = arith.constant 0 : i32
      %cond3A_423 = arith.cmpi ne, %convert_element_type3A_421, %cond3A_422 : i32
      scf.if %cond3A_423 {
        %sub3A_430 = arith.constant 2 : i32
        %sub3A_431 = arith.subi %add3A_406, %sub3A_430 : i32
        %dma_wait3A_432 = arith.constant 0 : i32
        %dma_wait3A_433 = tpu.memref_slice %arg6[%sub3A_431, %dma_wait3A_432] : memref<320x64xi32, #tpu.memory_space<vmem>> -> memref<1x64xi32, #tpu.memory_space<vmem>>
        %dma_wait3A_434 = tpu.memref_squeeze %dma_wait3A_433 : memref<1x64xi32, #tpu.memory_space<vmem>> -> memref<64xi32, #tpu.memory_space<vmem>>
        %dma_wait3A_435 = arith.constant 0 : i32
        %dma_wait3A_436 = arith.constant 0 : i32
        %dma_wait3A_437 = tpu.memref_slice %arg18[%dma_wait3A_435, %dma_wait3A_436] : memref<10000x64xf32, #tpu.memory_space<vmem_shared>> -> memref<10000x64xf32, #tpu.memory_space<vmem_shared>>
        tpu.wait_indirect_dma semaphore(%arg36 : memref<!tpu.dma_semaphore, #tpu.memory_space<semaphore_mem>>) src(%arg14 : memref<64x64xf32, #tpu.memory_space<vmem>>) dst(%dma_wait3A_437 : memref<10000x64xf32, #tpu.memory_space<vmem_shared>>)
      } else {
      }
      %add3A_424 = arith.constant 8 : i32
      %add3A_425 = arith.addi %add3A_406, %add3A_424 : i32
      %lt3A_426 = arith.cmpi slt, %add3A_425, %select_n3A : i32
      %convert_element_type3A_427 = arith.extui %lt3A_426 : i1 to i32
      %cond3A_428 = arith.constant 0 : i32
      %cond3A_429 = arith.cmpi ne, %convert_element_type3A_427, %cond3A_428 : i32
      scf.if %cond3A_429 {
        %add3A_430 = arith.constant 8 : i32
        %add3A_431 = arith.addi %add3A_406, %add3A_430 : i32
        %dma_start3A_432 = arith.constant 0 : i32
        %dma_start3A_433 = tpu.memref_slice %arg5[%add3A_431, %dma_start3A_432] : memref<320x64xi32, #tpu.memory_space<vmem>> -> memref<1x64xi32, #tpu.memory_space<vmem>>
        %dma_start3A_434 = tpu.memref_squeeze %dma_start3A_433 : memref<1x64xi32, #tpu.memory_space<vmem>> -> memref<64xi32, #tpu.memory_space<vmem>>
        %dma_start3A_435 = arith.constant 0 : i32
        %dma_start3A_436 = arith.constant 0 : i32
        %dma_start3A_437 = tpu.memref_slice %arg2[%dma_start3A_435, %dma_start3A_436] : memref<20000x64xf32, #tpu.memory_space<hbm>> -> memref<20000x64xf32, #tpu.memory_space<hbm>>
        tpu.enqueue_indirect_dma source(%dma_start3A_437 : memref<20000x64xf32, #tpu.memory_space<hbm>>) target(%arg14 : memref<64x64xf32, #tpu.memory_space<vmem>>) offsets(%dma_start3A_434 : memref<64xi32, #tpu.memory_space<vmem>>) semaphore(%arg26 : memref<!tpu.dma_semaphore, #tpu.memory_space<semaphore_mem>>)
      } else {
      }
    }
    %while3A_116 = arith.constant 1 : i32
    scf.for %while3A_178 = %while3A_114 to %while3A_110 step %while3A_116  : i32 {
      %mul3A_179 = arith.muli %while3A_178, %while3A : i32
      %add3A_180 = arith.addi %while3A_107, %mul3A_179 : i32
      %add3A_181 = arith.constant 0 : i32
      %add3A_182 = arith.addi %add3A_180, %add3A_181 : i32
      %dma_wait3A_183 = arith.constant 0 : i32
      %dma_wait3A_184 = tpu.memref_slice %arg5[%add3A_182, %dma_wait3A_183] : memref<320x64xi32, #tpu.memory_space<vmem>> -> memref<1x64xi32, #tpu.memory_space<vmem>>
      %dma_wait3A_185 = tpu.memref_squeeze %dma_wait3A_184 : memref<1x64xi32, #tpu.memory_space<vmem>> -> memref<64xi32, #tpu.memory_space<vmem>>
      %dma_wait3A_186 = arith.constant 0 : i32
      %dma_wait3A_187 = arith.constant 0 : i32
      %dma_wait3A_188 = tpu.memref_slice %arg2[%dma_wait3A_186, %dma_wait3A_187] : memref<20000x64xf32, #tpu.memory_space<hbm>> -> memref<20000x64xf32, #tpu.memory_space<hbm>>
      tpu.wait_indirect_dma semaphore(%arg19 : memref<!tpu.dma_semaphore, #tpu.memory_space<semaphore_mem>>) src(%dma_wait3A_188 : memref<20000x64xf32, #tpu.memory_space<hbm>>) dst(%arg7 : memref<64x64xf32, #tpu.memory_space<vmem>>)
      %dma_start3A_189 = arith.constant 0 : i32
      %dma_start3A_190 = tpu.memref_slice %arg6[%add3A_182, %dma_start3A_189] : memref<320x64xi32, #tpu.memory_space<vmem>> -> memref<1x64xi32, #tpu.memory_space<vmem>>
      %dma_start3A_191 = tpu.memref_squeeze %dma_start3A_190 : memref<1x64xi32, #tpu.memory_space<vmem>> -> memref<64xi32, #tpu.memory_space<vmem>>
      %dma_start3A_192 = arith.constant 0 : i32
      %dma_start3A_193 = arith.constant 0 : i32
      %dma_start3A_194 = tpu.memref_slice %arg18[%dma_start3A_192, %dma_start3A_193] : memref<10000x64xf32, #tpu.memory_space<vmem_shared>> -> memref<10000x64xf32, #tpu.memory_space<vmem_shared>>
      tpu.enqueue_indirect_dma source(%arg7 : memref<64x64xf32, #tpu.memory_space<vmem>>) target(%dma_start3A_194 : memref<10000x64xf32, #tpu.memory_space<vmem_shared>>) offsets(%dma_start3A_191 : memref<64xi32, #tpu.memory_space<vmem>>) semaphore(%arg29 : memref<!tpu.dma_semaphore, #tpu.memory_space<semaphore_mem>>) {add = true}
      %ge3A = arith.constant 2 : i32
      %ge3A_195 = arith.cmpi sge, %add3A_182, %ge3A : i32
      %convert_element_type3A_196 = arith.extui %ge3A_195 : i1 to i32
      %cond3A_197 = arith.constant 0 : i32
      %cond3A_198 = arith.cmpi ne, %convert_element_type3A_196, %cond3A_197 : i32
      scf.if %cond3A_198 {
        %sub3A_430 = arith.constant 2 : i32
        %sub3A_431 = arith.subi %add3A_182, %sub3A_430 : i32
        %dma_wait3A_432 = arith.constant 0 : i32
        %dma_wait3A_433 = tpu.memref_slice %arg6[%sub3A_431, %dma_wait3A_432] : memref<320x64xi32, #tpu.memory_space<vmem>> -> memref<1x64xi32, #tpu.memory_space<vmem>>
        %dma_wait3A_434 = tpu.memref_squeeze %dma_wait3A_433 : memref<1x64xi32, #tpu.memory_space<vmem>> -> memref<64xi32, #tpu.memory_space<vmem>>
        %dma_wait3A_435 = arith.constant 0 : i32
        %dma_wait3A_436 = arith.constant 0 : i32
        %dma_wait3A_437 = tpu.memref_slice %arg18[%dma_wait3A_435, %dma_wait3A_436] : memref<10000x64xf32, #tpu.memory_space<vmem_shared>> -> memref<10000x64xf32, #tpu.memory_space<vmem_shared>>
        tpu.wait_indirect_dma semaphore(%arg37 : memref<!tpu.dma_semaphore, #tpu.memory_space<semaphore_mem>>) src(%arg15 : memref<64x64xf32, #tpu.memory_space<vmem>>) dst(%dma_wait3A_437 : memref<10000x64xf32, #tpu.memory_space<vmem_shared>>)
      } else {
      }
      %add3A_199 = arith.constant 8 : i32
      %add3A_200 = arith.addi %add3A_182, %add3A_199 : i32
      %lt3A_201 = arith.cmpi slt, %add3A_200, %select_n3A : i32
      %convert_element_type3A_202 = arith.extui %lt3A_201 : i1 to i32
      %cond3A_203 = arith.constant 0 : i32
      %cond3A_204 = arith.cmpi ne, %convert_element_type3A_202, %cond3A_203 : i32
      scf.if %cond3A_204 {
        %add3A_430 = arith.constant 8 : i32
        %add3A_431 = arith.addi %add3A_182, %add3A_430 : i32
        %dma_start3A_432 = arith.constant 0 : i32
        %dma_start3A_433 = tpu.memref_slice %arg5[%add3A_431, %dma_start3A_432] : memref<320x64xi32, #tpu.memory_space<vmem>> -> memref<1x64xi32, #tpu.memory_space<vmem>>
        %dma_start3A_434 = tpu.memref_squeeze %dma_start3A_433 : memref<1x64xi32, #tpu.memory_space<vmem>> -> memref<64xi32, #tpu.memory_space<vmem>>
        %dma_start3A_435 = arith.constant 0 : i32
        %dma_start3A_436 = arith.constant 0 : i32
        %dma_start3A_437 = tpu.memref_slice %arg2[%dma_start3A_435, %dma_start3A_436] : memref<20000x64xf32, #tpu.memory_space<hbm>> -> memref<20000x64xf32, #tpu.memory_space<hbm>>
        tpu.enqueue_indirect_dma source(%dma_start3A_437 : memref<20000x64xf32, #tpu.memory_space<hbm>>) target(%arg15 : memref<64x64xf32, #tpu.memory_space<vmem>>) offsets(%dma_start3A_434 : memref<64xi32, #tpu.memory_space<vmem>>) semaphore(%arg27 : memref<!tpu.dma_semaphore, #tpu.memory_space<semaphore_mem>>)
      } else {
      }
      %add3A_205 = arith.constant 1 : i32
      %add3A_206 = arith.addi %add3A_180, %add3A_205 : i32
      %dma_wait3A_207 = arith.constant 0 : i32
      %dma_wait3A_208 = tpu.memref_slice %arg5[%add3A_206, %dma_wait3A_207] : memref<320x64xi32, #tpu.memory_space<vmem>> -> memref<1x64xi32, #tpu.memory_space<vmem>>
      %dma_wait3A_209 = tpu.memref_squeeze %dma_wait3A_208 : memref<1x64xi32, #tpu.memory_space<vmem>> -> memref<64xi32, #tpu.memory_space<vmem>>
      %dma_wait3A_210 = arith.constant 0 : i32
      %dma_wait3A_211 = arith.constant 0 : i32
      %dma_wait3A_212 = tpu.memref_slice %arg2[%dma_wait3A_210, %dma_wait3A_211] : memref<20000x64xf32, #tpu.memory_space<hbm>> -> memref<20000x64xf32, #tpu.memory_space<hbm>>
      tpu.wait_indirect_dma semaphore(%arg20 : memref<!tpu.dma_semaphore, #tpu.memory_space<semaphore_mem>>) src(%dma_wait3A_212 : memref<20000x64xf32, #tpu.memory_space<hbm>>) dst(%arg8 : memref<64x64xf32, #tpu.memory_space<vmem>>)
      %dma_start3A_213 = arith.constant 0 : i32
      %dma_start3A_214 = tpu.memref_slice %arg6[%add3A_206, %dma_start3A_213] : memref<320x64xi32, #tpu.memory_space<vmem>> -> memref<1x64xi32, #tpu.memory_space<vmem>>
      %dma_start3A_215 = tpu.memref_squeeze %dma_start3A_214 : memref<1x64xi32, #tpu.memory_space<vmem>> -> memref<64xi32, #tpu.memory_space<vmem>>
      %dma_start3A_216 = arith.constant 0 : i32
      %dma_start3A_217 = arith.constant 0 : i32
      %dma_start3A_218 = tpu.memref_slice %arg18[%dma_start3A_216, %dma_start3A_217] : memref<10000x64xf32, #tpu.memory_space<vmem_shared>> -> memref<10000x64xf32, #tpu.memory_space<vmem_shared>>
      tpu.enqueue_indirect_dma source(%arg8 : memref<64x64xf32, #tpu.memory_space<vmem>>) target(%dma_start3A_218 : memref<10000x64xf32, #tpu.memory_space<vmem_shared>>) offsets(%dma_start3A_215 : memref<64xi32, #tpu.memory_space<vmem>>) semaphore(%arg30 : memref<!tpu.dma_semaphore, #tpu.memory_space<semaphore_mem>>) {add = true}
      %ge3A_219 = arith.constant 2 : i32
      %ge3A_220 = arith.cmpi sge, %add3A_206, %ge3A_219 : i32
      %convert_element_type3A_221 = arith.extui %ge3A_220 : i1 to i32
      %cond3A_222 = arith.constant 0 : i32
      %cond3A_223 = arith.cmpi ne, %convert_element_type3A_221, %cond3A_222 : i32
      scf.if %cond3A_223 {
        %sub3A_430 = arith.constant 2 : i32
        %sub3A_431 = arith.subi %add3A_206, %sub3A_430 : i32
        %dma_wait3A_432 = arith.constant 0 : i32
        %dma_wait3A_433 = tpu.memref_slice %arg6[%sub3A_431, %dma_wait3A_432] : memref<320x64xi32, #tpu.memory_space<vmem>> -> memref<1x64xi32, #tpu.memory_space<vmem>>
        %dma_wait3A_434 = tpu.memref_squeeze %dma_wait3A_433 : memref<1x64xi32, #tpu.memory_space<vmem>> -> memref<64xi32, #tpu.memory_space<vmem>>
        %dma_wait3A_435 = arith.constant 0 : i32
        %dma_wait3A_436 = arith.constant 0 : i32
        %dma_wait3A_437 = tpu.memref_slice %arg18[%dma_wait3A_435, %dma_wait3A_436] : memref<10000x64xf32, #tpu.memory_space<vmem_shared>> -> memref<10000x64xf32, #tpu.memory_space<vmem_shared>>
        tpu.wait_indirect_dma semaphore(%arg38 : memref<!tpu.dma_semaphore, #tpu.memory_space<semaphore_mem>>) src(%arg16 : memref<64x64xf32, #tpu.memory_space<vmem>>) dst(%dma_wait3A_437 : memref<10000x64xf32, #tpu.memory_space<vmem_shared>>)
      } else {
      }
      %add3A_224 = arith.constant 8 : i32
      %add3A_225 = arith.addi %add3A_206, %add3A_224 : i32
      %lt3A_226 = arith.cmpi slt, %add3A_225, %select_n3A : i32
      %convert_element_type3A_227 = arith.extui %lt3A_226 : i1 to i32
      %cond3A_228 = arith.constant 0 : i32
      %cond3A_229 = arith.cmpi ne, %convert_element_type3A_227, %cond3A_228 : i32
      scf.if %cond3A_229 {
        %add3A_430 = arith.constant 8 : i32
        %add3A_431 = arith.addi %add3A_206, %add3A_430 : i32
        %dma_start3A_432 = arith.constant 0 : i32
        %dma_start3A_433 = tpu.memref_slice %arg5[%add3A_431, %dma_start3A_432] : memref<320x64xi32, #tpu.memory_space<vmem>> -> memref<1x64xi32, #tpu.memory_space<vmem>>
        %dma_start3A_434 = tpu.memref_squeeze %dma_start3A_433 : memref<1x64xi32, #tpu.memory_space<vmem>> -> memref<64xi32, #tpu.memory_space<vmem>>
        %dma_start3A_435 = arith.constant 0 : i32
        %dma_start3A_436 = arith.constant 0 : i32
        %dma_start3A_437 = tpu.memref_slice %arg2[%dma_start3A_435, %dma_start3A_436] : memref<20000x64xf32, #tpu.memory_space<hbm>> -> memref<20000x64xf32, #tpu.memory_space<hbm>>
        tpu.enqueue_indirect_dma source(%dma_start3A_437 : memref<20000x64xf32, #tpu.memory_space<hbm>>) target(%arg16 : memref<64x64xf32, #tpu.memory_space<vmem>>) offsets(%dma_start3A_434 : memref<64xi32, #tpu.memory_space<vmem>>) semaphore(%arg28 : memref<!tpu.dma_semaphore, #tpu.memory_space<semaphore_mem>>)
      } else {
      }
      %add3A_230 = arith.constant 2 : i32
      %add3A_231 = arith.addi %add3A_180, %add3A_230 : i32
      %dma_wait3A_232 = arith.constant 0 : i32
      %dma_wait3A_233 = tpu.memref_slice %arg5[%add3A_231, %dma_wait3A_232] : memref<320x64xi32, #tpu.memory_space<vmem>> -> memref<1x64xi32, #tpu.memory_space<vmem>>
      %dma_wait3A_234 = tpu.memref_squeeze %dma_wait3A_233 : memref<1x64xi32, #tpu.memory_space<vmem>> -> memref<64xi32, #tpu.memory_space<vmem>>
      %dma_wait3A_235 = arith.constant 0 : i32
      %dma_wait3A_236 = arith.constant 0 : i32
      %dma_wait3A_237 = tpu.memref_slice %arg2[%dma_wait3A_235, %dma_wait3A_236] : memref<20000x64xf32, #tpu.memory_space<hbm>> -> memref<20000x64xf32, #tpu.memory_space<hbm>>
      tpu.wait_indirect_dma semaphore(%arg21 : memref<!tpu.dma_semaphore, #tpu.memory_space<semaphore_mem>>) src(%dma_wait3A_237 : memref<20000x64xf32, #tpu.memory_space<hbm>>) dst(%arg9 : memref<64x64xf32, #tpu.memory_space<vmem>>)
      %dma_start3A_238 = arith.constant 0 : i32
      %dma_start3A_239 = tpu.memref_slice %arg6[%add3A_231, %dma_start3A_238] : memref<320x64xi32, #tpu.memory_space<vmem>> -> memref<1x64xi32, #tpu.memory_space<vmem>>
      %dma_start3A_240 = tpu.memref_squeeze %dma_start3A_239 : memref<1x64xi32, #tpu.memory_space<vmem>> -> memref<64xi32, #tpu.memory_space<vmem>>
      %dma_start3A_241 = arith.constant 0 : i32
      %dma_start3A_242 = arith.constant 0 : i32
      %dma_start3A_243 = tpu.memref_slice %arg18[%dma_start3A_241, %dma_start3A_242] : memref<10000x64xf32, #tpu.memory_space<vmem_shared>> -> memref<10000x64xf32, #tpu.memory_space<vmem_shared>>
      tpu.enqueue_indirect_dma source(%arg9 : memref<64x64xf32, #tpu.memory_space<vmem>>) target(%dma_start3A_243 : memref<10000x64xf32, #tpu.memory_space<vmem_shared>>) offsets(%dma_start3A_240 : memref<64xi32, #tpu.memory_space<vmem>>) semaphore(%arg31 : memref<!tpu.dma_semaphore, #tpu.memory_space<semaphore_mem>>) {add = true}
      %ge3A_244 = arith.constant 2 : i32
      %ge3A_245 = arith.cmpi sge, %add3A_231, %ge3A_244 : i32
      %convert_element_type3A_246 = arith.extui %ge3A_245 : i1 to i32
      %cond3A_247 = arith.constant 0 : i32
      %cond3A_248 = arith.cmpi ne, %convert_element_type3A_246, %cond3A_247 : i32
      scf.if %cond3A_248 {
        %sub3A_430 = arith.constant 2 : i32
        %sub3A_431 = arith.subi %add3A_231, %sub3A_430 : i32
        %dma_wait3A_432 = arith.constant 0 : i32
        %dma_wait3A_433 = tpu.memref_slice %arg6[%sub3A_431, %dma_wait3A_432] : memref<320x64xi32, #tpu.memory_space<vmem>> -> memref<1x64xi32, #tpu.memory_space<vmem>>
        %dma_wait3A_434 = tpu.memref_squeeze %dma_wait3A_433 : memref<1x64xi32, #tpu.memory_space<vmem>> -> memref<64xi32, #tpu.memory_space<vmem>>
        %dma_wait3A_435 = arith.constant 0 : i32
        %dma_wait3A_436 = arith.constant 0 : i32
        %dma_wait3A_437 = tpu.memref_slice %arg18[%dma_wait3A_435, %dma_wait3A_436] : memref<10000x64xf32, #tpu.memory_space<vmem_shared>> -> memref<10000x64xf32, #tpu.memory_space<vmem_shared>>
        tpu.wait_indirect_dma semaphore(%arg29 : memref<!tpu.dma_semaphore, #tpu.memory_space<semaphore_mem>>) src(%arg7 : memref<64x64xf32, #tpu.memory_space<vmem>>) dst(%dma_wait3A_437 : memref<10000x64xf32, #tpu.memory_space<vmem_shared>>)
      } else {
      }
      %add3A_249 = arith.constant 8 : i32
      %add3A_250 = arith.addi %add3A_231, %add3A_249 : i32
      %lt3A_251 = arith.cmpi slt, %add3A_250, %select_n3A : i32
      %convert_element_type3A_252 = arith.extui %lt3A_251 : i1 to i32
      %cond3A_253 = arith.constant 0 : i32
      %cond3A_254 = arith.cmpi ne, %convert_element_type3A_252, %cond3A_253 : i32
      scf.if %cond3A_254 {
        %add3A_430 = arith.constant 8 : i32
        %add3A_431 = arith.addi %add3A_231, %add3A_430 : i32
        %dma_start3A_432 = arith.constant 0 : i32
        %dma_start3A_433 = tpu.memref_slice %arg5[%add3A_431, %dma_start3A_432] : memref<320x64xi32, #tpu.memory_space<vmem>> -> memref<1x64xi32, #tpu.memory_space<vmem>>
        %dma_start3A_434 = tpu.memref_squeeze %dma_start3A_433 : memref<1x64xi32, #tpu.memory_space<vmem>> -> memref<64xi32, #tpu.memory_space<vmem>>
        %dma_start3A_435 = arith.constant 0 : i32
        %dma_start3A_436 = arith.constant 0 : i32
        %dma_start3A_437 = tpu.memref_slice %arg2[%dma_start3A_435, %dma_start3A_436] : memref<20000x64xf32, #tpu.memory_space<hbm>> -> memref<20000x64xf32, #tpu.memory_space<hbm>>
        tpu.enqueue_indirect_dma source(%dma_start3A_437 : memref<20000x64xf32, #tpu.memory_space<hbm>>) target(%arg7 : memref<64x64xf32, #tpu.memory_space<vmem>>) offsets(%dma_start3A_434 : memref<64xi32, #tpu.memory_space<vmem>>) semaphore(%arg19 : memref<!tpu.dma_semaphore, #tpu.memory_space<semaphore_mem>>)
      } else {
      }
      %add3A_255 = arith.constant 3 : i32
      %add3A_256 = arith.addi %add3A_180, %add3A_255 : i32
      %dma_wait3A_257 = arith.constant 0 : i32
      %dma_wait3A_258 = tpu.memref_slice %arg5[%add3A_256, %dma_wait3A_257] : memref<320x64xi32, #tpu.memory_space<vmem>> -> memref<1x64xi32, #tpu.memory_space<vmem>>
      %dma_wait3A_259 = tpu.memref_squeeze %dma_wait3A_258 : memref<1x64xi32, #tpu.memory_space<vmem>> -> memref<64xi32, #tpu.memory_space<vmem>>
      %dma_wait3A_260 = arith.constant 0 : i32
      %dma_wait3A_261 = arith.constant 0 : i32
      %dma_wait3A_262 = tpu.memref_slice %arg2[%dma_wait3A_260, %dma_wait3A_261] : memref<20000x64xf32, #tpu.memory_space<hbm>> -> memref<20000x64xf32, #tpu.memory_space<hbm>>
      tpu.wait_indirect_dma semaphore(%arg22 : memref<!tpu.dma_semaphore, #tpu.memory_space<semaphore_mem>>) src(%dma_wait3A_262 : memref<20000x64xf32, #tpu.memory_space<hbm>>) dst(%arg10 : memref<64x64xf32, #tpu.memory_space<vmem>>)
      %dma_start3A_263 = arith.constant 0 : i32
      %dma_start3A_264 = tpu.memref_slice %arg6[%add3A_256, %dma_start3A_263] : memref<320x64xi32, #tpu.memory_space<vmem>> -> memref<1x64xi32, #tpu.memory_space<vmem>>
      %dma_start3A_265 = tpu.memref_squeeze %dma_start3A_264 : memref<1x64xi32, #tpu.memory_space<vmem>> -> memref<64xi32, #tpu.memory_space<vmem>>
      %dma_start3A_266 = arith.constant 0 : i32
      %dma_start3A_267 = arith.constant 0 : i32
      %dma_start3A_268 = tpu.memref_slice %arg18[%dma_start3A_266, %dma_start3A_267] : memref<10000x64xf32, #tpu.memory_space<vmem_shared>> -> memref<10000x64xf32, #tpu.memory_space<vmem_shared>>
      tpu.enqueue_indirect_dma source(%arg10 : memref<64x64xf32, #tpu.memory_space<vmem>>) target(%dma_start3A_268 : memref<10000x64xf32, #tpu.memory_space<vmem_shared>>) offsets(%dma_start3A_265 : memref<64xi32, #tpu.memory_space<vmem>>) semaphore(%arg32 : memref<!tpu.dma_semaphore, #tpu.memory_space<semaphore_mem>>) {add = true}
      %ge3A_269 = arith.constant 2 : i32
      %ge3A_270 = arith.cmpi sge, %add3A_256, %ge3A_269 : i32
      %convert_element_type3A_271 = arith.extui %ge3A_270 : i1 to i32
      %cond3A_272 = arith.constant 0 : i32
      %cond3A_273 = arith.cmpi ne, %convert_element_type3A_271, %cond3A_272 : i32
      scf.if %cond3A_273 {
        %sub3A_430 = arith.constant 2 : i32
        %sub3A_431 = arith.subi %add3A_256, %sub3A_430 : i32
        %dma_wait3A_432 = arith.constant 0 : i32
        %dma_wait3A_433 = tpu.memref_slice %arg6[%sub3A_431, %dma_wait3A_432] : memref<320x64xi32, #tpu.memory_space<vmem>> -> memref<1x64xi32, #tpu.memory_space<vmem>>
        %dma_wait3A_434 = tpu.memref_squeeze %dma_wait3A_433 : memref<1x64xi32, #tpu.memory_space<vmem>> -> memref<64xi32, #tpu.memory_space<vmem>>
        %dma_wait3A_435 = arith.constant 0 : i32
        %dma_wait3A_436 = arith.constant 0 : i32
        %dma_wait3A_437 = tpu.memref_slice %arg18[%dma_wait3A_435, %dma_wait3A_436] : memref<10000x64xf32, #tpu.memory_space<vmem_shared>> -> memref<10000x64xf32, #tpu.memory_space<vmem_shared>>
        tpu.wait_indirect_dma semaphore(%arg30 : memref<!tpu.dma_semaphore, #tpu.memory_space<semaphore_mem>>) src(%arg8 : memref<64x64xf32, #tpu.memory_space<vmem>>) dst(%dma_wait3A_437 : memref<10000x64xf32, #tpu.memory_space<vmem_shared>>)
      } else {
      }
      %add3A_274 = arith.constant 8 : i32
      %add3A_275 = arith.addi %add3A_256, %add3A_274 : i32
      %lt3A_276 = arith.cmpi slt, %add3A_275, %select_n3A : i32
      %convert_element_type3A_277 = arith.extui %lt3A_276 : i1 to i32
      %cond3A_278 = arith.constant 0 : i32
      %cond3A_279 = arith.cmpi ne, %convert_element_type3A_277, %cond3A_278 : i32
      scf.if %cond3A_279 {
        %add3A_430 = arith.constant 8 : i32
        %add3A_431 = arith.addi %add3A_256, %add3A_430 : i32
        %dma_start3A_432 = arith.constant 0 : i32
        %dma_start3A_433 = tpu.memref_slice %arg5[%add3A_431, %dma_start3A_432] : memref<320x64xi32, #tpu.memory_space<vmem>> -> memref<1x64xi32, #tpu.memory_space<vmem>>
        %dma_start3A_434 = tpu.memref_squeeze %dma_start3A_433 : memref<1x64xi32, #tpu.memory_space<vmem>> -> memref<64xi32, #tpu.memory_space<vmem>>
        %dma_start3A_435 = arith.constant 0 : i32
        %dma_start3A_436 = arith.constant 0 : i32
        %dma_start3A_437 = tpu.memref_slice %arg2[%dma_start3A_435, %dma_start3A_436] : memref<20000x64xf32, #tpu.memory_space<hbm>> -> memref<20000x64xf32, #tpu.memory_space<hbm>>
        tpu.enqueue_indirect_dma source(%dma_start3A_437 : memref<20000x64xf32, #tpu.memory_space<hbm>>) target(%arg8 : memref<64x64xf32, #tpu.memory_space<vmem>>) offsets(%dma_start3A_434 : memref<64xi32, #tpu.memory_space<vmem>>) semaphore(%arg20 : memref<!tpu.dma_semaphore, #tpu.memory_space<semaphore_mem>>)
      } else {
      }
      %add3A_280 = arith.constant 4 : i32
      %add3A_281 = arith.addi %add3A_180, %add3A_280 : i32
      %dma_wait3A_282 = arith.constant 0 : i32
      %dma_wait3A_283 = tpu.memref_slice %arg5[%add3A_281, %dma_wait3A_282] : memref<320x64xi32, #tpu.memory_space<vmem>> -> memref<1x64xi32, #tpu.memory_space<vmem>>
      %dma_wait3A_284 = tpu.memref_squeeze %dma_wait3A_283 : memref<1x64xi32, #tpu.memory_space<vmem>> -> memref<64xi32, #tpu.memory_space<vmem>>
      %dma_wait3A_285 = arith.constant 0 : i32
      %dma_wait3A_286 = arith.constant 0 : i32
      %dma_wait3A_287 = tpu.memref_slice %arg2[%dma_wait3A_285, %dma_wait3A_286] : memref<20000x64xf32, #tpu.memory_space<hbm>> -> memref<20000x64xf32, #tpu.memory_space<hbm>>
      tpu.wait_indirect_dma semaphore(%arg23 : memref<!tpu.dma_semaphore, #tpu.memory_space<semaphore_mem>>) src(%dma_wait3A_287 : memref<20000x64xf32, #tpu.memory_space<hbm>>) dst(%arg11 : memref<64x64xf32, #tpu.memory_space<vmem>>)
      %dma_start3A_288 = arith.constant 0 : i32
      %dma_start3A_289 = tpu.memref_slice %arg6[%add3A_281, %dma_start3A_288] : memref<320x64xi32, #tpu.memory_space<vmem>> -> memref<1x64xi32, #tpu.memory_space<vmem>>
      %dma_start3A_290 = tpu.memref_squeeze %dma_start3A_289 : memref<1x64xi32, #tpu.memory_space<vmem>> -> memref<64xi32, #tpu.memory_space<vmem>>
      %dma_start3A_291 = arith.constant 0 : i32
      %dma_start3A_292 = arith.constant 0 : i32
      %dma_start3A_293 = tpu.memref_slice %arg18[%dma_start3A_291, %dma_start3A_292] : memref<10000x64xf32, #tpu.memory_space<vmem_shared>> -> memref<10000x64xf32, #tpu.memory_space<vmem_shared>>
      tpu.enqueue_indirect_dma source(%arg11 : memref<64x64xf32, #tpu.memory_space<vmem>>) target(%dma_start3A_293 : memref<10000x64xf32, #tpu.memory_space<vmem_shared>>) offsets(%dma_start3A_290 : memref<64xi32, #tpu.memory_space<vmem>>) semaphore(%arg33 : memref<!tpu.dma_semaphore, #tpu.memory_space<semaphore_mem>>) {add = true}
      %ge3A_294 = arith.constant 2 : i32
      %ge3A_295 = arith.cmpi sge, %add3A_281, %ge3A_294 : i32
      %convert_element_type3A_296 = arith.extui %ge3A_295 : i1 to i32
      %cond3A_297 = arith.constant 0 : i32
      %cond3A_298 = arith.cmpi ne, %convert_element_type3A_296, %cond3A_297 : i32
      scf.if %cond3A_298 {
        %sub3A_430 = arith.constant 2 : i32
        %sub3A_431 = arith.subi %add3A_281, %sub3A_430 : i32
        %dma_wait3A_432 = arith.constant 0 : i32
        %dma_wait3A_433 = tpu.memref_slice %arg6[%sub3A_431, %dma_wait3A_432] : memref<320x64xi32, #tpu.memory_space<vmem>> -> memref<1x64xi32, #tpu.memory_space<vmem>>
        %dma_wait3A_434 = tpu.memref_squeeze %dma_wait3A_433 : memref<1x64xi32, #tpu.memory_space<vmem>> -> memref<64xi32, #tpu.memory_space<vmem>>
        %dma_wait3A_435 = arith.constant 0 : i32
        %dma_wait3A_436 = arith.constant 0 : i32
        %dma_wait3A_437 = tpu.memref_slice %arg18[%dma_wait3A_435, %dma_wait3A_436] : memref<10000x64xf32, #tpu.memory_space<vmem_shared>> -> memref<10000x64xf32, #tpu.memory_space<vmem_shared>>
        tpu.wait_indirect_dma semaphore(%arg31 : memref<!tpu.dma_semaphore, #tpu.memory_space<semaphore_mem>>) src(%arg9 : memref<64x64xf32, #tpu.memory_space<vmem>>) dst(%dma_wait3A_437 : memref<10000x64xf32, #tpu.memory_space<vmem_shared>>)
      } else {
      }
      %add3A_299 = arith.constant 8 : i32
      %add3A_300 = arith.addi %add3A_281, %add3A_299 : i32
      %lt3A_301 = arith.cmpi slt, %add3A_300, %select_n3A : i32
      %convert_element_type3A_302 = arith.extui %lt3A_301 : i1 to i32
      %cond3A_303 = arith.constant 0 : i32
      %cond3A_304 = arith.cmpi ne, %convert_element_type3A_302, %cond3A_303 : i32
      scf.if %cond3A_304 {
        %add3A_430 = arith.constant 8 : i32
        %add3A_431 = arith.addi %add3A_281, %add3A_430 : i32
        %dma_start3A_432 = arith.constant 0 : i32
        %dma_start3A_433 = tpu.memref_slice %arg5[%add3A_431, %dma_start3A_432] : memref<320x64xi32, #tpu.memory_space<vmem>> -> memref<1x64xi32, #tpu.memory_space<vmem>>
        %dma_start3A_434 = tpu.memref_squeeze %dma_start3A_433 : memref<1x64xi32, #tpu.memory_space<vmem>> -> memref<64xi32, #tpu.memory_space<vmem>>
        %dma_start3A_435 = arith.constant 0 : i32
        %dma_start3A_436 = arith.constant 0 : i32
        %dma_start3A_437 = tpu.memref_slice %arg2[%dma_start3A_435, %dma_start3A_436] : memref<20000x64xf32, #tpu.memory_space<hbm>> -> memref<20000x64xf32, #tpu.memory_space<hbm>>
        tpu.enqueue_indirect_dma source(%dma_start3A_437 : memref<20000x64xf32, #tpu.memory_space<hbm>>) target(%arg9 : memref<64x64xf32, #tpu.memory_space<vmem>>) offsets(%dma_start3A_434 : memref<64xi32, #tpu.memory_space<vmem>>) semaphore(%arg21 : memref<!tpu.dma_semaphore, #tpu.memory_space<semaphore_mem>>)
      } else {
      }
      %add3A_305 = arith.constant 5 : i32
      %add3A_306 = arith.addi %add3A_180, %add3A_305 : i32
      %dma_wait3A_307 = arith.constant 0 : i32
      %dma_wait3A_308 = tpu.memref_slice %arg5[%add3A_306, %dma_wait3A_307] : memref<320x64xi32, #tpu.memory_space<vmem>> -> memref<1x64xi32, #tpu.memory_space<vmem>>
      %dma_wait3A_309 = tpu.memref_squeeze %dma_wait3A_308 : memref<1x64xi32, #tpu.memory_space<vmem>> -> memref<64xi32, #tpu.memory_space<vmem>>
      %dma_wait3A_310 = arith.constant 0 : i32
      %dma_wait3A_311 = arith.constant 0 : i32
      %dma_wait3A_312 = tpu.memref_slice %arg2[%dma_wait3A_310, %dma_wait3A_311] : memref<20000x64xf32, #tpu.memory_space<hbm>> -> memref<20000x64xf32, #tpu.memory_space<hbm>>
      tpu.wait_indirect_dma semaphore(%arg24 : memref<!tpu.dma_semaphore, #tpu.memory_space<semaphore_mem>>) src(%dma_wait3A_312 : memref<20000x64xf32, #tpu.memory_space<hbm>>) dst(%arg12 : memref<64x64xf32, #tpu.memory_space<vmem>>)
      %dma_start3A_313 = arith.constant 0 : i32
      %dma_start3A_314 = tpu.memref_slice %arg6[%add3A_306, %dma_start3A_313] : memref<320x64xi32, #tpu.memory_space<vmem>> -> memref<1x64xi32, #tpu.memory_space<vmem>>
      %dma_start3A_315 = tpu.memref_squeeze %dma_start3A_314 : memref<1x64xi32, #tpu.memory_space<vmem>> -> memref<64xi32, #tpu.memory_space<vmem>>
      %dma_start3A_316 = arith.constant 0 : i32
      %dma_start3A_317 = arith.constant 0 : i32
      %dma_start3A_318 = tpu.memref_slice %arg18[%dma_start3A_316, %dma_start3A_317] : memref<10000x64xf32, #tpu.memory_space<vmem_shared>> -> memref<10000x64xf32, #tpu.memory_space<vmem_shared>>
      tpu.enqueue_indirect_dma source(%arg12 : memref<64x64xf32, #tpu.memory_space<vmem>>) target(%dma_start3A_318 : memref<10000x64xf32, #tpu.memory_space<vmem_shared>>) offsets(%dma_start3A_315 : memref<64xi32, #tpu.memory_space<vmem>>) semaphore(%arg34 : memref<!tpu.dma_semaphore, #tpu.memory_space<semaphore_mem>>) {add = true}
      %ge3A_319 = arith.constant 2 : i32
      %ge3A_320 = arith.cmpi sge, %add3A_306, %ge3A_319 : i32
      %convert_element_type3A_321 = arith.extui %ge3A_320 : i1 to i32
      %cond3A_322 = arith.constant 0 : i32
      %cond3A_323 = arith.cmpi ne, %convert_element_type3A_321, %cond3A_322 : i32
      scf.if %cond3A_323 {
        %sub3A_430 = arith.constant 2 : i32
        %sub3A_431 = arith.subi %add3A_306, %sub3A_430 : i32
        %dma_wait3A_432 = arith.constant 0 : i32
        %dma_wait3A_433 = tpu.memref_slice %arg6[%sub3A_431, %dma_wait3A_432] : memref<320x64xi32, #tpu.memory_space<vmem>> -> memref<1x64xi32, #tpu.memory_space<vmem>>
        %dma_wait3A_434 = tpu.memref_squeeze %dma_wait3A_433 : memref<1x64xi32, #tpu.memory_space<vmem>> -> memref<64xi32, #tpu.memory_space<vmem>>
        %dma_wait3A_435 = arith.constant 0 : i32
        %dma_wait3A_436 = arith.constant 0 : i32
        %dma_wait3A_437 = tpu.memref_slice %arg18[%dma_wait3A_435, %dma_wait3A_436] : memref<10000x64xf32, #tpu.memory_space<vmem_shared>> -> memref<10000x64xf32, #tpu.memory_space<vmem_shared>>
        tpu.wait_indirect_dma semaphore(%arg32 : memref<!tpu.dma_semaphore, #tpu.memory_space<semaphore_mem>>) src(%arg10 : memref<64x64xf32, #tpu.memory_space<vmem>>) dst(%dma_wait3A_437 : memref<10000x64xf32, #tpu.memory_space<vmem_shared>>)
      } else {
      }
      %add3A_324 = arith.constant 8 : i32
      %add3A_325 = arith.addi %add3A_306, %add3A_324 : i32
      %lt3A_326 = arith.cmpi slt, %add3A_325, %select_n3A : i32
      %convert_element_type3A_327 = arith.extui %lt3A_326 : i1 to i32
      %cond3A_328 = arith.constant 0 : i32
      %cond3A_329 = arith.cmpi ne, %convert_element_type3A_327, %cond3A_328 : i32
      scf.if %cond3A_329 {
        %add3A_430 = arith.constant 8 : i32
        %add3A_431 = arith.addi %add3A_306, %add3A_430 : i32
        %dma_start3A_432 = arith.constant 0 : i32
        %dma_start3A_433 = tpu.memref_slice %arg5[%add3A_431, %dma_start3A_432] : memref<320x64xi32, #tpu.memory_space<vmem>> -> memref<1x64xi32, #tpu.memory_space<vmem>>
        %dma_start3A_434 = tpu.memref_squeeze %dma_start3A_433 : memref<1x64xi32, #tpu.memory_space<vmem>> -> memref<64xi32, #tpu.memory_space<vmem>>
        %dma_start3A_435 = arith.constant 0 : i32
        %dma_start3A_436 = arith.constant 0 : i32
        %dma_start3A_437 = tpu.memref_slice %arg2[%dma_start3A_435, %dma_start3A_436] : memref<20000x64xf32, #tpu.memory_space<hbm>> -> memref<20000x64xf32, #tpu.memory_space<hbm>>
        tpu.enqueue_indirect_dma source(%dma_start3A_437 : memref<20000x64xf32, #tpu.memory_space<hbm>>) target(%arg10 : memref<64x64xf32, #tpu.memory_space<vmem>>) offsets(%dma_start3A_434 : memref<64xi32, #tpu.memory_space<vmem>>) semaphore(%arg22 : memref<!tpu.dma_semaphore, #tpu.memory_space<semaphore_mem>>)
      } else {
      }
      %add3A_330 = arith.constant 6 : i32
      %add3A_331 = arith.addi %add3A_180, %add3A_330 : i32
      %dma_wait3A_332 = arith.constant 0 : i32
      %dma_wait3A_333 = tpu.memref_slice %arg5[%add3A_331, %dma_wait3A_332] : memref<320x64xi32, #tpu.memory_space<vmem>> -> memref<1x64xi32, #tpu.memory_space<vmem>>
      %dma_wait3A_334 = tpu.memref_squeeze %dma_wait3A_333 : memref<1x64xi32, #tpu.memory_space<vmem>> -> memref<64xi32, #tpu.memory_space<vmem>>
      %dma_wait3A_335 = arith.constant 0 : i32
      %dma_wait3A_336 = arith.constant 0 : i32
      %dma_wait3A_337 = tpu.memref_slice %arg2[%dma_wait3A_335, %dma_wait3A_336] : memref<20000x64xf32, #tpu.memory_space<hbm>> -> memref<20000x64xf32, #tpu.memory_space<hbm>>
      tpu.wait_indirect_dma semaphore(%arg25 : memref<!tpu.dma_semaphore, #tpu.memory_space<semaphore_mem>>) src(%dma_wait3A_337 : memref<20000x64xf32, #tpu.memory_space<hbm>>) dst(%arg13 : memref<64x64xf32, #tpu.memory_space<vmem>>)
      %dma_start3A_338 = arith.constant 0 : i32
      %dma_start3A_339 = tpu.memref_slice %arg6[%add3A_331, %dma_start3A_338] : memref<320x64xi32, #tpu.memory_space<vmem>> -> memref<1x64xi32, #tpu.memory_space<vmem>>
      %dma_start3A_340 = tpu.memref_squeeze %dma_start3A_339 : memref<1x64xi32, #tpu.memory_space<vmem>> -> memref<64xi32, #tpu.memory_space<vmem>>
      %dma_start3A_341 = arith.constant 0 : i32
      %dma_start3A_342 = arith.constant 0 : i32
      %dma_start3A_343 = tpu.memref_slice %arg18[%dma_start3A_341, %dma_start3A_342] : memref<10000x64xf32, #tpu.memory_space<vmem_shared>> -> memref<10000x64xf32, #tpu.memory_space<vmem_shared>>
      tpu.enqueue_indirect_dma source(%arg13 : memref<64x64xf32, #tpu.memory_space<vmem>>) target(%dma_start3A_343 : memref<10000x64xf32, #tpu.memory_space<vmem_shared>>) offsets(%dma_start3A_340 : memref<64xi32, #tpu.memory_space<vmem>>) semaphore(%arg35 : memref<!tpu.dma_semaphore, #tpu.memory_space<semaphore_mem>>) {add = true}
      %ge3A_344 = arith.constant 2 : i32
      %ge3A_345 = arith.cmpi sge, %add3A_331, %ge3A_344 : i32
      %convert_element_type3A_346 = arith.extui %ge3A_345 : i1 to i32
      %cond3A_347 = arith.constant 0 : i32
      %cond3A_348 = arith.cmpi ne, %convert_element_type3A_346, %cond3A_347 : i32
      scf.if %cond3A_348 {
        %sub3A_430 = arith.constant 2 : i32
        %sub3A_431 = arith.subi %add3A_331, %sub3A_430 : i32
        %dma_wait3A_432 = arith.constant 0 : i32
        %dma_wait3A_433 = tpu.memref_slice %arg6[%sub3A_431, %dma_wait3A_432] : memref<320x64xi32, #tpu.memory_space<vmem>> -> memref<1x64xi32, #tpu.memory_space<vmem>>
        %dma_wait3A_434 = tpu.memref_squeeze %dma_wait3A_433 : memref<1x64xi32, #tpu.memory_space<vmem>> -> memref<64xi32, #tpu.memory_space<vmem>>
        %dma_wait3A_435 = arith.constant 0 : i32
        %dma_wait3A_436 = arith.constant 0 : i32
        %dma_wait3A_437 = tpu.memref_slice %arg18[%dma_wait3A_435, %dma_wait3A_436] : memref<10000x64xf32, #tpu.memory_space<vmem_shared>> -> memref<10000x64xf32, #tpu.memory_space<vmem_shared>>
        tpu.wait_indirect_dma semaphore(%arg33 : memref<!tpu.dma_semaphore, #tpu.memory_space<semaphore_mem>>) src(%arg11 : memref<64x64xf32, #tpu.memory_space<vmem>>) dst(%dma_wait3A_437 : memref<10000x64xf32, #tpu.memory_space<vmem_shared>>)
      } else {
      }
      %add3A_349 = arith.constant 8 : i32
      %add3A_350 = arith.addi %add3A_331, %add3A_349 : i32
      %lt3A_351 = arith.cmpi slt, %add3A_350, %select_n3A : i32
      %convert_element_type3A_352 = arith.extui %lt3A_351 : i1 to i32
      %cond3A_353 = arith.constant 0 : i32
      %cond3A_354 = arith.cmpi ne, %convert_element_type3A_352, %cond3A_353 : i32
      scf.if %cond3A_354 {
        %add3A_430 = arith.constant 8 : i32
        %add3A_431 = arith.addi %add3A_331, %add3A_430 : i32
        %dma_start3A_432 = arith.constant 0 : i32
        %dma_start3A_433 = tpu.memref_slice %arg5[%add3A_431, %dma_start3A_432] : memref<320x64xi32, #tpu.memory_space<vmem>> -> memref<1x64xi32, #tpu.memory_space<vmem>>
        %dma_start3A_434 = tpu.memref_squeeze %dma_start3A_433 : memref<1x64xi32, #tpu.memory_space<vmem>> -> memref<64xi32, #tpu.memory_space<vmem>>
        %dma_start3A_435 = arith.constant 0 : i32
        %dma_start3A_436 = arith.constant 0 : i32
        %dma_start3A_437 = tpu.memref_slice %arg2[%dma_start3A_435, %dma_start3A_436] : memref<20000x64xf32, #tpu.memory_space<hbm>> -> memref<20000x64xf32, #tpu.memory_space<hbm>>
        tpu.enqueue_indirect_dma source(%dma_start3A_437 : memref<20000x64xf32, #tpu.memory_space<hbm>>) target(%arg11 : memref<64x64xf32, #tpu.memory_space<vmem>>) offsets(%dma_start3A_434 : memref<64xi32, #tpu.memory_space<vmem>>) semaphore(%arg23 : memref<!tpu.dma_semaphore, #tpu.memory_space<semaphore_mem>>)
      } else {
      }
      %add3A_355 = arith.constant 7 : i32
      %add3A_356 = arith.addi %add3A_180, %add3A_355 : i32
      %dma_wait3A_357 = arith.constant 0 : i32
      %dma_wait3A_358 = tpu.memref_slice %arg5[%add3A_356, %dma_wait3A_357] : memref<320x64xi32, #tpu.memory_space<vmem>> -> memref<1x64xi32, #tpu.memory_space<vmem>>
      %dma_wait3A_359 = tpu.memref_squeeze %dma_wait3A_358 : memref<1x64xi32, #tpu.memory_space<vmem>> -> memref<64xi32, #tpu.memory_space<vmem>>
      %dma_wait3A_360 = arith.constant 0 : i32
      %dma_wait3A_361 = arith.constant 0 : i32
      %dma_wait3A_362 = tpu.memref_slice %arg2[%dma_wait3A_360, %dma_wait3A_361] : memref<20000x64xf32, #tpu.memory_space<hbm>> -> memref<20000x64xf32, #tpu.memory_space<hbm>>
      tpu.wait_indirect_dma semaphore(%arg26 : memref<!tpu.dma_semaphore, #tpu.memory_space<semaphore_mem>>) src(%dma_wait3A_362 : memref<20000x64xf32, #tpu.memory_space<hbm>>) dst(%arg14 : memref<64x64xf32, #tpu.memory_space<vmem>>)
      %dma_start3A_363 = arith.constant 0 : i32
      %dma_start3A_364 = tpu.memref_slice %arg6[%add3A_356, %dma_start3A_363] : memref<320x64xi32, #tpu.memory_space<vmem>> -> memref<1x64xi32, #tpu.memory_space<vmem>>
      %dma_start3A_365 = tpu.memref_squeeze %dma_start3A_364 : memref<1x64xi32, #tpu.memory_space<vmem>> -> memref<64xi32, #tpu.memory_space<vmem>>
      %dma_start3A_366 = arith.constant 0 : i32
      %dma_start3A_367 = arith.constant 0 : i32
      %dma_start3A_368 = tpu.memref_slice %arg18[%dma_start3A_366, %dma_start3A_367] : memref<10000x64xf32, #tpu.memory_space<vmem_shared>> -> memref<10000x64xf32, #tpu.memory_space<vmem_shared>>
      tpu.enqueue_indirect_dma source(%arg14 : memref<64x64xf32, #tpu.memory_space<vmem>>) target(%dma_start3A_368 : memref<10000x64xf32, #tpu.memory_space<vmem_shared>>) offsets(%dma_start3A_365 : memref<64xi32, #tpu.memory_space<vmem>>) semaphore(%arg36 : memref<!tpu.dma_semaphore, #tpu.memory_space<semaphore_mem>>) {add = true}
      %ge3A_369 = arith.constant 2 : i32
      %ge3A_370 = arith.cmpi sge, %add3A_356, %ge3A_369 : i32
      %convert_element_type3A_371 = arith.extui %ge3A_370 : i1 to i32
      %cond3A_372 = arith.constant 0 : i32
      %cond3A_373 = arith.cmpi ne, %convert_element_type3A_371, %cond3A_372 : i32
      scf.if %cond3A_373 {
        %sub3A_430 = arith.constant 2 : i32
        %sub3A_431 = arith.subi %add3A_356, %sub3A_430 : i32
        %dma_wait3A_432 = arith.constant 0 : i32
        %dma_wait3A_433 = tpu.memref_slice %arg6[%sub3A_431, %dma_wait3A_432] : memref<320x64xi32, #tpu.memory_space<vmem>> -> memref<1x64xi32, #tpu.memory_space<vmem>>
        %dma_wait3A_434 = tpu.memref_squeeze %dma_wait3A_433 : memref<1x64xi32, #tpu.memory_space<vmem>> -> memref<64xi32, #tpu.memory_space<vmem>>
        %dma_wait3A_435 = arith.constant 0 : i32
        %dma_wait3A_436 = arith.constant 0 : i32
        %dma_wait3A_437 = tpu.memref_slice %arg18[%dma_wait3A_435, %dma_wait3A_436] : memref<10000x64xf32, #tpu.memory_space<vmem_shared>> -> memref<10000x64xf32, #tpu.memory_space<vmem_shared>>
        tpu.wait_indirect_dma semaphore(%arg34 : memref<!tpu.dma_semaphore, #tpu.memory_space<semaphore_mem>>) src(%arg12 : memref<64x64xf32, #tpu.memory_space<vmem>>) dst(%dma_wait3A_437 : memref<10000x64xf32, #tpu.memory_space<vmem_shared>>)
      } else {
      }
      %add3A_374 = arith.constant 8 : i32
      %add3A_375 = arith.addi %add3A_356, %add3A_374 : i32
      %lt3A_376 = arith.cmpi slt, %add3A_375, %select_n3A : i32
      %convert_element_type3A_377 = arith.extui %lt3A_376 : i1 to i32
      %cond3A_378 = arith.constant 0 : i32
      %cond3A_379 = arith.cmpi ne, %convert_element_type3A_377, %cond3A_378 : i32
      scf.if %cond3A_379 {
        %add3A_430 = arith.constant 8 : i32
        %add3A_431 = arith.addi %add3A_356, %add3A_430 : i32
        %dma_start3A_432 = arith.constant 0 : i32
        %dma_start3A_433 = tpu.memref_slice %arg5[%add3A_431, %dma_start3A_432] : memref<320x64xi32, #tpu.memory_space<vmem>> -> memref<1x64xi32, #tpu.memory_space<vmem>>
        %dma_start3A_434 = tpu.memref_squeeze %dma_start3A_433 : memref<1x64xi32, #tpu.memory_space<vmem>> -> memref<64xi32, #tpu.memory_space<vmem>>
        %dma_start3A_435 = arith.constant 0 : i32
        %dma_start3A_436 = arith.constant 0 : i32
        %dma_start3A_437 = tpu.memref_slice %arg2[%dma_start3A_435, %dma_start3A_436] : memref<20000x64xf32, #tpu.memory_space<hbm>> -> memref<20000x64xf32, #tpu.memory_space<hbm>>
        tpu.enqueue_indirect_dma source(%dma_start3A_437 : memref<20000x64xf32, #tpu.memory_space<hbm>>) target(%arg12 : memref<64x64xf32, #tpu.memory_space<vmem>>) offsets(%dma_start3A_434 : memref<64xi32, #tpu.memory_space<vmem>>) semaphore(%arg24 : memref<!tpu.dma_semaphore, #tpu.memory_space<semaphore_mem>>)
      } else {
      }
      %add3A_380 = arith.constant 8 : i32
      %add3A_381 = arith.addi %add3A_180, %add3A_380 : i32
      %dma_wait3A_382 = arith.constant 0 : i32
      %dma_wait3A_383 = tpu.memref_slice %arg5[%add3A_381, %dma_wait3A_382] : memref<320x64xi32, #tpu.memory_space<vmem>> -> memref<1x64xi32, #tpu.memory_space<vmem>>
      %dma_wait3A_384 = tpu.memref_squeeze %dma_wait3A_383 : memref<1x64xi32, #tpu.memory_space<vmem>> -> memref<64xi32, #tpu.memory_space<vmem>>
      %dma_wait3A_385 = arith.constant 0 : i32
      %dma_wait3A_386 = arith.constant 0 : i32
      %dma_wait3A_387 = tpu.memref_slice %arg2[%dma_wait3A_385, %dma_wait3A_386] : memref<20000x64xf32, #tpu.memory_space<hbm>> -> memref<20000x64xf32, #tpu.memory_space<hbm>>
      tpu.wait_indirect_dma semaphore(%arg27 : memref<!tpu.dma_semaphore, #tpu.memory_space<semaphore_mem>>) src(%dma_wait3A_387 : memref<20000x64xf32, #tpu.memory_space<hbm>>) dst(%arg15 : memref<64x64xf32, #tpu.memory_space<vmem>>)
      %dma_start3A_388 = arith.constant 0 : i32
      %dma_start3A_389 = tpu.memref_slice %arg6[%add3A_381, %dma_start3A_388] : memref<320x64xi32, #tpu.memory_space<vmem>> -> memref<1x64xi32, #tpu.memory_space<vmem>>
      %dma_start3A_390 = tpu.memref_squeeze %dma_start3A_389 : memref<1x64xi32, #tpu.memory_space<vmem>> -> memref<64xi32, #tpu.memory_space<vmem>>
      %dma_start3A_391 = arith.constant 0 : i32
      %dma_start3A_392 = arith.constant 0 : i32
      %dma_start3A_393 = tpu.memref_slice %arg18[%dma_start3A_391, %dma_start3A_392] : memref<10000x64xf32, #tpu.memory_space<vmem_shared>> -> memref<10000x64xf32, #tpu.memory_space<vmem_shared>>
      tpu.enqueue_indirect_dma source(%arg15 : memref<64x64xf32, #tpu.memory_space<vmem>>) target(%dma_start3A_393 : memref<10000x64xf32, #tpu.memory_space<vmem_shared>>) offsets(%dma_start3A_390 : memref<64xi32, #tpu.memory_space<vmem>>) semaphore(%arg37 : memref<!tpu.dma_semaphore, #tpu.memory_space<semaphore_mem>>) {add = true}
      %ge3A_394 = arith.constant 2 : i32
      %ge3A_395 = arith.cmpi sge, %add3A_381, %ge3A_394 : i32
      %convert_element_type3A_396 = arith.extui %ge3A_395 : i1 to i32
      %cond3A_397 = arith.constant 0 : i32
      %cond3A_398 = arith.cmpi ne, %convert_element_type3A_396, %cond3A_397 : i32
      scf.if %cond3A_398 {
        %sub3A_430 = arith.constant 2 : i32
        %sub3A_431 = arith.subi %add3A_381, %sub3A_430 : i32
        %dma_wait3A_432 = arith.constant 0 : i32
        %dma_wait3A_433 = tpu.memref_slice %arg6[%sub3A_431, %dma_wait3A_432] : memref<320x64xi32, #tpu.memory_space<vmem>> -> memref<1x64xi32, #tpu.memory_space<vmem>>
        %dma_wait3A_434 = tpu.memref_squeeze %dma_wait3A_433 : memref<1x64xi32, #tpu.memory_space<vmem>> -> memref<64xi32, #tpu.memory_space<vmem>>
        %dma_wait3A_435 = arith.constant 0 : i32
        %dma_wait3A_436 = arith.constant 0 : i32
        %dma_wait3A_437 = tpu.memref_slice %arg18[%dma_wait3A_435, %dma_wait3A_436] : memref<10000x64xf32, #tpu.memory_space<vmem_shared>> -> memref<10000x64xf32, #tpu.memory_space<vmem_shared>>
        tpu.wait_indirect_dma semaphore(%arg35 : memref<!tpu.dma_semaphore, #tpu.memory_space<semaphore_mem>>) src(%arg13 : memref<64x64xf32, #tpu.memory_space<vmem>>) dst(%dma_wait3A_437 : memref<10000x64xf32, #tpu.memory_space<vmem_shared>>)
      } else {
      }
      %add3A_399 = arith.constant 8 : i32
      %add3A_400 = arith.addi %add3A_381, %add3A_399 : i32
      %lt3A_401 = arith.cmpi slt, %add3A_400, %select_n3A : i32
      %convert_element_type3A_402 = arith.extui %lt3A_401 : i1 to i32
      %cond3A_403 = arith.constant 0 : i32
      %cond3A_404 = arith.cmpi ne, %convert_element_type3A_402, %cond3A_403 : i32
      scf.if %cond3A_404 {
        %add3A_430 = arith.constant 8 : i32
        %add3A_431 = arith.addi %add3A_381, %add3A_430 : i32
        %dma_start3A_432 = arith.constant 0 : i32
        %dma_start3A_433 = tpu.memref_slice %arg5[%add3A_431, %dma_start3A_432] : memref<320x64xi32, #tpu.memory_space<vmem>> -> memref<1x64xi32, #tpu.memory_space<vmem>>
        %dma_start3A_434 = tpu.memref_squeeze %dma_start3A_433 : memref<1x64xi32, #tpu.memory_space<vmem>> -> memref<64xi32, #tpu.memory_space<vmem>>
        %dma_start3A_435 = arith.constant 0 : i32
        %dma_start3A_436 = arith.constant 0 : i32
        %dma_start3A_437 = tpu.memref_slice %arg2[%dma_start3A_435, %dma_start3A_436] : memref<20000x64xf32, #tpu.memory_space<hbm>> -> memref<20000x64xf32, #tpu.memory_space<hbm>>
        tpu.enqueue_indirect_dma source(%dma_start3A_437 : memref<20000x64xf32, #tpu.memory_space<hbm>>) target(%arg13 : memref<64x64xf32, #tpu.memory_space<vmem>>) offsets(%dma_start3A_434 : memref<64xi32, #tpu.memory_space<vmem>>) semaphore(%arg25 : memref<!tpu.dma_semaphore, #tpu.memory_space<semaphore_mem>>)
      } else {
      }
      %add3A_405 = arith.constant 9 : i32
      %add3A_406 = arith.addi %add3A_180, %add3A_405 : i32
      %dma_wait3A_407 = arith.constant 0 : i32
      %dma_wait3A_408 = tpu.memref_slice %arg5[%add3A_406, %dma_wait3A_407] : memref<320x64xi32, #tpu.memory_space<vmem>> -> memref<1x64xi32, #tpu.memory_space<vmem>>
      %dma_wait3A_409 = tpu.memref_squeeze %dma_wait3A_408 : memref<1x64xi32, #tpu.memory_space<vmem>> -> memref<64xi32, #tpu.memory_space<vmem>>
      %dma_wait3A_410 = arith.constant 0 : i32
      %dma_wait3A_411 = arith.constant 0 : i32
      %dma_wait3A_412 = tpu.memref_slice %arg2[%dma_wait3A_410, %dma_wait3A_411] : memref<20000x64xf32, #tpu.memory_space<hbm>> -> memref<20000x64xf32, #tpu.memory_space<hbm>>
      tpu.wait_indirect_dma semaphore(%arg28 : memref<!tpu.dma_semaphore, #tpu.memory_space<semaphore_mem>>) src(%dma_wait3A_412 : memref<20000x64xf32, #tpu.memory_space<hbm>>) dst(%arg16 : memref<64x64xf32, #tpu.memory_space<vmem>>)
      %dma_start3A_413 = arith.constant 0 : i32
      %dma_start3A_414 = tpu.memref_slice %arg6[%add3A_406, %dma_start3A_413] : memref<320x64xi32, #tpu.memory_space<vmem>> -> memref<1x64xi32, #tpu.memory_space<vmem>>
      %dma_start3A_415 = tpu.memref_squeeze %dma_start3A_414 : memref<1x64xi32, #tpu.memory_space<vmem>> -> memref<64xi32, #tpu.memory_space<vmem>>
      %dma_start3A_416 = arith.constant 0 : i32
      %dma_start3A_417 = arith.constant 0 : i32
      %dma_start3A_418 = tpu.memref_slice %arg18[%dma_start3A_416, %dma_start3A_417] : memref<10000x64xf32, #tpu.memory_space<vmem_shared>> -> memref<10000x64xf32, #tpu.memory_space<vmem_shared>>
      tpu.enqueue_indirect_dma source(%arg16 : memref<64x64xf32, #tpu.memory_space<vmem>>) target(%dma_start3A_418 : memref<10000x64xf32, #tpu.memory_space<vmem_shared>>) offsets(%dma_start3A_415 : memref<64xi32, #tpu.memory_space<vmem>>) semaphore(%arg38 : memref<!tpu.dma_semaphore, #tpu.memory_space<semaphore_mem>>) {add = true}
      %ge3A_419 = arith.constant 2 : i32
      %ge3A_420 = arith.cmpi sge, %add3A_406, %ge3A_419 : i32
      %convert_element_type3A_421 = arith.extui %ge3A_420 : i1 to i32
      %cond3A_422 = arith.constant 0 : i32
      %cond3A_423 = arith.cmpi ne, %convert_element_type3A_421, %cond3A_422 : i32
      scf.if %cond3A_423 {
        %sub3A_430 = arith.constant 2 : i32
        %sub3A_431 = arith.subi %add3A_406, %sub3A_430 : i32
        %dma_wait3A_432 = arith.constant 0 : i32
        %dma_wait3A_433 = tpu.memref_slice %arg6[%sub3A_431, %dma_wait3A_432] : memref<320x64xi32, #tpu.memory_space<vmem>> -> memref<1x64xi32, #tpu.memory_space<vmem>>
        %dma_wait3A_434 = tpu.memref_squeeze %dma_wait3A_433 : memref<1x64xi32, #tpu.memory_space<vmem>> -> memref<64xi32, #tpu.memory_space<vmem>>
        %dma_wait3A_435 = arith.constant 0 : i32
        %dma_wait3A_436 = arith.constant 0 : i32
        %dma_wait3A_437 = tpu.memref_slice %arg18[%dma_wait3A_435, %dma_wait3A_436] : memref<10000x64xf32, #tpu.memory_space<vmem_shared>> -> memref<10000x64xf32, #tpu.memory_space<vmem_shared>>
        tpu.wait_indirect_dma semaphore(%arg36 : memref<!tpu.dma_semaphore, #tpu.memory_space<semaphore_mem>>) src(%arg14 : memref<64x64xf32, #tpu.memory_space<vmem>>) dst(%dma_wait3A_437 : memref<10000x64xf32, #tpu.memory_space<vmem_shared>>)
      } else {
      }
      %add3A_424 = arith.constant 8 : i32
      %add3A_425 = arith.addi %add3A_406, %add3A_424 : i32
      %lt3A_426 = arith.cmpi slt, %add3A_425, %select_n3A : i32
      %convert_element_type3A_427 = arith.extui %lt3A_426 : i1 to i32
      %cond3A_428 = arith.constant 0 : i32
      %cond3A_429 = arith.cmpi ne, %convert_element_type3A_427, %cond3A_428 : i32
      scf.if %cond3A_429 {
        %add3A_430 = arith.constant 8 : i32
        %add3A_431 = arith.addi %add3A_406, %add3A_430 : i32
        %dma_start3A_432 = arith.constant 0 : i32
        %dma_start3A_433 = tpu.memref_slice %arg5[%add3A_431, %dma_start3A_432] : memref<320x64xi32, #tpu.memory_space<vmem>> -> memref<1x64xi32, #tpu.memory_space<vmem>>
        %dma_start3A_434 = tpu.memref_squeeze %dma_start3A_433 : memref<1x64xi32, #tpu.memory_space<vmem>> -> memref<64xi32, #tpu.memory_space<vmem>>
        %dma_start3A_435 = arith.constant 0 : i32
        %dma_start3A_436 = arith.constant 0 : i32
        %dma_start3A_437 = tpu.memref_slice %arg2[%dma_start3A_435, %dma_start3A_436] : memref<20000x64xf32, #tpu.memory_space<hbm>> -> memref<20000x64xf32, #tpu.memory_space<hbm>>
        tpu.enqueue_indirect_dma source(%dma_start3A_437 : memref<20000x64xf32, #tpu.memory_space<hbm>>) target(%arg14 : memref<64x64xf32, #tpu.memory_space<vmem>>) offsets(%dma_start3A_434 : memref<64xi32, #tpu.memory_space<vmem>>) semaphore(%arg26 : memref<!tpu.dma_semaphore, #tpu.memory_space<semaphore_mem>>)
      } else {
      }
    }
    %sub3A_117 = arith.constant 2 : i32
    %sub3A_118 = arith.subi %select_n3A, %sub3A_117 : i32
    %add3A_119 = arith.constant 0 : i32
    %add3A_120 = arith.addi %sub3A_118, %add3A_119 : i32
    %dma_wait3A = arith.constant 0 : i32
    %dma_wait3A_121 = tpu.memref_slice %arg6[%add3A_120, %dma_wait3A] : memref<320x64xi32, #tpu.memory_space<vmem>> -> memref<1x64xi32, #tpu.memory_space<vmem>>
    %dma_wait3A_122 = tpu.memref_squeeze %dma_wait3A_121 : memref<1x64xi32, #tpu.memory_space<vmem>> -> memref<64xi32, #tpu.memory_space<vmem>>
    %dma_wait3A_123 = arith.constant 0 : i32
    %dma_wait3A_124 = arith.constant 0 : i32
    %dma_wait3A_125 = tpu.memref_slice %arg18[%dma_wait3A_123, %dma_wait3A_124] : memref<10000x64xf32, #tpu.memory_space<vmem_shared>> -> memref<10000x64xf32, #tpu.memory_space<vmem_shared>>
    tpu.wait_indirect_dma semaphore(%arg37 : memref<!tpu.dma_semaphore, #tpu.memory_space<semaphore_mem>>) src(%arg15 : memref<64x64xf32, #tpu.memory_space<vmem>>) dst(%dma_wait3A_125 : memref<10000x64xf32, #tpu.memory_space<vmem_shared>>)
    %sub3A_126 = arith.constant 2 : i32
    %sub3A_127 = arith.subi %select_n3A, %sub3A_126 : i32
    %add3A_128 = arith.constant 1 : i32
    %add3A_129 = arith.addi %sub3A_127, %add3A_128 : i32
    %dma_wait3A_130 = arith.constant 0 : i32
    %dma_wait3A_131 = tpu.memref_slice %arg6[%add3A_129, %dma_wait3A_130] : memref<320x64xi32, #tpu.memory_space<vmem>> -> memref<1x64xi32, #tpu.memory_space<vmem>>
    %dma_wait3A_132 = tpu.memref_squeeze %dma_wait3A_131 : memref<1x64xi32, #tpu.memory_space<vmem>> -> memref<64xi32, #tpu.memory_space<vmem>>
    %dma_wait3A_133 = arith.constant 0 : i32
    %dma_wait3A_134 = arith.constant 0 : i32
    %dma_wait3A_135 = tpu.memref_slice %arg18[%dma_wait3A_133, %dma_wait3A_134] : memref<10000x64xf32, #tpu.memory_space<vmem_shared>> -> memref<10000x64xf32, #tpu.memory_space<vmem_shared>>
    tpu.wait_indirect_dma semaphore(%arg38 : memref<!tpu.dma_semaphore, #tpu.memory_space<semaphore_mem>>) src(%arg16 : memref<64x64xf32, #tpu.memory_space<vmem>>) dst(%dma_wait3A_135 : memref<10000x64xf32, #tpu.memory_space<vmem_shared>>)
    %barrier3A_136 = arith.constant 0 : index
    tpu.barrier barrier_id(%barrier3A_136)
    %mul3A_137 = arith.constant 624 : i32
    %mul3A_138 = arith.muli %arg1, %mul3A_137 : i32
    %add3A_139 = arith.constant 0 : i32
    %add3A_140 = arith.addi %mul3A_138, %add3A_139 : i32
    "tpu.region"() ({
      %run_scoped3A = tpu.sem_alloc : memref<!tpu.dma_semaphore, #tpu.memory_space<semaphore_mem>>
      %dma_start3A_178 = arith.constant 0 : i32
      %dma_start3A_179 = tpu.memref_slice %arg18[%add3A_140, %dma_start3A_178] : memref<10000x64xf32, #tpu.memory_space<vmem_shared>> -> memref<104x64xf32, #tpu.memory_space<vmem_shared>>
      %dma_start3A_180 = arith.constant 0 : i32
      %dma_start3A_181 = tpu.memref_slice %arg18[%add3A_140, %dma_start3A_180] : memref<10000x64xf32, #tpu.memory_space<vmem_shared>> -> memref<104x64xf32, #tpu.memory_space<vmem_shared>>
      tpu.enqueue_dma source(%dma_start3A_181 : memref<104x64xf32, #tpu.memory_space<vmem_shared>>) target(%arg17 : memref<104x64xf32, #tpu.memory_space<vmem>>) target_semaphore(%run_scoped3A : memref<!tpu.dma_semaphore, #tpu.memory_space<semaphore_mem>>)
      %dma_wait3A_182 = arith.constant 0 : i32
      %dma_wait3A_183 = tpu.memref_slice %arg18[%add3A_140, %dma_wait3A_182] : memref<10000x64xf32, #tpu.memory_space<vmem_shared>> -> memref<104x64xf32, #tpu.memory_space<vmem_shared>>
      %dma_wait3A_184 = arith.constant 0 : i32
      %dma_wait3A_185 = tpu.memref_slice %arg18[%add3A_140, %dma_wait3A_184] : memref<10000x64xf32, #tpu.memory_space<vmem_shared>> -> memref<104x64xf32, #tpu.memory_space<vmem_shared>>
      tpu.wait_dma2 semaphore(%run_scoped3A : memref<!tpu.dma_semaphore, #tpu.memory_space<semaphore_mem>>) src(%dma_wait3A_185 : memref<104x64xf32, #tpu.memory_space<vmem_shared>>) dst(%arg17 : memref<104x64xf32, #tpu.memory_space<vmem>>)
      tpu.yield
    }) : () -> ()
    %mul3A_141 = arith.constant 64 : i32
    %mul3A_142 = arith.muli %arg0, %mul3A_141 : i32
    "tpu.region"() ({
      %run_scoped3A = tpu.sem_alloc : memref<!tpu.dma_semaphore, #tpu.memory_space<semaphore_mem>>
      %dma_start3A_178 = tpu.memref_slice %arg4[%add3A_140, %mul3A_142] : memref<10000x128xf32, #tpu.memory_space<hbm>> -> memref<104x64xf32, #tpu.memory_space<hbm>>
      %dma_start3A_179 = tpu.memref_slice %arg4[%add3A_140, %mul3A_142] : memref<10000x128xf32, #tpu.memory_space<hbm>> -> memref<104x64xf32, #tpu.memory_space<hbm>>
      tpu.enqueue_dma source(%arg17 : memref<104x64xf32, #tpu.memory_space<vmem>>) target(%dma_start3A_179 : memref<104x64xf32, #tpu.memory_space<hbm>>) target_semaphore(%run_scoped3A : memref<!tpu.dma_semaphore, #tpu.memory_space<semaphore_mem>>)
      %dma_wait3A_180 = tpu.memref_slice %arg4[%add3A_140, %mul3A_142] : memref<10000x128xf32, #tpu.memory_space<hbm>> -> memref<104x64xf32, #tpu.memory_space<hbm>>
      %dma_wait3A_181 = tpu.memref_slice %arg4[%add3A_140, %mul3A_142] : memref<10000x128xf32, #tpu.memory_space<hbm>> -> memref<104x64xf32, #tpu.memory_space<hbm>>
      tpu.wait_dma2 semaphore(%run_scoped3A : memref<!tpu.dma_semaphore, #tpu.memory_space<semaphore_mem>>) src(%arg17 : memref<104x64xf32, #tpu.memory_space<vmem>>) dst(%dma_wait3A_181 : memref<104x64xf32, #tpu.memory_space<hbm>>)
      tpu.yield
    }) : () -> ()
    %mul3A_143 = arith.constant 624 : i32
    %mul3A_144 = arith.muli %arg1, %mul3A_143 : i32
    %add3A_145 = arith.constant 104 : i32
    %add3A_146 = arith.addi %mul3A_144, %add3A_145 : i32
    "tpu.region"() ({
      %run_scoped3A = tpu.sem_alloc : memref<!tpu.dma_semaphore, #tpu.memory_space<semaphore_mem>>
      %dma_start3A_178 = arith.constant 0 : i32
      %dma_start3A_179 = tpu.memref_slice %arg18[%add3A_146, %dma_start3A_178] : memref<10000x64xf32, #tpu.memory_space<vmem_shared>> -> memref<104x64xf32, #tpu.memory_space<vmem_shared>>
      %dma_start3A_180 = arith.constant 0 : i32
      %dma_start3A_181 = tpu.memref_slice %arg18[%add3A_146, %dma_start3A_180] : memref<10000x64xf32, #tpu.memory_space<vmem_shared>> -> memref<104x64xf32, #tpu.memory_space<vmem_shared>>
      tpu.enqueue_dma source(%dma_start3A_181 : memref<104x64xf32, #tpu.memory_space<vmem_shared>>) target(%arg17 : memref<104x64xf32, #tpu.memory_space<vmem>>) target_semaphore(%run_scoped3A : memref<!tpu.dma_semaphore, #tpu.memory_space<semaphore_mem>>)
      %dma_wait3A_182 = arith.constant 0 : i32
      %dma_wait3A_183 = tpu.memref_slice %arg18[%add3A_146, %dma_wait3A_182] : memref<10000x64xf32, #tpu.memory_space<vmem_shared>> -> memref<104x64xf32, #tpu.memory_space<vmem_shared>>
      %dma_wait3A_184 = arith.constant 0 : i32
      %dma_wait3A_185 = tpu.memref_slice %arg18[%add3A_146, %dma_wait3A_184] : memref<10000x64xf32, #tpu.memory_space<vmem_shared>> -> memref<104x64xf32, #tpu.memory_space<vmem_shared>>
      tpu.wait_dma2 semaphore(%run_scoped3A : memref<!tpu.dma_semaphore, #tpu.memory_space<semaphore_mem>>) src(%dma_wait3A_185 : memref<104x64xf32, #tpu.memory_space<vmem_shared>>) dst(%arg17 : memref<104x64xf32, #tpu.memory_space<vmem>>)
      tpu.yield
    }) : () -> ()
    %mul3A_147 = arith.constant 64 : i32
    %mul3A_148 = arith.muli %arg0, %mul3A_147 : i32
    "tpu.region"() ({
      %run_scoped3A = tpu.sem_alloc : memref<!tpu.dma_semaphore, #tpu.memory_space<semaphore_mem>>
      %dma_start3A_178 = tpu.memref_slice %arg4[%add3A_146, %mul3A_148] : memref<10000x128xf32, #tpu.memory_space<hbm>> -> memref<104x64xf32, #tpu.memory_space<hbm>>
      %dma_start3A_179 = tpu.memref_slice %arg4[%add3A_146, %mul3A_148] : memref<10000x128xf32, #tpu.memory_space<hbm>> -> memref<104x64xf32, #tpu.memory_space<hbm>>
      tpu.enqueue_dma source(%arg17 : memref<104x64xf32, #tpu.memory_space<vmem>>) target(%dma_start3A_179 : memref<104x64xf32, #tpu.memory_space<hbm>>) target_semaphore(%run_scoped3A : memref<!tpu.dma_semaphore, #tpu.memory_space<semaphore_mem>>)
      %dma_wait3A_180 = tpu.memref_slice %arg4[%add3A_146, %mul3A_148] : memref<10000x128xf32, #tpu.memory_space<hbm>> -> memref<104x64xf32, #tpu.memory_space<hbm>>
      %dma_wait3A_181 = tpu.memref_slice %arg4[%add3A_146, %mul3A_148] : memref<10000x128xf32, #tpu.memory_space<hbm>> -> memref<104x64xf32, #tpu.memory_space<hbm>>
      tpu.wait_dma2 semaphore(%run_scoped3A : memref<!tpu.dma_semaphore, #tpu.memory_space<semaphore_mem>>) src(%arg17 : memref<104x64xf32, #tpu.memory_space<vmem>>) dst(%dma_wait3A_181 : memref<104x64xf32, #tpu.memory_space<hbm>>)
      tpu.yield
    }) : () -> ()
    %mul3A_149 = arith.constant 624 : i32
    %mul3A_150 = arith.muli %arg1, %mul3A_149 : i32
    %add3A_151 = arith.constant 208 : i32
    %add3A_152 = arith.addi %mul3A_150, %add3A_151 : i32
    "tpu.region"() ({
      %run_scoped3A = tpu.sem_alloc : memref<!tpu.dma_semaphore, #tpu.memory_space<semaphore_mem>>
      %dma_start3A_178 = arith.constant 0 : i32
      %dma_start3A_179 = tpu.memref_slice %arg18[%add3A_152, %dma_start3A_178] : memref<10000x64xf32, #tpu.memory_space<vmem_shared>> -> memref<104x64xf32, #tpu.memory_space<vmem_shared>>
      %dma_start3A_180 = arith.constant 0 : i32
      %dma_start3A_181 = tpu.memref_slice %arg18[%add3A_152, %dma_start3A_180] : memref<10000x64xf32, #tpu.memory_space<vmem_shared>> -> memref<104x64xf32, #tpu.memory_space<vmem_shared>>
      tpu.enqueue_dma source(%dma_start3A_181 : memref<104x64xf32, #tpu.memory_space<vmem_shared>>) target(%arg17 : memref<104x64xf32, #tpu.memory_space<vmem>>) target_semaphore(%run_scoped3A : memref<!tpu.dma_semaphore, #tpu.memory_space<semaphore_mem>>)
      %dma_wait3A_182 = arith.constant 0 : i32
      %dma_wait3A_183 = tpu.memref_slice %arg18[%add3A_152, %dma_wait3A_182] : memref<10000x64xf32, #tpu.memory_space<vmem_shared>> -> memref<104x64xf32, #tpu.memory_space<vmem_shared>>
      %dma_wait3A_184 = arith.constant 0 : i32
      %dma_wait3A_185 = tpu.memref_slice %arg18[%add3A_152, %dma_wait3A_184] : memref<10000x64xf32, #tpu.memory_space<vmem_shared>> -> memref<104x64xf32, #tpu.memory_space<vmem_shared>>
      tpu.wait_dma2 semaphore(%run_scoped3A : memref<!tpu.dma_semaphore, #tpu.memory_space<semaphore_mem>>) src(%dma_wait3A_185 : memref<104x64xf32, #tpu.memory_space<vmem_shared>>) dst(%arg17 : memref<104x64xf32, #tpu.memory_space<vmem>>)
      tpu.yield
    }) : () -> ()
    %mul3A_153 = arith.constant 64 : i32
    %mul3A_154 = arith.muli %arg0, %mul3A_153 : i32
    "tpu.region"() ({
      %run_scoped3A = tpu.sem_alloc : memref<!tpu.dma_semaphore, #tpu.memory_space<semaphore_mem>>
      %dma_start3A_178 = tpu.memref_slice %arg4[%add3A_152, %mul3A_154] : memref<10000x128xf32, #tpu.memory_space<hbm>> -> memref<104x64xf32, #tpu.memory_space<hbm>>
      %dma_start3A_179 = tpu.memref_slice %arg4[%add3A_152, %mul3A_154] : memref<10000x128xf32, #tpu.memory_space<hbm>> -> memref<104x64xf32, #tpu.memory_space<hbm>>
      tpu.enqueue_dma source(%arg17 : memref<104x64xf32, #tpu.memory_space<vmem>>) target(%dma_start3A_179 : memref<104x64xf32, #tpu.memory_space<hbm>>) target_semaphore(%run_scoped3A : memref<!tpu.dma_semaphore, #tpu.memory_space<semaphore_mem>>)
      %dma_wait3A_180 = tpu.memref_slice %arg4[%add3A_152, %mul3A_154] : memref<10000x128xf32, #tpu.memory_space<hbm>> -> memref<104x64xf32, #tpu.memory_space<hbm>>
      %dma_wait3A_181 = tpu.memref_slice %arg4[%add3A_152, %mul3A_154] : memref<10000x128xf32, #tpu.memory_space<hbm>> -> memref<104x64xf32, #tpu.memory_space<hbm>>
      tpu.wait_dma2 semaphore(%run_scoped3A : memref<!tpu.dma_semaphore, #tpu.memory_space<semaphore_mem>>) src(%arg17 : memref<104x64xf32, #tpu.memory_space<vmem>>) dst(%dma_wait3A_181 : memref<104x64xf32, #tpu.memory_space<hbm>>)
      tpu.yield
    }) : () -> ()
    %mul3A_155 = arith.constant 624 : i32
    %mul3A_156 = arith.muli %arg1, %mul3A_155 : i32
    %add3A_157 = arith.constant 312 : i32
    %add3A_158 = arith.addi %mul3A_156, %add3A_157 : i32
    "tpu.region"() ({
      %run_scoped3A = tpu.sem_alloc : memref<!tpu.dma_semaphore, #tpu.memory_space<semaphore_mem>>
      %dma_start3A_178 = arith.constant 0 : i32
      %dma_start3A_179 = tpu.memref_slice %arg18[%add3A_158, %dma_start3A_178] : memref<10000x64xf32, #tpu.memory_space<vmem_shared>> -> memref<104x64xf32, #tpu.memory_space<vmem_shared>>
      %dma_start3A_180 = arith.constant 0 : i32
      %dma_start3A_181 = tpu.memref_slice %arg18[%add3A_158, %dma_start3A_180] : memref<10000x64xf32, #tpu.memory_space<vmem_shared>> -> memref<104x64xf32, #tpu.memory_space<vmem_shared>>
      tpu.enqueue_dma source(%dma_start3A_181 : memref<104x64xf32, #tpu.memory_space<vmem_shared>>) target(%arg17 : memref<104x64xf32, #tpu.memory_space<vmem>>) target_semaphore(%run_scoped3A : memref<!tpu.dma_semaphore, #tpu.memory_space<semaphore_mem>>)
      %dma_wait3A_182 = arith.constant 0 : i32
      %dma_wait3A_183 = tpu.memref_slice %arg18[%add3A_158, %dma_wait3A_182] : memref<10000x64xf32, #tpu.memory_space<vmem_shared>> -> memref<104x64xf32, #tpu.memory_space<vmem_shared>>
      %dma_wait3A_184 = arith.constant 0 : i32
      %dma_wait3A_185 = tpu.memref_slice %arg18[%add3A_158, %dma_wait3A_184] : memref<10000x64xf32, #tpu.memory_space<vmem_shared>> -> memref<104x64xf32, #tpu.memory_space<vmem_shared>>
      tpu.wait_dma2 semaphore(%run_scoped3A : memref<!tpu.dma_semaphore, #tpu.memory_space<semaphore_mem>>) src(%dma_wait3A_185 : memref<104x64xf32, #tpu.memory_space<vmem_shared>>) dst(%arg17 : memref<104x64xf32, #tpu.memory_space<vmem>>)
      tpu.yield
    }) : () -> ()
    %mul3A_159 = arith.constant 64 : i32
    %mul3A_160 = arith.muli %arg0, %mul3A_159 : i32
    "tpu.region"() ({
      %run_scoped3A = tpu.sem_alloc : memref<!tpu.dma_semaphore, #tpu.memory_space<semaphore_mem>>
      %dma_start3A_178 = tpu.memref_slice %arg4[%add3A_158, %mul3A_160] : memref<10000x128xf32, #tpu.memory_space<hbm>> -> memref<104x64xf32, #tpu.memory_space<hbm>>
      %dma_start3A_179 = tpu.memref_slice %arg4[%add3A_158, %mul3A_160] : memref<10000x128xf32, #tpu.memory_space<hbm>> -> memref<104x64xf32, #tpu.memory_space<hbm>>
      tpu.enqueue_dma source(%arg17 : memref<104x64xf32, #tpu.memory_space<vmem>>) target(%dma_start3A_179 : memref<104x64xf32, #tpu.memory_space<hbm>>) target_semaphore(%run_scoped3A : memref<!tpu.dma_semaphore, #tpu.memory_space<semaphore_mem>>)
      %dma_wait3A_180 = tpu.memref_slice %arg4[%add3A_158, %mul3A_160] : memref<10000x128xf32, #tpu.memory_space<hbm>> -> memref<104x64xf32, #tpu.memory_space<hbm>>
      %dma_wait3A_181 = tpu.memref_slice %arg4[%add3A_158, %mul3A_160] : memref<10000x128xf32, #tpu.memory_space<hbm>> -> memref<104x64xf32, #tpu.memory_space<hbm>>
      tpu.wait_dma2 semaphore(%run_scoped3A : memref<!tpu.dma_semaphore, #tpu.memory_space<semaphore_mem>>) src(%arg17 : memref<104x64xf32, #tpu.memory_space<vmem>>) dst(%dma_wait3A_181 : memref<104x64xf32, #tpu.memory_space<hbm>>)
      tpu.yield
    }) : () -> ()
    %mul3A_161 = arith.constant 624 : i32
    %mul3A_162 = arith.muli %arg1, %mul3A_161 : i32
    %add3A_163 = arith.constant 416 : i32
    %add3A_164 = arith.addi %mul3A_162, %add3A_163 : i32
    "tpu.region"() ({
      %run_scoped3A = tpu.sem_alloc : memref<!tpu.dma_semaphore, #tpu.memory_space<semaphore_mem>>
      %dma_start3A_178 = arith.constant 0 : i32
      %dma_start3A_179 = tpu.memref_slice %arg18[%add3A_164, %dma_start3A_178] : memref<10000x64xf32, #tpu.memory_space<vmem_shared>> -> memref<104x64xf32, #tpu.memory_space<vmem_shared>>
      %dma_start3A_180 = arith.constant 0 : i32
      %dma_start3A_181 = tpu.memref_slice %arg18[%add3A_164, %dma_start3A_180] : memref<10000x64xf32, #tpu.memory_space<vmem_shared>> -> memref<104x64xf32, #tpu.memory_space<vmem_shared>>
      tpu.enqueue_dma source(%dma_start3A_181 : memref<104x64xf32, #tpu.memory_space<vmem_shared>>) target(%arg17 : memref<104x64xf32, #tpu.memory_space<vmem>>) target_semaphore(%run_scoped3A : memref<!tpu.dma_semaphore, #tpu.memory_space<semaphore_mem>>)
      %dma_wait3A_182 = arith.constant 0 : i32
      %dma_wait3A_183 = tpu.memref_slice %arg18[%add3A_164, %dma_wait3A_182] : memref<10000x64xf32, #tpu.memory_space<vmem_shared>> -> memref<104x64xf32, #tpu.memory_space<vmem_shared>>
      %dma_wait3A_184 = arith.constant 0 : i32
      %dma_wait3A_185 = tpu.memref_slice %arg18[%add3A_164, %dma_wait3A_184] : memref<10000x64xf32, #tpu.memory_space<vmem_shared>> -> memref<104x64xf32, #tpu.memory_space<vmem_shared>>
      tpu.wait_dma2 semaphore(%run_scoped3A : memref<!tpu.dma_semaphore, #tpu.memory_space<semaphore_mem>>) src(%dma_wait3A_185 : memref<104x64xf32, #tpu.memory_space<vmem_shared>>) dst(%arg17 : memref<104x64xf32, #tpu.memory_space<vmem>>)
      tpu.yield
    }) : () -> ()
    %mul3A_165 = arith.constant 64 : i32
    %mul3A_166 = arith.muli %arg0, %mul3A_165 : i32
    "tpu.region"() ({
      %run_scoped3A = tpu.sem_alloc : memref<!tpu.dma_semaphore, #tpu.memory_space<semaphore_mem>>
      %dma_start3A_178 = tpu.memref_slice %arg4[%add3A_164, %mul3A_166] : memref<10000x128xf32, #tpu.memory_space<hbm>> -> memref<104x64xf32, #tpu.memory_space<hbm>>
      %dma_start3A_179 = tpu.memref_slice %arg4[%add3A_164, %mul3A_166] : memref<10000x128xf32, #tpu.memory_space<hbm>> -> memref<104x64xf32, #tpu.memory_space<hbm>>
      tpu.enqueue_dma source(%arg17 : memref<104x64xf32, #tpu.memory_space<vmem>>) target(%dma_start3A_179 : memref<104x64xf32, #tpu.memory_space<hbm>>) target_semaphore(%run_scoped3A : memref<!tpu.dma_semaphore, #tpu.memory_space<semaphore_mem>>)
      %dma_wait3A_180 = tpu.memref_slice %arg4[%add3A_164, %mul3A_166] : memref<10000x128xf32, #tpu.memory_space<hbm>> -> memref<104x64xf32, #tpu.memory_space<hbm>>
      %dma_wait3A_181 = tpu.memref_slice %arg4[%add3A_164, %mul3A_166] : memref<10000x128xf32, #tpu.memory_space<hbm>> -> memref<104x64xf32, #tpu.memory_space<hbm>>
      tpu.wait_dma2 semaphore(%run_scoped3A : memref<!tpu.dma_semaphore, #tpu.memory_space<semaphore_mem>>) src(%arg17 : memref<104x64xf32, #tpu.memory_space<vmem>>) dst(%dma_wait3A_181 : memref<104x64xf32, #tpu.memory_space<hbm>>)
      tpu.yield
    }) : () -> ()
    %mul3A_167 = arith.constant 624 : i32
    %mul3A_168 = arith.muli %arg1, %mul3A_167 : i32
    %add3A_169 = arith.constant 520 : i32
    %add3A_170 = arith.addi %mul3A_168, %add3A_169 : i32
    "tpu.region"() ({
      %run_scoped3A = tpu.sem_alloc : memref<!tpu.dma_semaphore, #tpu.memory_space<semaphore_mem>>
      %dma_start3A_178 = arith.constant 0 : i32
      %dma_start3A_179 = tpu.memref_slice %arg18[%add3A_170, %dma_start3A_178] : memref<10000x64xf32, #tpu.memory_space<vmem_shared>> -> memref<104x64xf32, #tpu.memory_space<vmem_shared>>
      %dma_start3A_180 = arith.constant 0 : i32
      %dma_start3A_181 = tpu.memref_slice %arg18[%add3A_170, %dma_start3A_180] : memref<10000x64xf32, #tpu.memory_space<vmem_shared>> -> memref<104x64xf32, #tpu.memory_space<vmem_shared>>
      tpu.enqueue_dma source(%dma_start3A_181 : memref<104x64xf32, #tpu.memory_space<vmem_shared>>) target(%arg17 : memref<104x64xf32, #tpu.memory_space<vmem>>) target_semaphore(%run_scoped3A : memref<!tpu.dma_semaphore, #tpu.memory_space<semaphore_mem>>)
      %dma_wait3A_182 = arith.constant 0 : i32
      %dma_wait3A_183 = tpu.memref_slice %arg18[%add3A_170, %dma_wait3A_182] : memref<10000x64xf32, #tpu.memory_space<vmem_shared>> -> memref<104x64xf32, #tpu.memory_space<vmem_shared>>
      %dma_wait3A_184 = arith.constant 0 : i32
      %dma_wait3A_185 = tpu.memref_slice %arg18[%add3A_170, %dma_wait3A_184] : memref<10000x64xf32, #tpu.memory_space<vmem_shared>> -> memref<104x64xf32, #tpu.memory_space<vmem_shared>>
      tpu.wait_dma2 semaphore(%run_scoped3A : memref<!tpu.dma_semaphore, #tpu.memory_space<semaphore_mem>>) src(%dma_wait3A_185 : memref<104x64xf32, #tpu.memory_space<vmem_shared>>) dst(%arg17 : memref<104x64xf32, #tpu.memory_space<vmem>>)
      tpu.yield
    }) : () -> ()
    %mul3A_171 = arith.constant 64 : i32
    %mul3A_172 = arith.muli %arg0, %mul3A_171 : i32
    "tpu.region"() ({
      %run_scoped3A = tpu.sem_alloc : memref<!tpu.dma_semaphore, #tpu.memory_space<semaphore_mem>>
      %dma_start3A_178 = tpu.memref_slice %arg4[%add3A_170, %mul3A_172] : memref<10000x128xf32, #tpu.memory_space<hbm>> -> memref<104x64xf32, #tpu.memory_space<hbm>>
      %dma_start3A_179 = tpu.memref_slice %arg4[%add3A_170, %mul3A_172] : memref<10000x128xf32, #tpu.memory_space<hbm>> -> memref<104x64xf32, #tpu.memory_space<hbm>>
      tpu.enqueue_dma source(%arg17 : memref<104x64xf32, #tpu.memory_space<vmem>>) target(%dma_start3A_179 : memref<104x64xf32, #tpu.memory_space<hbm>>) target_semaphore(%run_scoped3A : memref<!tpu.dma_semaphore, #tpu.memory_space<semaphore_mem>>)
      %dma_wait3A_180 = tpu.memref_slice %arg4[%add3A_170, %mul3A_172] : memref<10000x128xf32, #tpu.memory_space<hbm>> -> memref<104x64xf32, #tpu.memory_space<hbm>>
      %dma_wait3A_181 = tpu.memref_slice %arg4[%add3A_170, %mul3A_172] : memref<10000x128xf32, #tpu.memory_space<hbm>> -> memref<104x64xf32, #tpu.memory_space<hbm>>
      tpu.wait_dma2 semaphore(%run_scoped3A : memref<!tpu.dma_semaphore, #tpu.memory_space<semaphore_mem>>) src(%arg17 : memref<104x64xf32, #tpu.memory_space<vmem>>) dst(%dma_wait3A_181 : memref<104x64xf32, #tpu.memory_space<hbm>>)
      tpu.yield
    }) : () -> ()
    %eq3A_173 = arith.constant 0 : i32
    %eq3A_174 = arith.cmpi eq, %arg1, %eq3A_173 : i32
    %convert_element_type3A_175 = arith.extui %eq3A_174 : i1 to i32
    %cond3A_176 = arith.constant 0 : i32
    %cond3A_177 = arith.cmpi ne, %convert_element_type3A_175, %cond3A_176 : i32
    scf.if %cond3A_177 {
      "tpu.region"() ({
        %run_scoped3A = tpu.sem_alloc : memref<!tpu.dma_semaphore, #tpu.memory_space<semaphore_mem>>
        %dma_start3A_180 = arith.constant 0 : i32
        %dma_start3A_181 = arith.constant 0 : i32
        %dma_start3A_182 = tpu.memref_slice %arg17[%dma_start3A_180, %dma_start3A_181] : memref<104x64xf32, #tpu.memory_space<vmem>> -> memref<16x64xf32, #tpu.memory_space<vmem>>
        %dma_start3A_183 = arith.constant 9984 : i32
        %dma_start3A_184 = arith.constant 0 : i32
        %dma_start3A_185 = tpu.memref_slice %arg18[%dma_start3A_183, %dma_start3A_184] : memref<10000x64xf32, #tpu.memory_space<vmem_shared>> -> memref<16x64xf32, #tpu.memory_space<vmem_shared>>
        %dma_start3A_186 = arith.constant 0 : i32
        %dma_start3A_187 = arith.constant 0 : i32
        %dma_start3A_188 = tpu.memref_slice %arg17[%dma_start3A_186, %dma_start3A_187] : memref<104x64xf32, #tpu.memory_space<vmem>> -> memref<16x64xf32, #tpu.memory_space<vmem>>
        %dma_start3A_189 = arith.constant 9984 : i32
        %dma_start3A_190 = arith.constant 0 : i32
        %dma_start3A_191 = tpu.memref_slice %arg18[%dma_start3A_189, %dma_start3A_190] : memref<10000x64xf32, #tpu.memory_space<vmem_shared>> -> memref<16x64xf32, #tpu.memory_space<vmem_shared>>
        tpu.enqueue_dma source(%dma_start3A_191 : memref<16x64xf32, #tpu.memory_space<vmem_shared>>) target(%dma_start3A_188 : memref<16x64xf32, #tpu.memory_space<vmem>>) target_semaphore(%run_scoped3A : memref<!tpu.dma_semaphore, #tpu.memory_space<semaphore_mem>>)
        %dma_wait3A_192 = arith.constant 0 : i32
        %dma_wait3A_193 = arith.constant 0 : i32
        %dma_wait3A_194 = tpu.memref_slice %arg17[%dma_wait3A_192, %dma_wait3A_193] : memref<104x64xf32, #tpu.memory_space<vmem>> -> memref<16x64xf32, #tpu.memory_space<vmem>>
        %dma_wait3A_195 = arith.constant 9984 : i32
        %dma_wait3A_196 = arith.constant 0 : i32
        %dma_wait3A_197 = tpu.memref_slice %arg18[%dma_wait3A_195, %dma_wait3A_196] : memref<10000x64xf32, #tpu.memory_space<vmem_shared>> -> memref<16x64xf32, #tpu.memory_space<vmem_shared>>
        %dma_wait3A_198 = arith.constant 0 : i32
        %dma_wait3A_199 = arith.constant 0 : i32
        %dma_wait3A_200 = tpu.memref_slice %arg17[%dma_wait3A_198, %dma_wait3A_199] : memref<104x64xf32, #tpu.memory_space<vmem>> -> memref<16x64xf32, #tpu.memory_space<vmem>>
        %dma_wait3A_201 = arith.constant 9984 : i32
        %dma_wait3A_202 = arith.constant 0 : i32
        %dma_wait3A_203 = tpu.memref_slice %arg18[%dma_wait3A_201, %dma_wait3A_202] : memref<10000x64xf32, #tpu.memory_space<vmem_shared>> -> memref<16x64xf32, #tpu.memory_space<vmem_shared>>
        tpu.wait_dma2 semaphore(%run_scoped3A : memref<!tpu.dma_semaphore, #tpu.memory_space<semaphore_mem>>) src(%dma_wait3A_203 : memref<16x64xf32, #tpu.memory_space<vmem_shared>>) dst(%dma_wait3A_200 : memref<16x64xf32, #tpu.memory_space<vmem>>)
        tpu.yield
      }) : () -> ()
      %mul3A_178 = arith.constant 64 : i32
      %mul3A_179 = arith.muli %arg0, %mul3A_178 : i32
      "tpu.region"() ({
        %run_scoped3A = tpu.sem_alloc : memref<!tpu.dma_semaphore, #tpu.memory_space<semaphore_mem>>
        %dma_start3A_180 = arith.constant 0 : i32
        %dma_start3A_181 = arith.constant 0 : i32
        %dma_start3A_182 = tpu.memref_slice %arg17[%dma_start3A_180, %dma_start3A_181] : memref<104x64xf32, #tpu.memory_space<vmem>> -> memref<16x64xf32, #tpu.memory_space<vmem>>
        %dma_start3A_183 = arith.constant 9984 : i32
        %dma_start3A_184 = tpu.memref_slice %arg4[%dma_start3A_183, %mul3A_179] : memref<10000x128xf32, #tpu.memory_space<hbm>> -> memref<16x64xf32, #tpu.memory_space<hbm>>
        %dma_start3A_185 = arith.constant 9984 : i32
        %dma_start3A_186 = tpu.memref_slice %arg4[%dma_start3A_185, %mul3A_179] : memref<10000x128xf32, #tpu.memory_space<hbm>> -> memref<16x64xf32, #tpu.memory_space<hbm>>
        %dma_start3A_187 = arith.constant 0 : i32
        %dma_start3A_188 = arith.constant 0 : i32
        %dma_start3A_189 = tpu.memref_slice %arg17[%dma_start3A_187, %dma_start3A_188] : memref<104x64xf32, #tpu.memory_space<vmem>> -> memref<16x64xf32, #tpu.memory_space<vmem>>
        tpu.enqueue_dma source(%dma_start3A_189 : memref<16x64xf32, #tpu.memory_space<vmem>>) target(%dma_start3A_186 : memref<16x64xf32, #tpu.memory_space<hbm>>) target_semaphore(%run_scoped3A : memref<!tpu.dma_semaphore, #tpu.memory_space<semaphore_mem>>)
        %dma_wait3A_190 = arith.constant 0 : i32
        %dma_wait3A_191 = arith.constant 0 : i32
        %dma_wait3A_192 = tpu.memref_slice %arg17[%dma_wait3A_190, %dma_wait3A_191] : memref<104x64xf32, #tpu.memory_space<vmem>> -> memref<16x64xf32, #tpu.memory_space<vmem>>
        %dma_wait3A_193 = arith.constant 9984 : i32
        %dma_wait3A_194 = tpu.memref_slice %arg4[%dma_wait3A_193, %mul3A_179] : memref<10000x128xf32, #tpu.memory_space<hbm>> -> memref<16x64xf32, #tpu.memory_space<hbm>>
        %dma_wait3A_195 = arith.constant 9984 : i32
        %dma_wait3A_196 = tpu.memref_slice %arg4[%dma_wait3A_195, %mul3A_179] : memref<10000x128xf32, #tpu.memory_space<hbm>> -> memref<16x64xf32, #tpu.memory_space<hbm>>
        %dma_wait3A_197 = arith.constant 0 : i32
        %dma_wait3A_198 = arith.constant 0 : i32
        %dma_wait3A_199 = tpu.memref_slice %arg17[%dma_wait3A_197, %dma_wait3A_198] : memref<104x64xf32, #tpu.memory_space<vmem>> -> memref<16x64xf32, #tpu.memory_space<vmem>>
        tpu.wait_dma2 semaphore(%run_scoped3A : memref<!tpu.dma_semaphore, #tpu.memory_space<semaphore_mem>>) src(%dma_wait3A_199 : memref<16x64xf32, #tpu.memory_space<vmem>>) dst(%dma_wait3A_196 : memref<16x64xf32, #tpu.memory_space<hbm>>)
        tpu.yield
      }) : () -> ()
    } else {
    }
    return
  }
}

module attributes {stable_mosaic.version = 14 : i64} {
  func.func @_mlp_body(%arg0: i32, %arg1: memref<1xf32, #tpu.memory_space<smem>>, %arg2: memref<2000x128xf32, #tpu.memory_space<vmem>>, %arg3: memref<2000x128xf32, #tpu.memory_space<vmem>>, %arg4: memref<128x128xf32, #tpu.memory_space<vmem>>, %arg5: memref<1x128xf32, #tpu.memory_space<vmem>>, %arg6: memref<128x128xf32, #tpu.memory_space<vmem>>, %arg7: memref<1x128xf32, #tpu.memory_space<vmem>>, %arg8: memref<128x128xf32, #tpu.memory_space<vmem>>, %arg9: memref<1x128xf32, #tpu.memory_space<vmem>>, %arg10: memref<128x128xf32, #tpu.memory_space<vmem>>, %arg11: memref<1x128xf32, #tpu.memory_space<vmem>>, %arg12: memref<2000x128xf32, #tpu.memory_space<vmem>>) attributes {dimension_semantics = [#tpu.dimension_semantics<arbitrary>], iteration_bounds = array<i64: 5>, scalar_prefetch = 0 : i64, scratch_operands = 0 : i64, tpu.core_type = #tpu.core_type<tc>, window_params = [{transform_indices = @transform_0, window_bounds = array<i64: 1>}, {transform_indices = @transform_1, window_bounds = array<i64: 2000, 128>}, {transform_indices = @transform_2, window_bounds = array<i64: 2000, 128>}, {pipeline_mode = #tpu.pipeline_mode<synchronous>, transform_indices = @transform_3, window_bounds = array<i64: 128, 128>}, {pipeline_mode = #tpu.pipeline_mode<synchronous>, transform_indices = @transform_4, window_bounds = array<i64: 1, 128>}, {pipeline_mode = #tpu.pipeline_mode<synchronous>, transform_indices = @transform_5, window_bounds = array<i64: 128, 128>}, {pipeline_mode = #tpu.pipeline_mode<synchronous>, transform_indices = @transform_6, window_bounds = array<i64: 1, 128>}, {pipeline_mode = #tpu.pipeline_mode<synchronous>, transform_indices = @transform_7, window_bounds = array<i64: 128, 128>}, {pipeline_mode = #tpu.pipeline_mode<synchronous>, transform_indices = @transform_8, window_bounds = array<i64: 1, 128>}, {pipeline_mode = #tpu.pipeline_mode<synchronous>, transform_indices = @transform_9, window_bounds = array<i64: 128, 128>}, {pipeline_mode = #tpu.pipeline_mode<synchronous>, transform_indices = @transform_10, window_bounds = array<i64: 1, 128>}, {transform_indices = @transform_11, window_bounds = array<i64: 2000, 128>}]} {
    %get3A = arith.constant 0 : index
    %get3A_0 = memref.load %arg1[%get3A] : memref<1xf32, #tpu.memory_space<smem>>
    %get3A_1 = arith.constant 0 : index
    %get3A_2 = arith.constant 0 : index
    %get3A_3 = vector.load %arg3[%get3A_1, %get3A_2] : memref<2000x128xf32, #tpu.memory_space<vmem>>, vector<2000x128xf32>
    %add3A = arith.constant 1.000000e+00 : f32
    %add3A_4 = arith.addf %add3A, %get3A_0 : f32
    %get3A_5 = arith.constant 0 : index
    %get3A_6 = arith.constant 0 : index
    %get3A_7 = vector.load %arg2[%get3A_5, %get3A_6] : memref<2000x128xf32, #tpu.memory_space<vmem>>, vector<2000x128xf32>
    %mul3A = vector.broadcast %add3A_4 : f32 to vector<2000x128xf32>
    %mul3A_8 = arith.mulf %mul3A, %get3A_7 : vector<2000x128xf32>
    %add3A_9 = arith.addf %get3A_3, %mul3A_8 : vector<2000x128xf32>
    %get3A_10 = arith.constant 0 : index
    %get3A_11 = arith.constant 0 : index
    %get3A_12 = vector.load %arg4[%get3A_10, %get3A_11] : memref<128x128xf32, #tpu.memory_space<vmem>>, vector<128x128xf32>
    %dot_general3A = arith.constant dense<0.000000e+00> : vector<2000x128xf32>
    %dot_general3A_13 = tpu.matmul %add3A_9, %get3A_12, %dot_general3A {dimension_numbers = #tpu.dot_dimension_numbers<[1], [0], [0], [1], [0, 0, 1, 1], [], []>, transpose_lhs_hint = false} : vector<2000x128xf32>, vector<128x128xf32>, vector<2000x128xf32> -> vector<2000x128xf32>
    %get3A_14 = arith.constant 0 : index
    %get3A_15 = arith.constant 0 : index
    %get3A_16 = vector.load %arg5[%get3A_14, %get3A_15] : memref<1x128xf32, #tpu.memory_space<vmem>>, vector<1x128xf32>
    %add3A_17 = vector.broadcast %get3A_16 : vector<1x128xf32> to vector<2000x128xf32>
    %add3A_18 = arith.addf %dot_general3A_13, %add3A_17 : vector<2000x128xf32>
    %max3A = arith.constant 0.000000e+00 : f32
    %max3A_19 = vector.broadcast %max3A : f32 to vector<2000x128xf32>
    %max3A_20 = arith.maximumf %add3A_18, %max3A_19 : vector<2000x128xf32>
    %get3A_21 = arith.constant 0 : index
    %get3A_22 = arith.constant 0 : index
    %get3A_23 = vector.load %arg6[%get3A_21, %get3A_22] : memref<128x128xf32, #tpu.memory_space<vmem>>, vector<128x128xf32>
    %dot_general3A_24 = arith.constant dense<0.000000e+00> : vector<2000x128xf32>
    %dot_general3A_25 = tpu.matmul %max3A_20, %get3A_23, %dot_general3A_24 {dimension_numbers = #tpu.dot_dimension_numbers<[1], [0], [0], [1], [0, 0, 1, 1], [], []>, transpose_lhs_hint = false} : vector<2000x128xf32>, vector<128x128xf32>, vector<2000x128xf32> -> vector<2000x128xf32>
    %get3A_26 = arith.constant 0 : index
    %get3A_27 = arith.constant 0 : index
    %get3A_28 = vector.load %arg7[%get3A_26, %get3A_27] : memref<1x128xf32, #tpu.memory_space<vmem>>, vector<1x128xf32>
    %add3A_29 = vector.broadcast %get3A_28 : vector<1x128xf32> to vector<2000x128xf32>
    %add3A_30 = arith.addf %dot_general3A_25, %add3A_29 : vector<2000x128xf32>
    %get3A_31 = arith.constant 0 : index
    %get3A_32 = arith.constant 0 : index
    %get3A_33 = vector.load %arg8[%get3A_31, %get3A_32] : memref<128x128xf32, #tpu.memory_space<vmem>>, vector<128x128xf32>
    %dot_general3A_34 = arith.constant dense<0.000000e+00> : vector<2000x128xf32>
    %dot_general3A_35 = tpu.matmul %add3A_30, %get3A_33, %dot_general3A_34 {dimension_numbers = #tpu.dot_dimension_numbers<[1], [0], [0], [1], [0, 0, 1, 1], [], []>, transpose_lhs_hint = false} : vector<2000x128xf32>, vector<128x128xf32>, vector<2000x128xf32> -> vector<2000x128xf32>
    %get3A_36 = arith.constant 0 : index
    %get3A_37 = arith.constant 0 : index
    %get3A_38 = vector.load %arg9[%get3A_36, %get3A_37] : memref<1x128xf32, #tpu.memory_space<vmem>>, vector<1x128xf32>
    %add3A_39 = vector.broadcast %get3A_38 : vector<1x128xf32> to vector<2000x128xf32>
    %add3A_40 = arith.addf %dot_general3A_35, %add3A_39 : vector<2000x128xf32>
    %max3A_41 = arith.constant 0.000000e+00 : f32
    %max3A_42 = vector.broadcast %max3A_41 : f32 to vector<2000x128xf32>
    %max3A_43 = arith.maximumf %add3A_40, %max3A_42 : vector<2000x128xf32>
    %get3A_44 = arith.constant 0 : index
    %get3A_45 = arith.constant 0 : index
    %get3A_46 = vector.load %arg10[%get3A_44, %get3A_45] : memref<128x128xf32, #tpu.memory_space<vmem>>, vector<128x128xf32>
    %dot_general3A_47 = arith.constant dense<0.000000e+00> : vector<2000x128xf32>
    %dot_general3A_48 = tpu.matmul %max3A_43, %get3A_46, %dot_general3A_47 {dimension_numbers = #tpu.dot_dimension_numbers<[1], [0], [0], [1], [0, 0, 1, 1], [], []>, transpose_lhs_hint = false} : vector<2000x128xf32>, vector<128x128xf32>, vector<2000x128xf32> -> vector<2000x128xf32>
    %get3A_49 = arith.constant 0 : index
    %get3A_50 = arith.constant 0 : index
    %get3A_51 = vector.load %arg11[%get3A_49, %get3A_50] : memref<1x128xf32, #tpu.memory_space<vmem>>, vector<1x128xf32>
    %add3A_52 = vector.broadcast %get3A_51 : vector<1x128xf32> to vector<2000x128xf32>
    %add3A_53 = arith.addf %dot_general3A_48, %add3A_52 : vector<2000x128xf32>
    %neg3A = arith.constant 0.000000e+00 : f32
    %neg3A_54 = vector.broadcast %neg3A : f32 to vector<2000x128xf32>
    %neg3A_55 = arith.subf %neg3A_54, %add3A_53 : vector<2000x128xf32>
    %exp3A = math.exp %neg3A_55 : vector<2000x128xf32>
    %add3A_56 = arith.constant 1.000000e+00 : f32
    %add3A_57 = vector.broadcast %add3A_56 : f32 to vector<2000x128xf32>
    %add3A_58 = arith.addf %add3A_57, %exp3A : vector<2000x128xf32>
    %div3A = arith.constant 1.000000e+00 : f32
    %div3A_59 = vector.broadcast %div3A : f32 to vector<2000x128xf32>
    %div3A_60 = arith.divf %div3A_59, %add3A_58 : vector<2000x128xf32>
    %swap3A = arith.constant 0 : index
    %swap3A_61 = arith.constant 0 : index
    %swap3A_62 = vector.load %arg12[%swap3A, %swap3A_61] : memref<2000x128xf32, #tpu.memory_space<vmem>>, vector<2000x128xf32>
    tpu.vector_store %arg12[%swap3A, %swap3A_61], %div3A_60 {strides = array<i32>} : memref<2000x128xf32, #tpu.memory_space<vmem>>, vector<2000x128xf32>,
    return
  }
  func.func @transform_0(%arg0: i32) -> i32 {
    %c0_i32 = arith.constant 0 : i32
    %c0_i32_0 = arith.constant 0 : i32
    return %c0_i32 : i32
  }
  func.func @transform_1(%arg0: i32) -> (i32, i32) {
    %c0_i32 = arith.constant 0 : i32
    %c0_i32_0 = arith.constant 0 : i32
    return %arg0, %c0_i32 : i32, i32
  }
  func.func @transform_2(%arg0: i32) -> (i32, i32) {
    %c0_i32 = arith.constant 0 : i32
    %c0_i32_0 = arith.constant 0 : i32
    return %arg0, %c0_i32 : i32, i32
  }
  func.func @transform_3(%arg0: i32) -> (i32, i32) {
    %c0_i32 = arith.constant 0 : i32
    %c0_i32_0 = arith.constant 0 : i32
    %c0_i32_1 = arith.constant 0 : i32
    return %c0_i32, %c0_i32_0 : i32, i32
  }
  func.func @transform_4(%arg0: i32) -> (i32, i32) {
    %c0_i32 = arith.constant 0 : i32
    %c0_i32_0 = arith.constant 0 : i32
    %c0_i32_1 = arith.constant 0 : i32
    return %c0_i32, %c0_i32_0 : i32, i32
  }
  func.func @transform_5(%arg0: i32) -> (i32, i32) {
    %c0_i32 = arith.constant 0 : i32
    %c0_i32_0 = arith.constant 0 : i32
    %c0_i32_1 = arith.constant 0 : i32
    return %c0_i32, %c0_i32_0 : i32, i32
  }
  func.func @transform_6(%arg0: i32) -> (i32, i32) {
    %c0_i32 = arith.constant 0 : i32
    %c0_i32_0 = arith.constant 0 : i32
    %c0_i32_1 = arith.constant 0 : i32
    return %c0_i32, %c0_i32_0 : i32, i32
  }
  func.func @transform_7(%arg0: i32) -> (i32, i32) {
    %c0_i32 = arith.constant 0 : i32
    %c0_i32_0 = arith.constant 0 : i32
    %c0_i32_1 = arith.constant 0 : i32
    return %c0_i32, %c0_i32_0 : i32, i32
  }
  func.func @transform_8(%arg0: i32) -> (i32, i32) {
    %c0_i32 = arith.constant 0 : i32
    %c0_i32_0 = arith.constant 0 : i32
    %c0_i32_1 = arith.constant 0 : i32
    return %c0_i32, %c0_i32_0 : i32, i32
  }
  func.func @transform_9(%arg0: i32) -> (i32, i32) {
    %c0_i32 = arith.constant 0 : i32
    %c0_i32_0 = arith.constant 0 : i32
    %c0_i32_1 = arith.constant 0 : i32
    return %c0_i32, %c0_i32_0 : i32, i32
  }
  func.func @transform_10(%arg0: i32) -> (i32, i32) {
    %c0_i32 = arith.constant 0 : i32
    %c0_i32_0 = arith.constant 0 : i32
    %c0_i32_1 = arith.constant 0 : i32
    return %c0_i32, %c0_i32_0 : i32, i32
  }
  func.func @transform_11(%arg0: i32) -> (i32, i32) {
    %c0_i32 = arith.constant 0 : i32
    %c0_i32_0 = arith.constant 0 : i32
    return %arg0, %c0_i32 : i32, i32
  }
}

</mosaic_0001>

<sc_bundles>
// kernel: kernel.4.cloned.1.call-start
scs
__scs_entry_jumppad:
0x0: {  	(pc) =	sbr.rel $0x88, $3  }
0x1: {  	(tag) =	ssettag $0x0;
	lr =	simm.s32 $0x1  }
0x2: {  	[smem:$0x3F96] =	sst lr;
	_ =	strace $0xD0000000  }
0x3: {  	_ = 	snop  }
0x4: {  	_ = 	snop  }
0x5: {  	_ = 	snop  }
0x6: {  	_ = 	snop  }
0x7: {  	_ = 	snop  }
__scs_overlays_trampoline_lowered:
0x8: {  	[smem:$0x3FA5] =	sst s0  }
0x9: {  	[smem:$0x3FA6] =	sst s1  }
0xa: {  	[smem:$0x3FA7] =	sst s2  }
0xb: {  	[smem:$0x3FA8] =	sst s3  }
0xc: {  	[smem:$0x3FA9] =	sst s4  }
0xd: {  	[smem:$0x3FAA] =	sst s5  }
0xe: {  	[smem:$0x3FAB] =	sst s6  }
0xf: {  	[smem:$0x3FAC] =	sst s7  }
0x10: {  	[smem:$0x3FAD] =	sst s8  }
0x11: {  	[smem:$0x3FAE] =	sst s9;
	s0 =	simm.s32 @!p0 $0x0  }
0x12: {  	s1 =	sld [smem:$0x3F94];
	s0 =	simm.s32 @p0 $0x1  }
0x13: {  	[smem:$0x3FAF] =	sst s0;
	s0 =	simm.s32 @!p1 $0x0  }
0x14: {  	s2 =	sld [smem:$0x3F93];
	s0 =	simm.s32 @p1 $0x1  }
0x15: {  	[smem:$0x3FB0] =	sst s0;
	s0 =	simm.s32 @!p2 $0x0  }
0x16: {  	s3 =	sld [smem:$0x3FDB];
	s0 =	simm.s32 @p2 $0x1  }
0x17: {  	s4 =	simm.s32 $0x1BF5;
	[smem:$0x3FB2] =	sst s0  }
0x18: {  	s0 =	sld [smem:$0x3F95];
	_ =	swait.ge [sflag:s4], $0x0  }
0x19: {  	s7 =	sld [smem:$0x3F96]  }
0x1a: {  	s8 =	sadd.s32 $0xFFFFE003, lr  }
0x1b: {  	s9 =	sadd.s32 $0xFFFFFEF7, lr;
	s5 =	simm.s32 $0xFFFFFFFF;
	p2 =	slt.u32 s8, $0xFFFFF086  }
0x1c: {  	p1 =	slt.u32 s9, $0xF7A;
	s5 =	simm.s32 @!p2 $0x0  }
0x1d: {  	s5 =	simm.s32 @p1 $0x1;
	p0 =	seq.s32 s7, s2  }
0x1e: {  	s7 =	smul.u32 @!p0 $0xF7A, s2;
	p2 =	seq.s32 @!p0 s5, $0x0  }
0x1f: {  	s9 =	smul.u32 $0xF7A, s1;
	s8 =	simm.s32 @!p0 $0x1BF5;
	p2 =	por !p2, p0  }
0x20: {  	[sflag:s8] =	ssyncset.s32 @!p0 $0xFFFFF086;
	s6 =	sadd.s32 @!p0 s3, s7;
	s7 =	simm.s32 @!p0 $0x108  }
0x21: {  	s3 =	sadd.s32 s3, s9;
	s6 =	sadd.s32 @!p0 $0x88, s6;
	s7 =	simm.s32 @p2 $0x1082  }
0x22: {  	[simem:s7], [sflag:s8] =	dma.local @!p0 [hbm:s6], $0xF7A  }
0x23: {  	s9 =	sor.u32 $0xD0000000, s2;
	s6 =	simm.s32 $0x108;
	_ =	swait.ge @!p0 [sflag:s8], $0x0  }
0x24: {  	s3 =	sadd.s32 $0x88, s3;
	s6 =	simm.s32 @!p1 $0x1082;
	[sflag:s4] =	ssyncset.s32 $0xFFFFF086  }
0x25: {  	[simem:s6], [sflag:s4] =	dma.local [hbm:s3], $0xF7A  }
0x26: {  	[smem:$0x3F96] =	sst s1;
	(tag) =	ssettag s2;
	_ =	strace s9  }
0x27: {  	s1 =	sld [smem:$0x3FA6]  }
0x28: {  	s2 =	sld [smem:$0x3FA7]  }
0x29: {  	s4 =	sld [smem:$0x3FA9]  }
0x2a: {  	p0 =	seq.s32 s5, $0x0;
	s5 =	sld [smem:$0x3FAA]  }
0x2b: {  	s6 =	sld [smem:$0x3FAB]  }
0x2c: {  	s7 =	sld [smem:$0x3FAC]  }
0x2d: {  	s3 =	simm.s32 $0x108;
	s8 =	sld [smem:$0x3FAD]  }
0x2e: {  	s3 =	simm.s32 @!p0 $0x1082;
	s9 =	sld [smem:$0x3FAE]  }
0x2f: {  	lr =	sadd.s32 s0, s3;
	s0 =	sld [smem:$0x3FA5]  }
0x30: {  	s3 =	sld [smem:$0x3FA8]  }
0x31: {  	[smem:$0x3FB1] =	sst s10  }
0x32: {  	s10 =	sld [smem:$0x3FAF];
	_ =	sdelay $0x3  }
0x33: {  	p0 =	seq.s32 s10, $0x1;
	s10 =	sld [smem:$0x3FB1];
	_ =	sdelay $0x3  }
0x34: {  	[smem:$0x3FB1] =	sst s10  }
0x35: {  	s10 =	sld [smem:$0x3FB0];
	_ =	sdelay $0x3  }
0x36: {  	p1 =	seq.s32 s10, $0x1;
	s10 =	sld [smem:$0x3FB1];
	_ =	sdelay $0x3  }
0x37: {  	[smem:$0x3FB1] =	sst s10  }
0x38: {  	s10 =	sld [smem:$0x3FB2]  }
0x39: {  	_ = 	snop;
	(pc) =	sbr.ind lr, $3  }
0x3a: {  	_ = 	snop  }
0x3b: {  	_ = 	snop  }
0x3c: {  	p2 =	seq.s32 s10, $0x1;
	s10 =	sld [smem:$0x3FB1]  }
0x3d: {  	_ =	shalt  }
0x3e: {  	_ =	shalt  }
0x3f: {  	_ =	shalt  }
0x40: {  	_ =	shalt  }
0x41: {  	_ =	shalt  }
0x42: {  	_ =	shalt  }
0x43: {  	_ =	shalt  }
0x44: {  	_ =	shalt  }
0x45: {  	_ =	shalt  }
0x46: {  	_ =	shalt  }
0x47: {  	_ =	shalt  }
0x48: {  	_ =	shalt  }
0x49: {  	_ =	shalt  }
0x4a: {  	_ =	shalt  }
0x4b: {  	_ =	shalt  }
0x4c: {  	_ =	shalt  }
0x4d: {  	_ =	shalt  }
0x4e: {  	_ =	shalt  }
0x4f: {  	_ =	shalt  }
0x50: {  	_ =	shalt  }
0x51: {  	_ =	shalt  }
0x52: {  	_ =	shalt  }
0x53: {  	_ =	shalt  }
0x54: {  	_ =	shalt  }
0x55: {  	_ =	shalt  }
0x56: {  	_ =	shalt  }
0x57: {  	_ =	shalt  }
0x58: {  	_ =	shalt  }
0x59: {  	_ =	shalt  }
0x5a: {  	_ =	shalt  }
0x5b: {  	_ =	shalt  }
0x5c: {  	_ =	shalt  }
0x5d: {  	_ =	shalt  }
0x5e: {  	_ =	shalt  }
0x5f: {  	_ =	shalt  }
0x60: {  	_ =	shalt  }
0x61: {  	_ =	shalt  }
0x62: {  	_ =	shalt  }
0x63: {  	_ =	shalt  }
0x64: {  	_ =	shalt  }
0x65: {  	_ =	shalt  }
0x66: {  	_ =	shalt  }
0x67: {  	_ =	shalt  }
0x68: {  	_ =	shalt  }
0x69: {  	_ =	shalt  }
0x6a: {  	_ =	shalt  }
0x6b: {  	_ =	shalt  }
0x6c: {  	_ =	shalt  }
0x6d: {  	_ =	shalt  }
0x6e: {  	_ =	shalt  }
0x6f: {  	_ =	shalt  }
0x70: {  	_ =	shalt  }
0x71: {  	_ =	shalt  }
0x72: {  	_ =	shalt  }
0x73: {  	_ =	shalt  }
0x74: {  	_ =	shalt  }
0x75: {  	_ =	shalt  }
0x76: {  	_ =	shalt  }
0x77: {  	_ =	shalt  }
0x78: {  	_ =	shalt  }
0x79: {  	_ =	shalt  }
0x7a: {  	_ =	shalt  }
0x7b: {  	_ =	shalt  }
0x7c: {  	_ =	shalt  }
0x7d: {  	_ =	shalt  }
0x7e: {  	_ =	shalt  }
0x7f: {  	_ =	shalt  }
0x80: {  	_ =	shalt  }
0x81: {  	_ =	shalt  }
0x82: {  	_ =	shalt  }
0x83: {  	_ =	shalt  }
0x84: {  	_ =	shalt  }
0x85: {  	_ =	shalt  }
0x86: {  	_ =	shalt  }
0x87: {  	_ =	shalt  }
.Lfunc_end0:
.L_simem_size_0:
called_computation_lowered:
.L_overlay_start_0:
0x88: {  	s2 =	sld [smem:$0x3FD9]  }
0x89: {  	s3 =	sld [smem:$0x3FFE];
	_ =	sdelay $0x1  }
0x8a: {  	s1 =	srdreg.scid  }
0x8b: {  	s0 =	sand.u32 $0x1, s1  }
0x8c: {  	s17 =	sshll.u32 s0, $0xA;
	s2 =	sadd.s32 s3, s2  }
0x8d: {  	s2 =	sadd.s32 s2, s17  }
0x8e: {  	[smem:$0x3FBD] =	sst s2  }
0x8f: {  	_ = 	snop  }
0x90: {  	s2 =	sld [smem:$0x3FC9]  }
0x91: {  	s18 =	sld [smem:$0x3FD0];
	(tm) =	ssettm $0x1  }
0x92: {  	s4 =	sld [smem:$0x3FFB];
	_ =	sdelay $0x3  }
0x93: {  	_ =	strace s4  }
0x94: {  	s4 =	sld [smem:$0x3FFC];
	_ =	sdelay $0x3  }
0x95: {  	_ =	strace s4  }
0x96: {  	s4 =	sld [smem:$0x3FFD];
	_ =	sdelay $0x3  }
0x97: {  	_ =	strace s4  }
0x98: {  	_ =	strace $0x8FFFFFFF  }
0x99: {  	s19 =	sld [smem:$0x3FDB];
	_ =	sdelay $0x1  }
0x9a: {  	s5 =	simm.s32 $_scs_section_size  }
0x9b: {  	s6 =	simm.s32 $_size__tile_overlayer_lowered;
	s7 =	simm.s32 $_tile_overlayer_lowered  }
0x9c: {  	s22 =	simm.s32 $0x1BFF;
	s21 =	sshll.u32 s7, $0x1;
	s4 =	sadd.s32 s5, s19  }
0x9d: {  	s8 =	simm.s32 $0x0;
	s20 =	sshll.u32 s6, $0x1;
	s6 =	sadd.s32 s21, s4  }
0x9e: {  	[timem:s8], [sflag:s22] =	dma.local [hbm:s6], s20  }
0x9f: {  	_ =	swait.ge [sflag:s22], s20  }
0xa0: {  	s5 =	ssub.s32 $0x0, s20;
	[sflag:s22] =	ssyncset.done $0x0  }
0xa1: {  	[sflag:s22] =	ssyncadd.s32 s5;
	_ =	sdelay $0x1  }
0xa2: {  	s23 =	simm.s32 $0x1B8B  }
0xa3: {  	_ =	swait.ge [sflag:s23], $0x1  }
0xa4: {  	[sflag:s23] =	ssyncset.done $0x0  }
0xa5: {  	s25 =	simm.s32 $0x1B8E;
	s24 =	sld [smem:$0x3FFE];
	[sflag:s23] =	ssyncadd.s32 $0xFFFFFFFF  }
0xa6: {  	s26 =	simm.s32 $execute0_lowered;
	[smem:$0x3FD2] =	sst s25  }
0xa7: {  	s6 =	sshll.u32 s26, $0x1;
	_ =	strace $0x80000046;
	[dreg:$0x1] =	wrdreg $0xFFFFFFFF  }
0xa8: {  	s28 =	simm.s32 $_size_execute0_lowered;
	s4 =	sadd.s32 s4, s6;
	[dreg:$0x0] =	wrdreg $0x0  }
0xa9: {  	s6 =	sshll.u32 s28, $0x1;
	[dreg:$0x2] =	wrdreg s4  }
0xaa: {  	[dreg:$0x3] =	wrdreg s6  }
0xab: {  	[dreg:$0x4] =	wrdreg $0xC0  }
0xac: {  	_ =	task [dreg:s8], $0x5FFFF  }
0xad: {  	[dreg:$0x1] =	wrdreg $0xFFFFFFFF  }
0xae: {  	[dreg:$0x0] =	wrdreg $0x60  }
0xaf: {  	[dreg:$0x2] =	wrdreg s2  }
0xb0: {  	[dreg:$0x3] =	wrdreg s24  }
0xb1: {  	[dreg:$0x4] =	wrdreg s18  }
0xb2: {  	[dreg:$0x5] =	wrdreg $0x15A000  }
0xb3: {  	[dreg:$0x6] =	wrdreg $0x9  }
0xb4: {  	_ =	task.clear_ibuf [dreg:s8], $0x7FFFF;
	_ =	strace $0x90000046  }
0xb5: {  	s29 =	simm.s32 $0x9;
	_ =	strace $0x80000048  }
0xb6: {  	_ =	swait.ge [sflag:s29], $0x1  }
0xb7: {  	[sflag:s29] =	ssyncadd.s32 $0xFFFFFFFF  }
0xb8: {  	_ =	strace $0x90000048  }
0xb9: {  	_ =	sfence  }
0xba: {  	s30 =	sld [smem:$0x0];
	_ =	sdelay $0x2  }
0xbb: {  	s31 =	sshll.u32 s1, $0xD;
	s1 =	sshrl.u32 s1, $0x2  }
0xbc: {  	s3 =	sand.u32 $0x4000, s31;
	s1 =	sadd.s32 s1, s30  }
0xbd: {  	s0 =	sor.u32 s3, s0;
	s1 =	sshll.u32 s1, $0x11  }
0xbe: {  	s0 =	sor.u32 s1, s0  }
0xbf: {  	s0 =	sadd.s32 $0x8F2B, s0  }
0xc0: {  	[sflag:s0] =	ssyncadd.remote.s32 $0x1  }
0xc1: {  	_ =	sfence.sel $0xFFFF  }
0xc2: {  	[dreg:$0x0] =	wrdreg $0xFFFFFFFF;
	(pc) =	sbr.abs _section_cstart, $3  }
0xc3: {  	[dreg:$0x1] =	wrdreg $0xFFFFFFFF  }
0xc4: {  	_ =	task.clear_ibuf [dreg:s8], $0x2FFFF;
	_ =	strace $0x9FFFFFFF  }
0xc5: {  	(tm) =	ssettm $0x7FFFFFFF  }
tec
execute0_lowered:
.L_overlay_start_1:
0x0: {  	(tag) =	ssettag $0x1  }
0x1: {  	s0 =	rddreg [dreg:$0x0]  }
0x2: {  	s5 =	rddreg [dreg:$0x1]  }
0x3: {  	s6 =	rddreg [dreg:$0x2]  }
0x4: {  	s2 =	rddreg [dreg:$0x3];
	s1 =	stileid.u32  }
0x5: {  	s3 =	srdreg.scid;
	s28 =	simm.s32 $0x0;
	s4 =	smul.u32 $0x5000, s1  }
0x6: {  	s30 =	simm.s32 $0x11;
	s3 =	sand.u32 $0x1, s3;
	s10 =	smul.u32 $0x27000, s1  }
0x7: {  	[smem:$0x7FF] =	sst s28;
	p0 =	seq.s32 s1, $0xF;
	s16 =	smul.u32 $0x270, s1  }
0x8: {  	s12 =	smul.u32 $0x13800, s1;
	s31 =	sadd.s32 $0xB400, s5;
	p1 =	sne.s32 s1, $0x0  }
0x9: {  	s7 =	ssub.s32 $0x2, s3;
	_ =	strace $0x80000047;
	s15 =	sshll.u32 s3, $0x6  }
0xa: {  	s26 =	sshll.u32 s3, $0x3;
	[dreg:$0x11] =	wrdreg s31;
	p2 =	seq.s32 s3, $0x0  }
0xb: {  	s31 =	simm.s32 $0x13000;
	s3 =	simm.s32 $0xA;
	s4 =	sshrl.u32 s4, $0x3  }
0xc: {  	s9 =	sshrl.u32 s7, $0x1;
	s13 =	sadd.s32 $0x138, s16;
	s14 =	sadd.s32 $0x1A0, s16  }
0xd: {  	s12 =	sor.u32 s15, s12;
	[dreg:$0x7] =	wrdreg s31;
	s8 =	sadd.s32 s4, s5  }
0xe: {  	s4 =	simm.s32 $0xC8;
	s7 =	ssub.s32 s7, s9;
	s9 =	sadd.s32 $0x208, s16  }
0xf: {  	s12 =	sshrl.u32 s12, $0x3;
	s20 =	sshll.u32 s13, $0x7;
	s23 =	sshll.u32 s14, $0x7  }
0x10: {  	s5 =	sadd.s32 $0x15040, s5;
	s4 =	simm.s32 @!p0 $0x140;
	s11 =	sadd.s32 $0x1E00, s8  }
0x11: {  	s8 =	sadd.s32 $0xBA40, s8;
	s12 =	sadd.s32 s6, s12;
	s22 =	sor.u32 s15, s20  }
0x12: {  	s24 =	sshll.u32 s9, $0x7;
	s25 =	sor.u32 s15, s23;
	[dreg:$0x12] =	wrdreg s5  }
0x13: {  	s20 =	sshll.u32 s13, $0x6;
	s23 =	sshll.u32 s9, $0x6;
	[dreg:$0x9] =	wrdreg s11  }
0x14: {  	s9 =	simm.s32 $0x1;
	s13 =	simm.s32 $0x4;
	[dreg:$0xa] =	wrdreg s8  }
0x15: {  	s8 =	sshrl.u32 s10, $0x2;
	s10 =	sadd.s32 $0x68, s16;
	s11 =	sadd.s32 $0xD0, s16  }
0x16: {  	s16 =	smul.u32 $0x199A, s4;
	[dreg:$0xb] =	wrdreg s12;
	s17 =	sshll.u32 s10, $0x7  }
0x17: {  	s18 =	sshll.u32 s11, $0x7;
	s8 =	sadd.s32 s8, s2;
	s17 =	sor.u32 s15, s17  }
0x18: {  	s19 =	sor.u32 s15, s18;
	s15 =	sor.u32 s15, s24;
	[dreg:$0x13] =	wrdreg s8  }
0x19: {  	s8 =	sadd.s32 s20, s2;
	s24 =	sadd.s32 $0x9C000, s2;
	s20 =	simm.s32 $0x10  }
0x1a: {  	s12 =	sshrl.u32 s17, $0x3;
	s17 =	sshrl.u32 s19, $0x3;
	[dreg:$0x16] =	wrdreg s8  }
0x1b: {  	s15 =	sshrl.u32 s15, $0x3;
	s8 =	sadd.s32 s23, s2;
	[dreg:$0x19] =	wrdreg s24  }
0x1c: {  	s23 =	simm.s32 $0xD;
	s24 =	simm.s32 $0x12;
	s12 =	sadd.s32 s6, s12  }
0x1d: {  	s21 =	sadd.s32 s6, s17;
	s29 =	sadd.s32 s6, s15;
	[dreg:$0x18] =	wrdreg s8  }
0x1e: {  	s15 =	sshll.u32 s11, $0x6;
	s17 =	sadd.s32 $0xCCD0, s16;
	[dreg:$0xc] =	wrdreg s12  }
0x1f: {  	s8 =	simm.s32 $0x80;
	s11 =	simm.s32 $0x3;
	[dreg:$0xd] =	wrdreg s21  }
0x20: {  	s16 =	simm.s32 $0xE;
	s12 =	sshrl.u32 s22, $0x3;
	[dreg:$0x10] =	wrdreg s29  }
0x21: {  	s18 =	sadd.s32 s15, s2;
	s19 =	sshrl.u32 s17, $0x10;
	s21 =	sshll.u32 s14, $0x6  }
0x22: {  	s29 =	smax.u32 s7, $0x1;
	s7 =	simm.s32 $0xB000;
	s14 =	simm.s32 $0xC  }
0x23: {  	s15 =	simm.s32 $0x6;
	s17 =	simm.s32 $0x7;
	[dreg:$0x15] =	wrdreg s18  }
0x24: {  	s12 =	sadd.s32 s6, s12;
	s22 =	sadd.s32 s21, s2;
	[dreg:$0x1b] =	wrdreg s29  }
0x25: {  	s18 =	simm.s32 $0xF;
	s21 =	simm.s32 $0x9;
	[dreg:$0xe] =	wrdreg s12  }
0x26: {  	s12 =	sshrl.u32 s25, $0x3;
	[dreg:$0x17] =	wrdreg s22;
	s22 =	simm.s32 $0x5  }
0x27: {  	s12 =	sadd.s32 s6, s12;
	s6 =	sadd.s32 s26, s6;
	s26 =	simm.s32 $0x12000  }
0x28: {  	[dreg:$0xf] =	wrdreg s12;
	s12 =	sshll.u32 s10, $0x6;
	s25 =	sadd.s32 $0x27000, s6  }
0x29: {  	[dreg:$0x6] =	wrdreg s26;
	s26 =	simm.s32 $0x40;
	s5 =	sadd.s32 s12, s2  }
0x2a: {  	s6 =	simm.s32 $0xA000;
	[dreg:$0x14] =	wrdreg s5;
	s5 =	smul.u32 $0xA00, s19  }
0x2b: {  	s10 =	simm.s32 $0x2;
	[dreg:$0x1a] =	wrdreg s25;
	s25 =	simm.s32 $0x15  }
0x2c: {  	v0 =	vimm.f32 $0.0e+00;
	s12 =	simm.s32 $0xB;
	s19 =	simm.s32 $0x8;
	[dreg:$0x5] =	wrdreg s5  }
.LBB2_1:
0x2d: {  	[dreg:$0x8] =	wrdreg s28  }
0x2e: {  	s28 =	simm.s32 @p0 $0x0;
	s1 =	rddreg [dreg:$0x11];
	s29 =	simm.s32 @p0 $0x15  }
0x2f: {  	[tilespmem:s28], [sflag:$0x15] =	stream.linear.gather @p0 [hbm4b:s1+s28], $0x3200, $0x38;
	[tilespmem:$0x1F640] =	vst v63  }
0x30: {  	_ =	swait.ge @p0 [sflag:s29], $0x3200  }
0x31: {  	[sflag:s29] =	ssyncset.done @p0 $0x0  }
0x32: {  	s31 =	simm.s32 @p0 $0x5000;
	s1 =	rddreg [dreg:$0x12];
	[sflag:s29] =	ssyncadd.s32 @p0 $0xFFFFCE00  }
0x33: {  	[tilespmem:s31], [sflag:$0x15] =	stream.linear.gather @p0 [hbm4b:s1+s28], $0x3200, $0x38;
	[tilespmem:$0x1F640] =	vst v63  }
0x34: {  	_ =	swait.ge @p0 [sflag:s29], $0x3200  }
0x35: {  	s28 =	simm.s32 @!p0 $0x0;
	[sflag:s29] =	ssyncset.done @p0 $0x0  }
0x36: {  	s1 =	rddreg [dreg:$0x9];
	[sflag:s29] =	ssyncadd.s32 @p0 $0xFFFFCE00;
	s29 =	simm.s32 @!p0 $0x15  }
0x37: {  	[tilespmem:s28], [sflag:$0x15] =	stream.linear.gather @!p0 [hbm4b:s1+s28], $0x5000, $0x38;
	[tilespmem:$0x1F640] =	vst v63  }
0x38: {  	_ =	swait.ge @!p0 [sflag:s29], $0x5000  }
0x39: {  	[sflag:s29] =	ssyncset.done @!p0 $0x0  }
0x3a: {  	s31 =	simm.s32 @!p0 $0x5000;
	s1 =	rddreg [dreg:$0xa];
	[sflag:s29] =	ssyncadd.s32 @!p0 $0xFFFFB000  }
0x3b: {  	[tilespmem:s31], [sflag:$0x15] =	stream.linear.gather @!p0 [hbm4b:s1+s28], $0x5000, $0x38;
	[tilespmem:$0x1F640] =	vst v63  }
0x3c: {  	_ =	swait.ge @!p0 [sflag:s29], $0x5000  }
0x3d: {  	[sflag:s29] =	ssyncset.done @!p0 $0x0  }
0x3e: {  	s28 =	simm.s32 $0x0;
	[sflag:s29] =	ssyncadd.s32 @!p0 $0xFFFFB000;
	s29 =	simm.s32 $0x100  }
.LBB2_2:
0x3f: {  	p3 =	sne.s32 s29, $0x6700;
	[tilespmem:s28+$0x14030] =	vst v0;
	s31 =	smov.u32 s29;
	s29 =	sadd.s32 $0x100, s29  }
.Ltmp0:
0x40: {  	[tilespmem:s28+$0x14020] =	vst v0;
	(pc) =	sbr.rel @p3 .LBB2_2-.Ltmp0, $3  }
0x41: {  	[tilespmem:s28+$0x14000] =	vst v0  }
0x42: {  	[tilespmem:s28+$0x14010] =	vst v0;
	_ =	sdelay $0x1  }
0x43: {  	s28 =	sshra.s32 s31, $0x2  }
.Ltmp1:
0x44: {  	(pc) =	sbr.rel @p2 .LBB2_7-.Ltmp1, $4  }
0x45: {  	[tilespmem:s28+$0x14030] =	vst v0  }
0x46: {  	[tilespmem:s28+$0x14020] =	vst v0  }
0x47: {  	[tilespmem:s28+$0x14000] =	vst v0  }
0x48: {  	[tilespmem:s28+$0x14010] =	vst v0;
	s28 =	simm.s32 $0x0  }
0x49: {  	s29 =	simm.s32 $0x0  }
0x4a: {  	v3 =	vld [tilespmem:s29+$0x0]  }
0x4b: {  	v2 =	vld [tilespmem:s29+$0x10]  }
0x4c: {  	s31 =	simm.s32 $0x100;
	v1 =	vld [tilespmem:s29+$0x20]  }
.LBB2_5:
0x4d: {  	p3 =	sne.s32 s31, $0x13F00;
	v4 =	vld [tilespmem:s29+$0x30];
	_ =	sdelay $0x1  }
.Ltmp2:
0x4e: {  	v3 =	vadd.s32 $0x1, v3;
	(pc) =	sbr.rel @p3 .LBB2_5-.Ltmp2, $4  }
0x4f: {  	s1 =	sshra.s32 s31, $0x2;
	[tilespmem:s29+$0x0] =	vst v3;
	v2 =	vadd.s32 $0x1, v2  }
0x50: {  	v3 =	vld [tilespmem:s1+$0x0];
	[tilespmem:s29+$0x10] =	vst v2;
	v1 =	vadd.s32 $0x1, v1  }
0x51: {  	v2 =	vld [tilespmem:s1+$0x10];
	[tilespmem:s29+$0x20] =	vst v1;
	v4 =	vadd.s32 $0x1, v4  }
0x52: {  	s31 =	sadd.s32 $0x100, s31;
	v1 =	vld [tilespmem:s1+$0x20];
	[tilespmem:s29+$0x30] =	vst v4;
	s29 =	smov.u32 s1  }
0x53: {  	v4 =	vld [tilespmem:s29+$0x30];
	_ =	sdelay $0x1  }
0x54: {  	v3 =	vadd.s32 $0x1, v3  }
0x55: {  	[tilespmem:s29+$0x0] =	vst v3;
	v2 =	vadd.s32 $0x1, v2  }
0x56: {  	[tilespmem:s29+$0x10] =	vst v2;
	v1 =	vadd.s32 $0x1, v1  }
0x57: {  	[tilespmem:s29+$0x20] =	vst v1;
	v1 =	vadd.s32 $0x1, v4  }
0x58: {  	[tilespmem:s29+$0x30] =	vst v1  }
.LBB2_7:
0x59: {  	s1 =	rddreg [dreg:$0x13];
	s5 =	simm.s32 $0x14000  }
0x5a: {  	[spmem:s1] =	stream.linear.scatter [tilespmem:s5], [sflag:$0x15], $0x1A00, $0x38;
	[tilespmem:$0x1F640] =	vst v63  }
0x5b: {  	_ =	swait.ge [sflag:s25], $0x1A00  }
0x5c: {  	[sflag:s25] =	ssyncset.done $0x0  }
0x5d: {  	s31 =	rddreg [dreg:$0x14];
	[sflag:s25] =	ssyncadd.s32 $0xFFFFE600  }
0x5e: {  	[spmem:s31] =	stream.linear.scatter [tilespmem:s5], [sflag:$0x15], $0x1A00, $0x38;
	[tilespmem:$0x1F640] =	vst v63  }
0x5f: {  	_ =	swait.ge [sflag:s25], $0x1A00  }
0x60: {  	[sflag:s25] =	ssyncset.done $0x0  }
0x61: {  	s31 =	rddreg [dreg:$0x15];
	[sflag:s25] =	ssyncadd.s32 $0xFFFFE600  }
0x62: {  	[spmem:s31] =	stream.linear.scatter [tilespmem:s5], [sflag:$0x15], $0x1A00, $0x38;
	[tilespmem:$0x1F640] =	vst v63  }
0x63: {  	_ =	swait.ge [sflag:s25], $0x1A00  }
0x64: {  	[sflag:s25] =	ssyncset.done $0x0  }
0x65: {  	s31 =	rddreg [dreg:$0x16];
	[sflag:s25] =	ssyncadd.s32 $0xFFFFE600  }
0x66: {  	[spmem:s31] =	stream.linear.scatter [tilespmem:s5], [sflag:$0x15], $0x1A00, $0x38;
	[tilespmem:$0x1F640] =	vst v63  }
0x67: {  	_ =	swait.ge [sflag:s25], $0x1A00  }
0x68: {  	[sflag:s25] =	ssyncset.done $0x0  }
0x69: {  	s31 =	rddreg [dreg:$0x17];
	[sflag:s25] =	ssyncadd.s32 $0xFFFFE600  }
0x6a: {  	[spmem:s31] =	stream.linear.scatter [tilespmem:s5], [sflag:$0x15], $0x1A00, $0x38;
	[tilespmem:$0x1F640] =	vst v63  }
0x6b: {  	_ =	swait.ge [sflag:s25], $0x1A00  }
0x6c: {  	[sflag:s25] =	ssyncset.done $0x0  }
0x6d: {  	s31 =	rddreg [dreg:$0x18];
	[sflag:s25] =	ssyncadd.s32 $0xFFFFE600  }
0x6e: {  	[spmem:s31] =	stream.linear.scatter [tilespmem:s5], [sflag:$0x15], $0x1A00, $0x38;
	[tilespmem:$0x1F640] =	vst v63  }
0x6f: {  	_ =	swait.ge [sflag:s25], $0x1A00  }
0x70: {  	[sflag:s25] =	ssyncset.done $0x0  }
0x71: {  	s1 =	simm.s32 @!p1 $0x14000;
	s5 =	rddreg [dreg:$0x19];
	[sflag:s25] =	ssyncadd.s32 $0xFFFFE600  }
0x72: {  	[spmem:s5] =	stream.linear.scatter @!p1 [tilespmem:s1], [sflag:$0x15], $0x400, $0x38;
	[tilespmem:$0x1F640] =	vst v63  }
0x73: {  	s1 =	simm.s32 @!p1 $0x15  }
0x74: {  	_ =	swait.ge @!p1 [sflag:s1], $0x400  }
0x75: {  	[sflag:s1] =	ssyncset.done @!p1 $0x0  }
0x76: {  	[sflag:s1] =	ssyncadd.s32 @!p1 $0xFFFFFC00  }
0x77: {  	[bflag:$0x0] =	sbarrier.arrive $0xFFFF  }
0x78: {  	[tilespmem:s6], [sflag:$0x1] =	stream.indirect.gather [hbm4b:s0+s26], $0x40, s28, s26, $0xb8;
	[tilespmem:$0x1F640] =	vst v63  }
0x79: {  	_ = 	snop  }
0x7a: {  	[tilespmem:s7], [sflag:$0x2] =	stream.indirect.gather [hbm4b:s0+s26], $0x40, s26, s26, $0xb8;
	[tilespmem:$0x1F640] =	vst v63  }
0x7b: {  	s7 =	simm.s32 $0xC000  }
0x7c: {  	[tilespmem:s7], [sflag:$0x3] =	stream.indirect.gather [hbm4b:s0+s26], $0x40, s8, s26, $0xb8;
	[tilespmem:$0x1F640] =	vst v63  }
0x7d: {  	s31 =	simm.s32 $0xD000;
	s25 =	simm.s32 $0xC0  }
0x7e: {  	[tilespmem:s31], [sflag:$0x4] =	stream.indirect.gather [hbm4b:s0+s26], $0x40, s25, s26, $0xb8;
	[tilespmem:$0x1F640] =	vst v63  }
0x7f: {  	s5 =	simm.s32 $0x100;
	s6 =	simm.s32 $0xE000  }
0x80: {  	[tilespmem:s6], [sflag:$0x5] =	stream.indirect.gather [hbm4b:s0+s26], $0x40, s5, s26, $0xb8;
	[tilespmem:$0x1F640] =	vst v63  }
0x81: {  	s7 =	simm.s32 $0x140;
	s25 =	simm.s32 $0xF000  }
0x82: {  	[tilespmem:s25], [sflag:$0x6] =	stream.indirect.gather [hbm4b:s0+s26], $0x40, s7, s26, $0xb8;
	[tilespmem:$0x1F640] =	vst v63  }
0x83: {  	s8 =	simm.s32 $0x180;
	s7 =	simm.s32 $0x10000  }
0x84: {  	[tilespmem:s7], [sflag:$0x7] =	stream.indirect.gather [hbm4b:s0+s26], $0x40, s8, s26, $0xb8;
	[tilespmem:$0x1F640] =	vst v63  }
0x85: {  	s29 =	simm.s32 $0x11;
	s31 =	simm.s32 $0x1C0;
	s8 =	simm.s32 $0x11000  }
0x86: {  	[tilespmem:s8], [sflag:$0x8] =	stream.indirect.gather [hbm4b:s0+s26], $0x40, s31, s26, $0xb8;
	[tilespmem:$0x1F640] =	vst v63  }
.LBB2_8:
0x87: {  	_ =	swait.ge [sflag:s9], $0x1000  }
0x88: {  	s31 =	sshra.s32 s28, $0x2;
	s5 =	simm.s32 $0xA000;
	[sflag:s9] =	ssyncset.done $0x0  }
0x89: {  	p3 =	seq.s32 s28, $0x0;
	s1 =	sadd.s32 $0x5000, s31;
	[sflag:s9] =	ssyncadd.s32 $0xFFFFF000  }
0x8a: {  	[spmem:s2] =	stream.indirect.scatter.add.f32 [tilespmem:s5], [sflag:$0xB], $0x40, s1, s26, $0xb8;
	[tilespmem:$0x1F640] =	vst v63  }
0x8b: {  	s1 =	simm.s32 @!p3 $0x13  }
0x8c: {  	s6 =	sadd.s32 $0xFFFFFFF7, s29;
	_ =	swait.ge @!p3 [sflag:s1], $0x1000  }
0x8d: {  	p4 =	sge.u32 s6, s4;
	[sflag:s1] =	ssyncset.done @!p3 $0x0  }
0x8e: {  	[sflag:s1] =	ssyncadd.s32 @!p3 $0xFFFFF000;
	s1 =	sshra.s32 @!p4 s28, $0x2  }
0x8f: {  	s6 =	simm.s32 @!p4 $0x12000;
	s5 =	simm.s32 @!p4 $0x40;
	s1 =	sadd.s32 @!p4 $0x200, s1  }
0x90: {  	[tilespmem:s6], [sflag:$0x9] =	stream.indirect.gather @!p4 [hbm4b:s0+s5], $0x40, s1, s5, $0xb8;
	[tilespmem:$0x1F640] =	vst v63  }
0x91: {  	_ =	swait.ge [sflag:s10], $0x1000  }
0x92: {  	s5 =	sadd.s32 $0x5040, s31;
	[sflag:s10] =	ssyncset.done $0x0  }
0x93: {  	s6 =	simm.s32 $0xB000;
	s1 =	simm.s32 @!p3 $0x14;
	[sflag:s10] =	ssyncadd.s32 $0xFFFFF000  }
0x94: {  	[spmem:s2] =	stream.indirect.scatter.add.f32 [tilespmem:s6], [sflag:$0xC], $0x40, s5, s26, $0xb8;
	[tilespmem:$0x1F640] =	vst v63  }
0x95: {  	s6 =	sadd.s32 $0xFFFFFFF8, s29;
	_ =	swait.ge @!p3 [sflag:s1], $0x1000  }
0x96: {  	p4 =	sge.u32 s6, s4;
	[sflag:s1] =	ssyncset.done @!p3 $0x0  }
0x97: {  	[sflag:s1] =	ssyncadd.s32 @!p3 $0xFFFFF000;
	s1 =	sshra.s32 @!p4 s28, $0x2  }
0x98: {  	s5 =	simm.s32 @!p4 $0x40;
	s6 =	simm.s32 @!p4 $0x13000;
	s1 =	sadd.s32 @!p4 $0x240, s1  }
0x99: {  	[tilespmem:s6], [sflag:$0xA] =	stream.indirect.gather @!p4 [hbm4b:s0+s5], $0x40, s1, s5, $0xb8;
	[tilespmem:$0x1F640] =	vst v63  }
0x9a: {  	_ =	swait.ge [sflag:s11], $0x1000  }
0x9b: {  	[sflag:s11] =	ssyncset.done $0x0  }
0x9c: {  	s5 =	sadd.s32 $0x5080, s31;
	s6 =	simm.s32 $0xC000;
	[sflag:s11] =	ssyncadd.s32 $0xFFFFF000  }
0x9d: {  	[spmem:s2] =	stream.indirect.scatter.add.f32 [tilespmem:s6], [sflag:$0xD], $0x40, s5, s26, $0xb8;
	[tilespmem:$0x1F640] =	vst v63  }
0x9e: {  	s6 =	sadd.s32 $0xFFFFFFF9, s29  }
0x9f: {  	_ =	swait.ge [sflag:s12], $0x1000;
	p3 =	sge.u32 s6, s4  }
0xa0: {  	[sflag:s12] =	ssyncset.done $0x0;
	s1 =	sshra.s32 @!p3 s28, $0x2;
	s5 =	simm.s32 @!p3 $0x40  }
0xa1: {  	s6 =	simm.s32 @!p3 $0xA000;
	[sflag:s12] =	ssyncadd.s32 $0xFFFFF000;
	s1 =	sadd.s32 @!p3 $0x280, s1  }
0xa2: {  	[tilespmem:s6], [sflag:$0x1] =	stream.indirect.gather @!p3 [hbm4b:s0+s5], $0x40, s1, s5, $0xb8;
	[tilespmem:$0x1F640] =	vst v63  }
0xa3: {  	_ =	swait.ge [sflag:s13], $0x1000  }
0xa4: {  	[sflag:s13] =	ssyncset.done $0x0  }
0xa5: {  	s5 =	sadd.s32 $0x50C0, s31;
	s6 =	simm.s32 $0xD000;
	[sflag:s13] =	ssyncadd.s32 $0xFFFFF000  }
0xa6: {  	[spmem:s2] =	stream.indirect.scatter.add.f32 [tilespmem:s6], [sflag:$0xE], $0x40, s5, s26, $0xb8;
	[tilespmem:$0x1F640] =	vst v63  }
0xa7: {  	s6 =	sadd.s32 $0xFFFFFFFA, s29  }
0xa8: {  	_ =	swait.ge [sflag:s14], $0x1000;
	p3 =	sge.u32 s6, s4  }
0xa9: {  	[sflag:s14] =	ssyncset.done $0x0;
	s1 =	sshra.s32 @!p3 s28, $0x2;
	s5 =	simm.s32 @!p3 $0x40  }
0xaa: {  	s6 =	simm.s32 @!p3 $0xB000;
	[sflag:s14] =	ssyncadd.s32 $0xFFFFF000;
	s1 =	sadd.s32 @!p3 $0x2C0, s1  }
0xab: {  	[tilespmem:s6], [sflag:$0x2] =	stream.indirect.gather @!p3 [hbm4b:s0+s5], $0x40, s1, s5, $0xb8;
	[tilespmem:$0x1F640] =	vst v63  }
0xac: {  	_ =	swait.ge [sflag:s22], $0x1000  }
0xad: {  	[sflag:s22] =	ssyncset.done $0x0  }
0xae: {  	s5 =	sadd.s32 $0x5100, s31;
	s6 =	simm.s32 $0xE000;
	[sflag:s22] =	ssyncadd.s32 $0xFFFFF000  }
0xaf: {  	[spmem:s2] =	stream.indirect.scatter.add.f32 [tilespmem:s6], [sflag:$0xF], $0x40, s5, s26, $0xb8;
	[tilespmem:$0x1F640] =	vst v63  }
0xb0: {  	s6 =	sadd.s32 $0xFFFFFFFB, s29  }
0xb1: {  	_ =	swait.ge [sflag:s23], $0x1000;
	p3 =	sge.u32 s6, s4  }
0xb2: {  	[sflag:s23] =	ssyncset.done $0x0;
	s1 =	sshra.s32 @!p3 s28, $0x2;
	s5 =	simm.s32 @!p3 $0x40  }
0xb3: {  	s6 =	simm.s32 @!p3 $0xC000;
	[sflag:s23] =	ssyncadd.s32 $0xFFFFF000;
	s1 =	sadd.s32 @!p3 $0x300, s1  }
0xb4: {  	[tilespmem:s6], [sflag:$0x3] =	stream.indirect.gather @!p3 [hbm4b:s0+s5], $0x40, s1, s5, $0xb8;
	[tilespmem:$0x1F640] =	vst v63  }
0xb5: {  	_ =	swait.ge [sflag:s15], $0x1000  }
0xb6: {  	[sflag:s15] =	ssyncset.done $0x0  }
0xb7: {  	s5 =	sadd.s32 $0x5140, s31;
	s6 =	sadd.s32 $0xFFFFFFFC, s29;
	[sflag:s15] =	ssyncadd.s32 $0xFFFFF000  }
0xb8: {  	[spmem:s2] =	stream.indirect.scatter.add.f32 [tilespmem:s25], [sflag:$0x10], $0x40, s5, s26, $0xb8;
	[tilespmem:$0x1F640] =	vst v63  }
0xb9: {  	p3 =	sge.u32 s6, s4;
	_ =	swait.ge [sflag:s16], $0x1000  }
0xba: {  	s1 =	sshra.s32 @!p3 s28, $0x2;
	s6 =	simm.s32 @!p3 $0xD000;
	[sflag:s16] =	ssyncset.done $0x0  }
0xbb: {  	s1 =	sadd.s32 @!p3 $0x340, s1;
	s5 =	simm.s32 @!p3 $0x40;
	[sflag:s16] =	ssyncadd.s32 $0xFFFFF000  }
0xbc: {  	[tilespmem:s6], [sflag:$0x4] =	stream.indirect.gather @!p3 [hbm4b:s0+s5], $0x40, s1, s5, $0xb8;
	[tilespmem:$0x1F640] =	vst v63  }
0xbd: {  	_ =	swait.ge [sflag:s17], $0x1000  }
0xbe: {  	[sflag:s17] =	ssyncset.done $0x0  }
0xbf: {  	s5 =	sadd.s32 $0x5180, s31;
	s6 =	sadd.s32 $0xFFFFFFFD, s29;
	[sflag:s17] =	ssyncadd.s32 $0xFFFFF000  }
0xc0: {  	[spmem:s2] =	stream.indirect.scatter.add.f32 [tilespmem:s7], [sflag:$0x11], $0x40, s5, s26, $0xb8;
	[tilespmem:$0x1F640] =	vst v63  }
0xc1: {  	p3 =	sge.u32 s6, s4;
	_ =	swait.ge [sflag:s18], $0x1000  }
0xc2: {  	s1 =	sshra.s32 @!p3 s28, $0x2;
	s6 =	simm.s32 @!p3 $0xE000;
	[sflag:s18] =	ssyncset.done $0x0  }
0xc3: {  	s1 =	sadd.s32 @!p3 $0x380, s1;
	s5 =	simm.s32 @!p3 $0x40;
	[sflag:s18] =	ssyncadd.s32 $0xFFFFF000  }
0xc4: {  	[tilespmem:s6], [sflag:$0x5] =	stream.indirect.gather @!p3 [hbm4b:s0+s5], $0x40, s1, s5, $0xb8;
	[tilespmem:$0x1F640] =	vst v63  }
0xc5: {  	_ =	swait.ge [sflag:s19], $0x1000  }
0xc6: {  	[sflag:s19] =	ssyncset.done $0x0  }
0xc7: {  	s5 =	sadd.s32 $0x51C0, s31;
	s6 =	sadd.s32 $0xFFFFFFFE, s29;
	[sflag:s19] =	ssyncadd.s32 $0xFFFFF000  }
0xc8: {  	[spmem:s2] =	stream.indirect.scatter.add.f32 [tilespmem:s8], [sflag:$0x12], $0x40, s5, s26, $0xb8;
	[tilespmem:$0x1F640] =	vst v63  }
0xc9: {  	p3 =	sge.u32 s6, s4;
	_ =	swait.ge [sflag:s20], $0x1000  }
0xca: {  	s1 =	sshra.s32 @!p3 s28, $0x2;
	s6 =	simm.s32 @!p3 $0xF000;
	[sflag:s20] =	ssyncset.done $0x0  }
0xcb: {  	s1 =	sadd.s32 @!p3 $0x3C0, s1;
	s5 =	simm.s32 @!p3 $0x40;
	[sflag:s20] =	ssyncadd.s32 $0xFFFFF000  }
0xcc: {  	[tilespmem:s6], [sflag:$0x6] =	stream.indirect.gather @!p3 [hbm4b:s0+s5], $0x40, s1, s5, $0xb8;
	[tilespmem:$0x1F640] =	vst v63  }
0xcd: {  	_ =	swait.ge [sflag:s21], $0x1000  }
0xce: {  	[sflag:s21] =	ssyncset.done $0x0  }
0xcf: {  	s6 =	sadd.s32 $0x5200, s31;
	s5 =	rddreg [dreg:$0x6];
	[sflag:s21] =	ssyncadd.s32 $0xFFFFF000  }
0xd0: {  	[spmem:s2] =	stream.indirect.scatter.add.f32 [tilespmem:s5], [sflag:$0x13], $0x40, s6, s26, $0xb8;
	[tilespmem:$0x1F640] =	vst v63  }
0xd1: {  	s5 =	sadd.s32 $0xFFFFFFFF, s29  }
0xd2: {  	_ =	swait.ge [sflag:s30], $0x1000;
	p3 =	sge.u32 s5, s4  }
0xd3: {  	[sflag:s30] =	ssyncset.done $0x0;
	s1 =	sshra.s32 @!p3 s28, $0x2;
	s5 =	simm.s32 @!p3 $0x40  }
0xd4: {  	s6 =	simm.s32 @!p3 $0x10000;
	[sflag:s30] =	ssyncadd.s32 $0xFFFFF000;
	s1 =	sadd.s32 @!p3 $0x400, s1  }
0xd5: {  	[tilespmem:s6], [sflag:$0x7] =	stream.indirect.gather @!p3 [hbm4b:s0+s5], $0x40, s1, s5, $0xb8;
	[tilespmem:$0x1F640] =	vst v63  }
0xd6: {  	_ =	swait.ge [sflag:s3], $0x1000  }
0xd7: {  	s31 =	sadd.s32 $0x5240, s31;
	[sflag:s3] =	ssyncset.done $0x0  }
0xd8: {  	p3 =	sge.u32 s29, s4;
	s6 =	rddreg [dreg:$0x7];
	[sflag:s3] =	ssyncadd.s32 $0xFFFFF000  }
0xd9: {  	[spmem:s2] =	stream.indirect.scatter.add.f32 [tilespmem:s6], [sflag:$0x14], $0x40, s31, s26, $0xb8;
	[tilespmem:$0x1F640] =	vst v63  }
0xda: {  	s1 =	sshra.s32 @!p3 s28, $0x2;
	s5 =	simm.s32 @!p3 $0x40;
	_ =	swait.ge [sflag:s24], $0x1000  }
0xdb: {  	s28 =	sadd.s32 $0xA00, s28;
	s1 =	sadd.s32 @!p3 $0x440, s1;
	[sflag:s24] =	ssyncset.done $0x0  }
0xdc: {  	s6 =	simm.s32 @!p3 $0x11000;
	s31 =	rddreg [dreg:$0x5];
	[sflag:s24] =	ssyncadd.s32 $0xFFFFF000  }
0xdd: {  	[tilespmem:s6], [sflag:$0x8] =	stream.indirect.gather @!p3 [hbm4b:s0+s5], $0x40, s1, s5, $0xb8;
	[tilespmem:$0x1F640] =	vst v63  }
0xde: {  	p3 =	sne.s32 s31, s28  }
.Ltmp3:
0xdf: {  	_ = 	snop;
	(pc) =	sbr.rel @p3 .LBB2_8-.Ltmp3, $2  }
0xe0: {  	_ =	sdelay $0x2  }
0xe1: {  	s29 =	sadd.s32 $0xA, s29  }
0xe2: {  	s1 =	simm.s32 $0x13  }
0xe3: {  	_ =	swait.ge [sflag:s1], $0x1000  }
0xe4: {  	[sflag:s1] =	ssyncset.done $0x0  }
0xe5: {  	s29 =	simm.s32 $0x14;
	[sflag:s1] =	ssyncadd.s32 $0xFFFFF000  }
0xe6: {  	_ =	swait.ge [sflag:s29], $0x1000  }
0xe7: {  	[sflag:s29] =	ssyncset.done $0x0  }
0xe8: {  	[sflag:s29] =	ssyncadd.s32 $0xFFFFF000  }
0xe9: {  	[bflag:$0x0] =	sbarrier.arrive $0xFFFF  }
0xea: {  	s5 =	simm.s32 $0x14000;
	s25 =	simm.s32 $0x15;
	s31 =	rddreg [dreg:$0x13]  }
0xeb: {  	[tilespmem:s5], [sflag:$0x15] =	stream.linear.gather [spmem:s31], $0x1A00, $0x38;
	[tilespmem:$0x1F640] =	vst v63  }
0xec: {  	_ =	swait.ge [sflag:s25], $0x1A00  }
0xed: {  	[sflag:s25] =	ssyncset.done $0x0  }
0xee: {  	s8 =	simm.s32 $0x80;
	s6 =	rddreg [dreg:$0xb];
	[sflag:s25] =	ssyncadd.s32 $0xFFFFE600  }
0xef: {  	[hbm4b:s6+s26] =	stream.strided.scatter [tilespmem:s5], [sflag:$0x15], $0x1A00, s8, s26, $0x38;
	[tilespmem:$0x1F640] =	vst v63  }
0xf0: {  	_ =	swait.ge [sflag:s25], $0x1A00  }
0xf1: {  	[sflag:s25] =	ssyncset.done $0x0  }
0xf2: {  	s7 =	rddreg [dreg:$0x14];
	[sflag:s25] =	ssyncadd.s32 $0xFFFFE600  }
0xf3: {  	[tilespmem:s5], [sflag:$0x15] =	stream.linear.gather [spmem:s7], $0x1A00, $0x38;
	[tilespmem:$0x1F640] =	vst v63  }
0xf4: {  	_ =	swait.ge [sflag:s25], $0x1A00  }
0xf5: {  	[sflag:s25] =	ssyncset.done $0x0  }
0xf6: {  	s29 =	rddreg [dreg:$0xc];
	[sflag:s25] =	ssyncadd.s32 $0xFFFFE600  }
0xf7: {  	[hbm4b:s29+s26] =	stream.strided.scatter [tilespmem:s5], [sflag:$0x15], $0x1A00, s8, s26, $0x38;
	[tilespmem:$0x1F640] =	vst v63  }
0xf8: {  	_ =	swait.ge [sflag:s25], $0x1A00  }
0xf9: {  	[sflag:s25] =	ssyncset.done $0x0  }
0xfa: {  	s31 =	rddreg [dreg:$0x15];
	[sflag:s25] =	ssyncadd.s32 $0xFFFFE600  }
0xfb: {  	[tilespmem:s5], [sflag:$0x15] =	stream.linear.gather [spmem:s31], $0x1A00, $0x38;
	[tilespmem:$0x1F640] =	vst v63  }
0xfc: {  	_ =	swait.ge [sflag:s25], $0x1A00  }
0xfd: {  	[sflag:s25] =	ssyncset.done $0x0  }
0xfe: {  	s6 =	rddreg [dreg:$0xd];
	[sflag:s25] =	ssyncadd.s32 $0xFFFFE600  }
0xff: {  	[hbm4b:s6+s26] =	stream.strided.scatter [tilespmem:s5], [sflag:$0x15], $0x1A00, s8, s26, $0x38;
	[tilespmem:$0x1F640] =	vst v63  }
0x100: {  	_ =	swait.ge [sflag:s25], $0x1A00  }
0x101: {  	[sflag:s25] =	ssyncset.done $0x0  }
0x102: {  	s7 =	rddreg [dreg:$0x16];
	[sflag:s25] =	ssyncadd.s32 $0xFFFFE600  }
0x103: {  	[tilespmem:s5], [sflag:$0x15] =	stream.linear.gather [spmem:s7], $0x1A00, $0x38;
	[tilespmem:$0x1F640] =	vst v63  }
0x104: {  	_ =	swait.ge [sflag:s25], $0x1A00  }
0x105: {  	[sflag:s25] =	ssyncset.done $0x0  }
0x106: {  	s29 =	rddreg [dreg:$0xe];
	[sflag:s25] =	ssyncadd.s32 $0xFFFFE600  }
0x107: {  	[hbm4b:s29+s26] =	stream.strided.scatter [tilespmem:s5], [sflag:$0x15], $0x1A00, s8, s26, $0x38;
	[tilespmem:$0x1F640] =	vst v63  }
0x108: {  	_ =	swait.ge [sflag:s25], $0x1A00  }
0x109: {  	[sflag:s25] =	ssyncset.done $0x0  }
0x10a: {  	s31 =	rddreg [dreg:$0x17];
	[sflag:s25] =	ssyncadd.s32 $0xFFFFE600  }
0x10b: {  	[tilespmem:s5], [sflag:$0x15] =	stream.linear.gather [spmem:s31], $0x1A00, $0x38;
	[tilespmem:$0x1F640] =	vst v63  }
0x10c: {  	_ =	swait.ge [sflag:s25], $0x1A00  }
0x10d: {  	[sflag:s25] =	ssyncset.done $0x0  }
0x10e: {  	s6 =	rddreg [dreg:$0xf];
	[sflag:s25] =	ssyncadd.s32 $0xFFFFE600  }
0x10f: {  	[hbm4b:s6+s26] =	stream.strided.scatter [tilespmem:s5], [sflag:$0x15], $0x1A00, s8, s26, $0x38;
	[tilespmem:$0x1F640] =	vst v63  }
0x110: {  	_ =	swait.ge [sflag:s25], $0x1A00  }
0x111: {  	[sflag:s25] =	ssyncset.done $0x0  }
0x112: {  	s7 =	rddreg [dreg:$0x18];
	[sflag:s25] =	ssyncadd.s32 $0xFFFFE600  }
0x113: {  	[tilespmem:s5], [sflag:$0x15] =	stream.linear.gather [spmem:s7], $0x1A00, $0x38;
	[tilespmem:$0x1F640] =	vst v63  }
0x114: {  	_ =	swait.ge [sflag:s25], $0x1A00  }
0x115: {  	[sflag:s25] =	ssyncset.done $0x0  }
0x116: {  	s29 =	rddreg [dreg:$0x10];
	[sflag:s25] =	ssyncadd.s32 $0xFFFFE600  }
0x117: {  	[hbm4b:s29+s26] =	stream.strided.scatter [tilespmem:s5], [sflag:$0x15], $0x1A00, s8, s26, $0x38;
	[tilespmem:$0x1F640] =	vst v63  }
0x118: {  	_ =	swait.ge [sflag:s25], $0x1A00  }
0x119: {  	[sflag:s25] =	ssyncset.done $0x0  }
0x11a: {  	s1 =	simm.s32 @!p1 $0x14000;
	s5 =	rddreg [dreg:$0x19];
	[sflag:s25] =	ssyncadd.s32 $0xFFFFE600  }
0x11b: {  	[tilespmem:s1], [sflag:$0x15] =	stream.linear.gather @!p1 [spmem:s5], $0x400, $0x38;
	[tilespmem:$0x1F640] =	vst v63  }
0x11c: {  	s5 =	simm.s32 @!p1 $0x15  }
0x11d: {  	_ =	swait.ge @!p1 [sflag:s5], $0x400  }
0x11e: {  	s28 =	simm.s32 @!p1 $0x80;
	[sflag:s5] =	ssyncset.done @!p1 $0x0  }
0x11f: {  	s6 =	simm.s32 @!p1 $0x40;
	s29 =	rddreg [dreg:$0x1a];
	[sflag:s5] =	ssyncadd.s32 @!p1 $0xFFFFFC00  }
0x120: {  	[hbm4b:s29+s6] =	stream.strided.scatter @!p1 [tilespmem:s1], [sflag:$0x15], $0x400, s28, s6, $0x38;
	[tilespmem:$0x1F640] =	vst v63  }
0x121: {  	_ =	swait.ge @!p1 [sflag:s5], $0x400  }
0x122: {  	s28 =	rddreg [dreg:$0x8]  }
0x123: {  	s31 =	rddreg [dreg:$0x1b];
	s28 =	sadd.s32 $0x1, s28  }
0x124: {  	p3 =	sne.s32 s28, s31  }
.Ltmp4:
0x125: {  	_ = 	snop;
	(pc) =	sbr.rel @p3 .LBB2_1-.Ltmp4, $3  }
0x126: {  	_ =	sdelay $0x1  }
0x127: {  	[sflag:s5] =	ssyncset.done @!p1 $0x0  }
0x128: {  	s7 =	simm.s32 $0xB000;
	s6 =	simm.s32 $0xA000;
	[sflag:s5] =	ssyncadd.s32 @!p1 $0xFFFFFC00  }
0x129: {  	_ =	sfence.sel $0x180000  }
0x12a: {  	[bflag:$0x0] =	sbarrier.arrive $0xFFFF  }
0x12b: {  	_ =	strace $0x90000047  }
0x12c: {  	[bflag:$0x2] =	sbarrier.arrive $0xFFFF  }
0x12d: {  	s0 =	rddreg [dreg:$0x4]  }
0x12e: {  	s0 =	sadd.s32 @!p1 $0x100000, s0  }
0x12f: {  	[sflag:s0] =	ssyncadd.tile.s32 @!p1 $0x1;
	_ =	shalt  }
.Lfunc_end2:
_tile_overlayer_lowered:
.L_overlay_start_2:
0x130: {  	(tag) =	ssettag $0x2  }
0x131: {  	s0 =	rddreg [dreg:$0x0];
	s2 =	stileid.u32  }
0x132: {  	s1 =	rddreg [dreg:$0x1];
	p0 =	sne.s32 s2, $0x0  }
0x133: {  	s3 =	rddreg [dreg:$0x2];
	[bflag:$0x3] =	sbarrier.arrive $0xFFFF;
	s2 =	simm.s32 @!p0 $0x1C15  }
0x134: {  	[timem:s3], [sflag:s2] =	dma.local @!p0 [hbm:s0], s1  }
0x135: {  	s0 =	simm.s32 @!p0 $0x15  }
0x136: {  	_ =	swait.ge @!p0 [sflag:s0], s1  }
0x137: {  	s1 =	ssub.s32 @!p0 $0x0, s1;
	[sflag:s0] =	ssyncset.done @!p0 $0x0  }
0x138: {  	[sflag:s0] =	ssyncadd.s32 @!p0 s1  }
0x139: {  	[bflag:$0x3] =	sbarrier.arrive $0xFFFF  }
0x13a: {  	_ =	shalt  }

</sc_bundles>
